<compile_context>
chip_gen: v7x
topology: tpu7x:2x2x1
jax: 0.10.2.dev20260603
libtpu: 0.0.44.dev20260713+nightly
codegen_flags: <defaults>
</compile_context>

<pallas_src>
import functools

import jax
import jax.numpy as jnp
from jax import lax
from jax.experimental import pallas as pl
from jax.experimental.pallas import tpu as pltpu
from jax.experimental.pallas import tpu_sc as plsc

_L = 16


def _i0():
    return jnp.int32(0)


def _iota16():
    return lax.iota(jnp.int32, 16)


def _splat(x):
    return jnp.full((_L,), x, dtype=jnp.int32)


def _cummin(v):
    return -plsc.cummax(-v)


def _rev(v):
    return lax.rev(v, (0,))


def _sc_gamma_body(Tt, Ts, scores_hbm, gamma_hbm, read_hbm, write_hbm,
                   sc_v, col_v, fs_v, cs_v, best_v, gam_v, read_v):
    B = scores_hbm.shape[0]
    NC = 1
    nk = Ts // _L
    wid = lax.axis_index("s") * NC + lax.axis_index("c")

    @pl.when(wid < B)
    def _worker():
        pltpu.sync_copy(scores_hbm.at[wid], sc_v)

        iot = _iota16()
        fiot = [(_iota16() + k * _L).astype(jnp.float32) for k in range(nk)]
        R = [fiot[k] * (fiot[k] + 3.0) * (0.5 / Ts) for k in range(nk)]
        C = [fiot[k] * (fiot[k] + 1.0) * (0.5 / Ts) for k in range(nk)]
        row0 = [(fiot[k] + 1.0) * (fiot[k] + 2.0) * (0.5 / Ts) for k in range(nk)]
        rowT = [(Ts - fiot[k]) * (1.0 / Ts) for k in range(nk)]

        zer = _splat(0)
        for col, slot in ((0, 0), (Ts - 1, 1)):
            carry = jnp.float32(0.0)
            for k in range(Tt // _L):
                rows = iot + k * _L
                g = plsc.load_gather(sc_v, [rows, _splat(col)])
                x = -g
                col_v[slot, pl.ds(k * _L, _L)] = plsc.cumsum(x) + carry
                carry = carry + jnp.sum(x)

        for k in range(nk):
            fs_v[0, pl.ds(k * _L, _L)] = row0[k]

        def fwd_step(t, fs_prev):
            c0 = plsc.load_gather(col_v, [zer, _splat(t)])
            u = []
            for k in range(nk):
                srow = sc_v[t, pl.ds(k * _L, _L)]
                uk = fs_prev[k] - srow - R[k]
                if k == 0:
                    uk = jnp.where(iot == 0, c0, uk)
                u.append(uk)
            out = []
            carry = jnp.float32(jnp.inf)
            for k in range(nk):
                run = jnp.minimum(_cummin(u[k]), carry)
                carry = run[_L - 1]
                fk = run + R[k]
                fs_v[t + 1, pl.ds(k * _L, _L)] = fk
                out.append(fk)
            return tuple(out)

        lax.fori_loop(jnp.int32(0), jnp.int32(Tt), fwd_step, tuple(row0), unroll=False)

        for k in range(nk):
            cs_v[Tt, pl.ds(k * _L, _L)] = fs_v[Tt, pl.ds(k * _L, _L)] + rowT[k]

        def bwd_step(i, bs_next):
            t = Tt - 1 - i
            cL = plsc.load_gather(col_v, [_splat(1), _splat(Tt - 1 - t)])
            w = []
            for k in range(nk):
                srow = sc_v[t, pl.ds(k * _L, _L)]
                wk = bs_next[k] - srow + C[k]
                if k == nk - 1:
                    wk = jnp.where(iot == _L - 1, cL + C[nk - 1], wk)
                w.append(wk)
            out = []
            carry = jnp.float32(jnp.inf)
            for k in range(nk - 1, -1, -1):
                sfx = jnp.minimum(_rev(_cummin(_rev(w[k]))), carry)
                carry = sfx[0]
                bk = sfx - C[k]
                fk = fs_v[t, pl.ds(k * _L, _L)]
                cs_v[t, pl.ds(k * _L, _L)] = bk + fk
                out.append(bk)
            out.reverse()
            return tuple(out)

        lax.fori_loop(jnp.int32(0), jnp.int32(Tt), bwd_step, tuple(rowT), unroll=False)

        for k in range(Tt // _L):
            best_v[pl.ds(k * _L, _L)] = _splat(Ts - 1)
        lane0 = iot == 0

        def walk_step(_, tj):
            tv, jv = tj
            active = (tv < Tt) & (jv < Ts - 1)
            tc = jnp.minimum(tv, Tt - 1)
            jc = jnp.minimum(jv, Ts - 2)
            g_dn = plsc.load_gather(cs_v, [tc + 1, jc])
            g_rt = plsc.load_gather(cs_v, [tc, jc + 1])
            do_write = active & (g_dn <= g_rt)
            do_read = active & jnp.logical_not(do_write)
            plsc.store_scatter(best_v, [tc], jc, mask=do_write & lane0)
            tv = jnp.where(do_write, tv + 1, tv)
            jv = jnp.where(do_read, jv + 1, jv)
            return (tv, jv)

        lax.fori_loop(jnp.int32(0), jnp.int32(Tt + Ts - 1), walk_step, (_splat(0), _splat(0)),
                      unroll=False)

        def gamma_step(t, c):
            bvec = plsc.load_gather(best_v, [_splat(t)])
            for k in range(nk):
                gk = jnp.where(iot + k * _L >= bvec,
                               jnp.float32(1.0), jnp.float32(0.0))
                gam_v[t, pl.ds(k * _L, _L)] = gk
            return c

        lax.fori_loop(jnp.int32(0), jnp.int32(Tt), gamma_step, jnp.int32(0), unroll=False)

        def read_step(t, c):
            for k in range(nk):
                gk = gam_v[t + 1, pl.ds(k * _L, _L)]
                read_v[t, pl.ds(k * _L, _L)] = 1.0 - gk
            return c

        lax.fori_loop(jnp.int32(0), jnp.int32(Tt - 1), read_step, jnp.int32(0), unroll=False)

        pltpu.sync_copy(gam_v, gamma_hbm.at[wid])
        pltpu.sync_copy(read_v, read_hbm.at[wid])
        pltpu.sync_copy(gam_v.at[pl.ds(1, Tt - 1)], write_hbm.at[wid])


def _sc_gamma(scores):
    B, Tt, Ts = scores.shape
    mesh = plsc.VectorSubcoreMesh(core_axis_name="c", subcore_axis_name="s",
                                  num_cores=1, num_subcores=B)
    kern = pl.kernel(
        functools.partial(_sc_gamma_body, Tt, Ts),
        out_type=[
            jax.ShapeDtypeStruct((B, Tt, Ts), jnp.float32),
            jax.ShapeDtypeStruct((B, Tt - 1, Ts), jnp.float32),
            jax.ShapeDtypeStruct((B, Tt - 1, Ts), jnp.float32),
        ],
        mesh=mesh,
        compiler_params=pltpu.CompilerParams(needs_layout_passes=False),
        scratch_types=[
            pltpu.VMEM((Tt, Ts), jnp.float32),
            pltpu.VMEM((2, Tt), jnp.float32),
            pltpu.VMEM((Tt + 1, Ts), jnp.float32),
            pltpu.VMEM((Tt + 1, Ts), jnp.float32),
            pltpu.VMEM((Tt,), jnp.int32),
            pltpu.VMEM((Tt, Ts), jnp.float32),
            pltpu.VMEM((Tt - 1, Ts), jnp.float32),
        ],
    )
    return kern(scores)


def _tc_gate_body(obs_ref, w_ref, b_ref, s_ref, sx_ref):
    for g in range(obs_ref.shape[1]):
        x = jax.lax.dot_general(
            w_ref[...], obs_ref[0, g], (((1,), (1,)), ((), ())),
            preferred_element_type=jnp.float32,
        ) + b_ref[0, 0]
        s = jnp.minimum(x, 0.0) - jnp.log(1.0 + jnp.exp(-jnp.abs(x)))
        s_ref[0, pl.ds(g, 1)] = s
        sx_ref[0, pl.ds(g, 1)] = s - x


def _tc_gate(obs4, W, bc):
    nblk, ng, rows, Cdim = obs4.shape
    return pl.pallas_call(
        _tc_gate_body,
        grid=(nblk,),
        in_specs=[
            pl.BlockSpec((1, ng, rows, Cdim), lambda i: (i, _i0(), _i0(), _i0())),
            pl.BlockSpec((1, Cdim), lambda i: (_i0(), _i0())),
            pl.BlockSpec((1, 128), lambda i: (_i0(), _i0())),
        ],
        out_specs=[
            pl.BlockSpec((1, ng, rows), lambda i: (i, _i0(), _i0())),
            pl.BlockSpec((1, ng, rows), lambda i: (i, _i0(), _i0())),
        ],
        out_shape=[
            jax.ShapeDtypeStruct((nblk, ng, rows), jnp.float32),
            jax.ShapeDtypeStruct((nblk, ng, rows), jnp.float32),
        ],
    )(obs4, W, bc)


def kernel(observations, scores, W, b):
    B, Tt, Ts, Cdim = observations.shape
    rows_per_block = 2048
    nblk = (B * Tt * Ts) // rows_per_block
    obs4 = observations.reshape(nblk, 8, rows_per_block // 8, Cdim)
    bc = jnp.broadcast_to(b.reshape(1, 1), (1, 128)).astype(jnp.float32)
    gamma, read, write = _sc_gamma(scores)
    s_flat, sx_flat = _tc_gate(obs4, W, bc)
    s3 = s_flat.reshape(B, Tt, Ts)[:, : Tt - 1]
    sx3 = sx_flat.reshape(B, Tt, Ts)[:, : Tt - 1]
    controls = jnp.stack([s3, sx3], axis=-1)
    return (controls, gamma, read, write)

# --- scband reference (transcript-rebuilt; emitter-appended) ---
"""Pipeline reference for scband-fbcontrols-74680891343520 (READ-ONLY COPY).

The authoritative reference and input builder live on the scoring server;
editing this copy changes nothing except your own understanding.
"""

import jax, jax.numpy as jnp
from jax import lax
import numpy as np

jax.config.update("jax_enable_x64", True)

PENALTY = 1.0


def _oracle_gamma(scores, penalty):
    # Faithful JAX port of the torch.no_grad() dynamic program.
    B, Tt, Ts = scores.shape
    sc = -scores  # scores = -scores

    # Forward table.
    fs_row0 = penalty * jnp.cumsum(jnp.arange(1, Ts + 1, dtype=jnp.float64)) / Ts
    fs_row0 = jnp.broadcast_to(fs_row0, (B, Ts))
    col0 = jnp.cumsum(sc[:, :, 0], axis=-1)  # fs[:, t, 0] for t = 1..Tt
    r_fwd = penalty * (jnp.arange(1, Ts, dtype=jnp.float64) + 1.0) / Ts

    def fwd_step(fs_prev, x):
        sc_t, c0 = x
        a = fs_prev + sc_t

        def inner(carry, y):
            a_j, r_j = y
            v = jnp.minimum(a_j, carry + r_j)
            return v, v

        _, rest = lax.scan(inner, c0, (jnp.swapaxes(a[:, 1:], 0, 1), r_fwd))
        fs_t = jnp.concatenate([c0[:, None], jnp.swapaxes(rest, 0, 1)], axis=1)
        return fs_t, fs_t

    _, fs_rows = lax.scan(fwd_step, fs_row0, (jnp.swapaxes(sc, 0, 1), col0.T))
    fs = jnp.concatenate([fs_row0[None], fs_rows], axis=0)  # (Tt+1, B, Ts)

    # Backward table.
    bs_rowT = penalty * jnp.arange(Ts, 0, -1, dtype=jnp.float64) / Ts
    bs_rowT = jnp.broadcast_to(bs_rowT, (B, Ts))
    colL = jnp.flip(jnp.cumsum(sc[:, :, -1], axis=-1), axis=-1)  # bs[:, t, -1] for t = 0..Tt-1
    r_bwd = penalty * (jnp.arange(0, Ts - 1, dtype=jnp.float64) + 1.0) / Ts

    def bwd_step(bs_next, x):
        sc_t, cL = x
        a = bs_next + sc_t

        def inner(carry, y):
            a_j, r_j = y
            v = jnp.minimum(a_j, carry + r_j)
            return v, v

        _, vals = lax.scan(inner, cL, (jnp.swapaxes(a[:, : Ts - 1], 0, 1), r_bwd), reverse=True)
        bs_t = jnp.concatenate([jnp.swapaxes(vals, 0, 1), cL[:, None]], axis=1)
        return bs_t, bs_t

    _, bs_rows = lax.scan(bwd_step, bs_rowT, (jnp.swapaxes(sc, 0, 1), colL.T), reverse=True)
    bs = jnp.concatenate([bs_rows, bs_rowT[None]], axis=0)  # (Tt+1, B, Ts)

    cs = jnp.transpose(fs + bs, (1, 0, 2))  # (B, Tt+1, Ts)

    def path(cs_b):
        def step(i, state):
            t, j, best = state
            active = (t < Tt) & (j < Ts - 1)
            tc = jnp.minimum(t, Tt - 1)
            jc = jnp.minimum(j, Ts - 2)
            do_write = active & (cs_b[tc + 1, jc] <= cs_b[tc, jc + 1])
            do_read = active & jnp.logical_not(do_write)
            best = best.at[jnp.where(do_write, t, Tt)].set(j, mode="drop")
            t = jnp.where(do_write, t + 1, t)
            j = jnp.where(do_read, j + 1, j)
            return (t, j, best)

        t0 = jnp.zeros((), dtype=jnp.int32)
        j0 = jnp.zeros((), dtype=jnp.int32)
        best0 = jnp.full((Tt,), Ts - 1, dtype=jnp.int32)
        _, _, best = lax.fori_loop(0, Tt + Ts - 1, step, (t0, j0, best0))
        gamma_b = jnp.zeros((Tt, Ts), dtype=jnp.float32)
        gamma_b = gamma_b.at[jnp.arange(Tt), best].set(1.0)  # scatter_(-1, best_context, 1.0)
        return gamma_b

    gamma = jax.vmap(path)(cs)
    return gamma


def setup_inputs(seed: int = 0) -> dict:
    key = jax.random.key(seed)
    k1, k2, k3 = jax.random.split(key, 3)
    B, Tt, Ts, C = 8, 64, 64, 1024
    observations = jax.random.normal(k1, (B, Tt, Ts, C), dtype=jnp.float32)
    scores = jax.random.normal(k2, (B, Tt, Ts), dtype=jnp.float32)
    # gate: nn.Linear(C, 1), weight ~ N(0, 1/C), bias = 0
    W = jax.random.normal(k3, (1, C), dtype=jnp.float32) * (1.0 / C)
    b = jnp.zeros((1,), dtype=jnp.float32)
    return {"observations": observations, "scores": scores, "W": W, "b": b}


def reference(observations, scores, W, b):
    # predict_read_write
    x = observations @ W.T + b  # (B, Tt, Ts, 1)
    s = jax.nn.log_sigmoid(x)
    controls = jnp.concatenate((s, s - x), axis=-1).astype(jnp.float32)  # (B, Tt, Ts, 2)
    # oracle alignment (no_grad block): constant w.r.t. autodiff
    gamma0 = _oracle_gamma(scores.astype(jnp.float64), PENALTY)
    # write_right=True, delta_control=False branch
    gamma = jnp.cumsum(gamma0, axis=-1)
    write = gamma[:, 1:]
    read = 1.0 - write
    return (controls[:, :-1], gamma, read, write)

if __name__ == "__main__":
    import jax
    _d = setup_inputs()
    print(jax.jit(kernel)(*tuple(_d.values())))

</pallas_src>

<mosaic_0001>
#map = affine_map<(d0, d1) -> (0, 0, 0)>
module attributes {stable_mosaic.version = 14 : i64} {
  func.func @_sc_gamma_body(%arg0: i32, %arg1: i32, %arg2: memref<8x64x64xf32, #tpu.memory_space<hbm>>, %arg3: memref<8x64x64xf32, #tpu.memory_space<hbm>>, %arg4: memref<8x63x64xf32, #tpu.memory_space<hbm>>, %arg5: memref<8x63x64xf32, #tpu.memory_space<hbm>>, %arg6: memref<64x64xf32, #tpu.memory_space<vmem>>, %arg7: memref<2x64xf32, #tpu.memory_space<vmem>>, %arg8: memref<65x64xf32, #tpu.memory_space<vmem>>, %arg9: memref<65x64xf32, #tpu.memory_space<vmem>>, %arg10: memref<64xi32, #tpu.memory_space<vmem>>, %arg11: memref<64x64xf32, #tpu.memory_space<vmem>>, %arg12: memref<63x64xf32, #tpu.memory_space<vmem>>) attributes {dimension_semantics = [#tpu.dimension_semantics<core_parallel>, #tpu.dimension_semantics<subcore_parallel>], iteration_bounds = array<i64: 1, 8>, scalar_prefetch = 0 : i64, scratch_operands = 7 : i64, tpu.core_type = #tpu.core_type<sc_vector_subcore>, window_params = [{transform_indices = #map}, {transform_indices = #map}, {transform_indices = #map}, {transform_indices = #map}]} {
    %mul3A = arith.constant 1 : i32
    %mul3A_0 = arith.muli %arg1, %mul3A : i32
    %add3A = arith.addi %mul3A_0, %arg0 : i32
    %lt3A = arith.constant 8 : i32
    %lt3A_1 = arith.cmpi slt, %add3A, %lt3A : i32
    %convert_element_type3A = arith.extui %lt3A_1 : i1 to i32
    %cond3A = arith.constant 0 : i32
    %cond3A_2 = arith.cmpi ne, %convert_element_type3A, %cond3A : i32
    scf.if %cond3A_2 {
      "tpu.region"() ({
        %run_scoped3A = tpu.sem_alloc : memref<!tpu.dma_semaphore, #tpu.memory_space<semaphore_mem>>
        %dma_start3A = arith.constant 0 : i32
        %dma_start3A_456 = arith.constant 0 : i32
        %dma_start3A_457 = tpu.memref_slice %arg2[%add3A, %dma_start3A, %dma_start3A_456] : memref<8x64x64xf32, #tpu.memory_space<hbm>> -> memref<1x64x64xf32, #tpu.memory_space<hbm>>
        %dma_start3A_458 = tpu.memref_squeeze %dma_start3A_457 : memref<1x64x64xf32, #tpu.memory_space<hbm>> -> memref<64x64xf32, #tpu.memory_space<hbm>>
        %dma_start3A_459 = arith.constant 0 : i32
        %dma_start3A_460 = arith.constant 0 : i32
        %dma_start3A_461 = tpu.memref_slice %arg2[%add3A, %dma_start3A_459, %dma_start3A_460] : memref<8x64x64xf32, #tpu.memory_space<hbm>> -> memref<1x64x64xf32, #tpu.memory_space<hbm>>
        %dma_start3A_462 = tpu.memref_squeeze %dma_start3A_461 : memref<1x64x64xf32, #tpu.memory_space<hbm>> -> memref<64x64xf32, #tpu.memory_space<hbm>>
        tpu.enqueue_dma source(%dma_start3A_462 : memref<64x64xf32, #tpu.memory_space<hbm>>) target(%arg6 : memref<64x64xf32, #tpu.memory_space<vmem>>) target_semaphore(%run_scoped3A : memref<!tpu.dma_semaphore, #tpu.memory_space<semaphore_mem>>)
        %dma_wait3A = arith.constant 0 : i32
        %dma_wait3A_463 = arith.constant 0 : i32
        %dma_wait3A_464 = tpu.memref_slice %arg2[%add3A, %dma_wait3A, %dma_wait3A_463] : memref<8x64x64xf32, #tpu.memory_space<hbm>> -> memref<1x64x64xf32, #tpu.memory_space<hbm>>
        %dma_wait3A_465 = tpu.memref_squeeze %dma_wait3A_464 : memref<1x64x64xf32, #tpu.memory_space<hbm>> -> memref<64x64xf32, #tpu.memory_space<hbm>>
        %dma_wait3A_466 = arith.constant 0 : i32
        %dma_wait3A_467 = arith.constant 0 : i32
        %dma_wait3A_468 = tpu.memref_slice %arg2[%add3A, %dma_wait3A_466, %dma_wait3A_467] : memref<8x64x64xf32, #tpu.memory_space<hbm>> -> memref<1x64x64xf32, #tpu.memory_space<hbm>>
        %dma_wait3A_469 = tpu.memref_squeeze %dma_wait3A_468 : memref<1x64x64xf32, #tpu.memory_space<hbm>> -> memref<64x64xf32, #tpu.memory_space<hbm>>
        tpu.wait_dma2 semaphore(%run_scoped3A : memref<!tpu.dma_semaphore, #tpu.memory_space<semaphore_mem>>) src(%dma_wait3A_469 : memref<64x64xf32, #tpu.memory_space<hbm>>) dst(%arg6 : memref<64x64xf32, #tpu.memory_space<vmem>>)
        tpu.yield
      }) : () -> ()
      %iota3A = tpu.iota {dimensions = array<i32: 0>} : vector<16xi32>
      %iota3A_3 = tpu.iota {dimensions = array<i32: 0>} : vector<16xi32>
      %add3A_4 = arith.constant 0 : i32
      %add3A_5 = vector.broadcast %add3A_4 : i32 to vector<16xi32>
      %add3A_6 = arith.addi %iota3A_3, %add3A_5 : vector<16xi32>
      %convert_element_type3A_7 = arith.sitofp %add3A_6 : vector<16xi32> to vector<16xf32>
      %iota3A_8 = tpu.iota {dimensions = array<i32: 0>} : vector<16xi32>
      %add3A_9 = arith.constant 16 : i32
      %add3A_10 = vector.broadcast %add3A_9 : i32 to vector<16xi32>
      %add3A_11 = arith.addi %iota3A_8, %add3A_10 : vector<16xi32>
      %convert_element_type3A_12 = arith.sitofp %add3A_11 : vector<16xi32> to vector<16xf32>
      %iota3A_13 = tpu.iota {dimensions = array<i32: 0>} : vector<16xi32>
      %add3A_14 = arith.constant 32 : i32
      %add3A_15 = vector.broadcast %add3A_14 : i32 to vector<16xi32>
      %add3A_16 = arith.addi %iota3A_13, %add3A_15 : vector<16xi32>
      %convert_element_type3A_17 = arith.sitofp %add3A_16 : vector<16xi32> to vector<16xf32>
      %iota3A_18 = tpu.iota {dimensions = array<i32: 0>} : vector<16xi32>
      %add3A_19 = arith.constant 48 : i32
      %add3A_20 = vector.broadcast %add3A_19 : i32 to vector<16xi32>
      %add3A_21 = arith.addi %iota3A_18, %add3A_20 : vector<16xi32>
      %convert_element_type3A_22 = arith.sitofp %add3A_21 : vector<16xi32> to vector<16xf32>
      %add3A_23 = arith.constant 3.000000e+00 : f32
      %add3A_24 = vector.broadcast %add3A_23 : f32 to vector<16xf32>
      %add3A_25 = arith.addf %convert_element_type3A_7, %add3A_24 : vector<16xf32>
      %mul3A_26 = arith.mulf %convert_element_type3A_7, %add3A_25 : vector<16xf32>
      %mul3A_27 = arith.constant 7.812500e-03 : f32
      %mul3A_28 = vector.broadcast %mul3A_27 : f32 to vector<16xf32>
      %mul3A_29 = arith.mulf %mul3A_26, %mul3A_28 : vector<16xf32>
      %add3A_30 = arith.constant 3.000000e+00 : f32
      %add3A_31 = vector.broadcast %add3A_30 : f32 to vector<16xf32>
      %add3A_32 = arith.addf %convert_element_type3A_12, %add3A_31 : vector<16xf32>
      %mul3A_33 = arith.mulf %convert_element_type3A_12, %add3A_32 : vector<16xf32>
      %mul3A_34 = arith.constant 7.812500e-03 : f32
      %mul3A_35 = vector.broadcast %mul3A_34 : f32 to vector<16xf32>
      %mul3A_36 = arith.mulf %mul3A_33, %mul3A_35 : vector<16xf32>
      %add3A_37 = arith.constant 3.000000e+00 : f32
      %add3A_38 = vector.broadcast %add3A_37 : f32 to vector<16xf32>
      %add3A_39 = arith.addf %convert_element_type3A_17, %add3A_38 : vector<16xf32>
      %mul3A_40 = arith.mulf %convert_element_type3A_17, %add3A_39 : vector<16xf32>
      %mul3A_41 = arith.constant 7.812500e-03 : f32
      %mul3A_42 = vector.broadcast %mul3A_41 : f32 to vector<16xf32>
      %mul3A_43 = arith.mulf %mul3A_40, %mul3A_42 : vector<16xf32>
      %add3A_44 = arith.constant 3.000000e+00 : f32
      %add3A_45 = vector.broadcast %add3A_44 : f32 to vector<16xf32>
      %add3A_46 = arith.addf %convert_element_type3A_22, %add3A_45 : vector<16xf32>
      %mul3A_47 = arith.mulf %convert_element_type3A_22, %add3A_46 : vector<16xf32>
      %mul3A_48 = arith.constant 7.812500e-03 : f32
      %mul3A_49 = vector.broadcast %mul3A_48 : f32 to vector<16xf32>
      %mul3A_50 = arith.mulf %mul3A_47, %mul3A_49 : vector<16xf32>
      %add3A_51 = arith.constant 1.000000e+00 : f32
      %add3A_52 = vector.broadcast %add3A_51 : f32 to vector<16xf32>
      %add3A_53 = arith.addf %convert_element_type3A_7, %add3A_52 : vector<16xf32>
      %mul3A_54 = arith.mulf %convert_element_type3A_7, %add3A_53 : vector<16xf32>
      %mul3A_55 = arith.constant 7.812500e-03 : f32
      %mul3A_56 = vector.broadcast %mul3A_55 : f32 to vector<16xf32>
      %mul3A_57 = arith.mulf %mul3A_54, %mul3A_56 : vector<16xf32>
      %add3A_58 = arith.constant 1.000000e+00 : f32
      %add3A_59 = vector.broadcast %add3A_58 : f32 to vector<16xf32>
      %add3A_60 = arith.addf %convert_element_type3A_12, %add3A_59 : vector<16xf32>
      %mul3A_61 = arith.mulf %convert_element_type3A_12, %add3A_60 : vector<16xf32>
      %mul3A_62 = arith.constant 7.812500e-03 : f32
      %mul3A_63 = vector.broadcast %mul3A_62 : f32 to vector<16xf32>
      %mul3A_64 = arith.mulf %mul3A_61, %mul3A_63 : vector<16xf32>
      %add3A_65 = arith.constant 1.000000e+00 : f32
      %add3A_66 = vector.broadcast %add3A_65 : f32 to vector<16xf32>
      %add3A_67 = arith.addf %convert_element_type3A_17, %add3A_66 : vector<16xf32>
      %mul3A_68 = arith.mulf %convert_element_type3A_17, %add3A_67 : vector<16xf32>
      %mul3A_69 = arith.constant 7.812500e-03 : f32
      %mul3A_70 = vector.broadcast %mul3A_69 : f32 to vector<16xf32>
      %mul3A_71 = arith.mulf %mul3A_68, %mul3A_70 : vector<16xf32>
      %add3A_72 = arith.constant 1.000000e+00 : f32
      %add3A_73 = vector.broadcast %add3A_72 : f32 to vector<16xf32>
      %add3A_74 = arith.addf %convert_element_type3A_22, %add3A_73 : vector<16xf32>
      %mul3A_75 = arith.mulf %convert_element_type3A_22, %add3A_74 : vector<16xf32>
      %mul3A_76 = arith.constant 7.812500e-03 : f32
      %mul3A_77 = vector.broadcast %mul3A_76 : f32 to vector<16xf32>
      %mul3A_78 = arith.mulf %mul3A_75, %mul3A_77 : vector<16xf32>
      %add3A_79 = arith.constant 1.000000e+00 : f32
      %add3A_80 = vector.broadcast %add3A_79 : f32 to vector<16xf32>
      %add3A_81 = arith.addf %convert_element_type3A_7, %add3A_80 : vector<16xf32>
      %add3A_82 = arith.constant 2.000000e+00 : f32
      %add3A_83 = vector.broadcast %add3A_82 : f32 to vector<16xf32>
      %add3A_84 = arith.addf %convert_element_type3A_7, %add3A_83 : vector<16xf32>
      %mul3A_85 = arith.mulf %add3A_81, %add3A_84 : vector<16xf32>
      %mul3A_86 = arith.constant 7.812500e-03 : f32
      %mul3A_87 = vector.broadcast %mul3A_86 : f32 to vector<16xf32>
      %mul3A_88 = arith.mulf %mul3A_85, %mul3A_87 : vector<16xf32>
      %add3A_89 = arith.constant 1.000000e+00 : f32
      %add3A_90 = vector.broadcast %add3A_89 : f32 to vector<16xf32>
      %add3A_91 = arith.addf %convert_element_type3A_12, %add3A_90 : vector<16xf32>
      %add3A_92 = arith.constant 2.000000e+00 : f32
      %add3A_93 = vector.broadcast %add3A_92 : f32 to vector<16xf32>
      %add3A_94 = arith.addf %convert_element_type3A_12, %add3A_93 : vector<16xf32>
      %mul3A_95 = arith.mulf %add3A_91, %add3A_94 : vector<16xf32>
      %mul3A_96 = arith.constant 7.812500e-03 : f32
      %mul3A_97 = vector.broadcast %mul3A_96 : f32 to vector<16xf32>
      %mul3A_98 = arith.mulf %mul3A_95, %mul3A_97 : vector<16xf32>
      %add3A_99 = arith.constant 1.000000e+00 : f32
      %add3A_100 = vector.broadcast %add3A_99 : f32 to vector<16xf32>
      %add3A_101 = arith.addf %convert_element_type3A_17, %add3A_100 : vector<16xf32>
      %add3A_102 = arith.constant 2.000000e+00 : f32
      %add3A_103 = vector.broadcast %add3A_102 : f32 to vector<16xf32>
      %add3A_104 = arith.addf %convert_element_type3A_17, %add3A_103 : vector<16xf32>
      %mul3A_105 = arith.mulf %add3A_101, %add3A_104 : vector<16xf32>
      %mul3A_106 = arith.constant 7.812500e-03 : f32
      %mul3A_107 = vector.broadcast %mul3A_106 : f32 to vector<16xf32>
      %mul3A_108 = arith.mulf %mul3A_105, %mul3A_107 : vector<16xf32>
      %add3A_109 = arith.constant 1.000000e+00 : f32
      %add3A_110 = vector.broadcast %add3A_109 : f32 to vector<16xf32>
      %add3A_111 = arith.addf %convert_element_type3A_22, %add3A_110 : vector<16xf32>
      %add3A_112 = arith.constant 2.000000e+00 : f32
      %add3A_113 = vector.broadcast %add3A_112 : f32 to vector<16xf32>
      %add3A_114 = arith.addf %convert_element_type3A_22, %add3A_113 : vector<16xf32>
      %mul3A_115 = arith.mulf %add3A_111, %add3A_114 : vector<16xf32>
      %mul3A_116 = arith.constant 7.812500e-03 : f32
      %mul3A_117 = vector.broadcast %mul3A_116 : f32 to vector<16xf32>
      %mul3A_118 = arith.mulf %mul3A_115, %mul3A_117 : vector<16xf32>
      %sub3A = arith.constant 6.400000e+01 : f32
      %sub3A_119 = vector.broadcast %sub3A : f32 to vector<16xf32>
      %sub3A_120 = arith.subf %sub3A_119, %convert_element_type3A_7 : vector<16xf32>
      %mul3A_121 = arith.constant 1.562500e-02 : f32
      %mul3A_122 = vector.broadcast %mul3A_121 : f32 to vector<16xf32>
      %mul3A_123 = arith.mulf %sub3A_120, %mul3A_122 : vector<16xf32>
      %sub3A_124 = arith.constant 6.400000e+01 : f32
      %sub3A_125 = vector.broadcast %sub3A_124 : f32 to vector<16xf32>
      %sub3A_126 = arith.subf %sub3A_125, %convert_element_type3A_12 : vector<16xf32>
      %mul3A_127 = arith.constant 1.562500e-02 : f32
      %mul3A_128 = vector.broadcast %mul3A_127 : f32 to vector<16xf32>
      %mul3A_129 = arith.mulf %sub3A_126, %mul3A_128 : vector<16xf32>
      %sub3A_130 = arith.constant 6.400000e+01 : f32
      %sub3A_131 = vector.broadcast %sub3A_130 : f32 to vector<16xf32>
      %sub3A_132 = arith.subf %sub3A_131, %convert_element_type3A_17 : vector<16xf32>
      %mul3A_133 = arith.constant 1.562500e-02 : f32
      %mul3A_134 = vector.broadcast %mul3A_133 : f32 to vector<16xf32>
      %mul3A_135 = arith.mulf %sub3A_132, %mul3A_134 : vector<16xf32>
      %sub3A_136 = arith.constant 6.400000e+01 : f32
      %sub3A_137 = vector.broadcast %sub3A_136 : f32 to vector<16xf32>
      %sub3A_138 = arith.subf %sub3A_137, %convert_element_type3A_22 : vector<16xf32>
      %mul3A_139 = arith.constant 1.562500e-02 : f32
      %mul3A_140 = vector.broadcast %mul3A_139 : f32 to vector<16xf32>
      %mul3A_141 = arith.mulf %sub3A_138, %mul3A_140 : vector<16xf32>
      %broadcast_in_dim3A = arith.constant 0 : i32
      %broadcast_in_dim3A_142 = vector.broadcast %broadcast_in_dim3A : i32 to vector<16xi32>
      %add3A_143 = arith.constant 0 : i32
      %add3A_144 = vector.broadcast %add3A_143 : i32 to vector<16xi32>
      %add3A_145 = arith.addi %iota3A, %add3A_144 : vector<16xi32>
      %broadcast_in_dim3A_146 = arith.constant 0 : i32
      %broadcast_in_dim3A_147 = vector.broadcast %broadcast_in_dim3A_146 : i32 to vector<16xi32>
      %gather3A = tpu.vector_load_idx %arg6[%add3A_145, %broadcast_in_dim3A_147] : memref<64x64xf32, #tpu.memory_space<vmem>>[vector<16xi32>, vector<16xi32>], vector<16xf32>,
      %neg3A = arith.constant 0.000000e+00 : f32
      %neg3A_148 = vector.broadcast %neg3A : f32 to vector<16xf32>
      %neg3A_149 = arith.subf %neg3A_148, %gather3A : vector<16xf32>
      %broadcast_in_dim3A_150 = arith.constant true
      %broadcast_in_dim3A_151 = vector.broadcast %broadcast_in_dim3A_150 : i1 to vector<16xi1>
      %masked_cumsum3A = tpu.scan <sum>, %neg3A_149 masked %broadcast_in_dim3A_151 : vector<16xf32>, vector<16xi1> -> vector<16xf32>
      %add3A_152 = arith.constant 0.000000e+00 : f32
      %add3A_153 = vector.broadcast %add3A_152 : f32 to vector<16xf32>
      %add3A_154 = arith.addf %masked_cumsum3A, %add3A_153 : vector<16xf32>
      %swap3A = arith.constant 0 : i64
      %swap3A_155 = arith.index_cast %swap3A : i64 to index
      %swap3A_156 = arith.constant 0 : index
      %swap3A_157 = tpu.vector_load %arg7[%swap3A_155, %swap3A_156] {strides = array<i32>} : memref<2x64xf32, #tpu.memory_space<vmem>>, vector<16xf32>,
      tpu.vector_store %arg7[%swap3A_155, %swap3A_156], %add3A_154 {strides = array<i32>} : memref<2x64xf32, #tpu.memory_space<vmem>>, vector<16xf32>,
      %reduce_sum3A = arith.constant true
      %reduce_sum3A_158 = vector.broadcast %reduce_sum3A : i1 to vector<16xi1>
      %reduce_sum3A_159 = tpu.scan <sum>, %neg3A_149 masked %reduce_sum3A_158 : vector<16xf32>, vector<16xi1> -> vector<16xf32>
      %reduce_sum3A_160 = vector.extract %reduce_sum3A_159[15] : f32 from vector<16xf32>
      %add3A_161 = arith.constant 0.000000e+00 : f32
      %add3A_162 = arith.addf %add3A_161, %reduce_sum3A_160 : f32
      %add3A_163 = arith.constant 16 : i32
      %add3A_164 = vector.broadcast %add3A_163 : i32 to vector<16xi32>
      %add3A_165 = arith.addi %iota3A, %add3A_164 : vector<16xi32>
      %broadcast_in_dim3A_166 = arith.constant 0 : i32
      %broadcast_in_dim3A_167 = vector.broadcast %broadcast_in_dim3A_166 : i32 to vector<16xi32>
      %gather3A_168 = tpu.vector_load_idx %arg6[%add3A_165, %broadcast_in_dim3A_167] : memref<64x64xf32, #tpu.memory_space<vmem>>[vector<16xi32>, vector<16xi32>], vector<16xf32>,
      %neg3A_169 = arith.constant 0.000000e+00 : f32
      %neg3A_170 = vector.broadcast %neg3A_169 : f32 to vector<16xf32>
      %neg3A_171 = arith.subf %neg3A_170, %gather3A_168 : vector<16xf32>
      %broadcast_in_dim3A_172 = arith.constant true
      %broadcast_in_dim3A_173 = vector.broadcast %broadcast_in_dim3A_172 : i1 to vector<16xi1>
      %masked_cumsum3A_174 = tpu.scan <sum>, %neg3A_171 masked %broadcast_in_dim3A_173 : vector<16xf32>, vector<16xi1> -> vector<16xf32>
      %add3A_175 = vector.broadcast %add3A_162 : f32 to vector<16xf32>
      %add3A_176 = arith.addf %masked_cumsum3A_174, %add3A_175 : vector<16xf32>
      %swap3A_177 = arith.constant 0 : i64
      %swap3A_178 = arith.index_cast %swap3A_177 : i64 to index
      %swap3A_179 = arith.constant 16 : index
      %swap3A_180 = tpu.vector_load %arg7[%swap3A_178, %swap3A_179] {strides = array<i32>} : memref<2x64xf32, #tpu.memory_space<vmem>>, vector<16xf32>,
      tpu.vector_store %arg7[%swap3A_178, %swap3A_179], %add3A_176 {strides = array<i32>} : memref<2x64xf32, #tpu.memory_space<vmem>>, vector<16xf32>,
      %reduce_sum3A_181 = arith.constant true
      %reduce_sum3A_182 = vector.broadcast %reduce_sum3A_181 : i1 to vector<16xi1>
      %reduce_sum3A_183 = tpu.scan <sum>, %neg3A_171 masked %reduce_sum3A_182 : vector<16xf32>, vector<16xi1> -> vector<16xf32>
      %reduce_sum3A_184 = vector.extract %reduce_sum3A_183[15] : f32 from vector<16xf32>
      %add3A_185 = arith.addf %add3A_162, %reduce_sum3A_184 : f32
      %add3A_186 = arith.constant 32 : i32
      %add3A_187 = vector.broadcast %add3A_186 : i32 to vector<16xi32>
      %add3A_188 = arith.addi %iota3A, %add3A_187 : vector<16xi32>
      %broadcast_in_dim3A_189 = arith.constant 0 : i32
      %broadcast_in_dim3A_190 = vector.broadcast %broadcast_in_dim3A_189 : i32 to vector<16xi32>
      %gather3A_191 = tpu.vector_load_idx %arg6[%add3A_188, %broadcast_in_dim3A_190] : memref<64x64xf32, #tpu.memory_space<vmem>>[vector<16xi32>, vector<16xi32>], vector<16xf32>,
      %neg3A_192 = arith.constant 0.000000e+00 : f32
      %neg3A_193 = vector.broadcast %neg3A_192 : f32 to vector<16xf32>
      %neg3A_194 = arith.subf %neg3A_193, %gather3A_191 : vector<16xf32>
      %broadcast_in_dim3A_195 = arith.constant true
      %broadcast_in_dim3A_196 = vector.broadcast %broadcast_in_dim3A_195 : i1 to vector<16xi1>
      %masked_cumsum3A_197 = tpu.scan <sum>, %neg3A_194 masked %broadcast_in_dim3A_196 : vector<16xf32>, vector<16xi1> -> vector<16xf32>
      %add3A_198 = vector.broadcast %add3A_185 : f32 to vector<16xf32>
      %add3A_199 = arith.addf %masked_cumsum3A_197, %add3A_198 : vector<16xf32>
      %swap3A_200 = arith.constant 0 : i64
      %swap3A_201 = arith.index_cast %swap3A_200 : i64 to index
      %swap3A_202 = arith.constant 32 : index
      %swap3A_203 = tpu.vector_load %arg7[%swap3A_201, %swap3A_202] {strides = array<i32>} : memref<2x64xf32, #tpu.memory_space<vmem>>, vector<16xf32>,
      tpu.vector_store %arg7[%swap3A_201, %swap3A_202], %add3A_199 {strides = array<i32>} : memref<2x64xf32, #tpu.memory_space<vmem>>, vector<16xf32>,
      %reduce_sum3A_204 = arith.constant true
      %reduce_sum3A_205 = vector.broadcast %reduce_sum3A_204 : i1 to vector<16xi1>
      %reduce_sum3A_206 = tpu.scan <sum>, %neg3A_194 masked %reduce_sum3A_205 : vector<16xf32>, vector<16xi1> -> vector<16xf32>
      %reduce_sum3A_207 = vector.extract %reduce_sum3A_206[15] : f32 from vector<16xf32>
      %add3A_208 = arith.addf %add3A_185, %reduce_sum3A_207 : f32
      %add3A_209 = arith.constant 48 : i32
      %add3A_210 = vector.broadcast %add3A_209 : i32 to vector<16xi32>
      %add3A_211 = arith.addi %iota3A, %add3A_210 : vector<16xi32>
      %broadcast_in_dim3A_212 = arith.constant 0 : i32
      %broadcast_in_dim3A_213 = vector.broadcast %broadcast_in_dim3A_212 : i32 to vector<16xi32>
      %gather3A_214 = tpu.vector_load_idx %arg6[%add3A_211, %broadcast_in_dim3A_213] : memref<64x64xf32, #tpu.memory_space<vmem>>[vector<16xi32>, vector<16xi32>], vector<16xf32>,
      %neg3A_215 = arith.constant 0.000000e+00 : f32
      %neg3A_216 = vector.broadcast %neg3A_215 : f32 to vector<16xf32>
      %neg3A_217 = arith.subf %neg3A_216, %gather3A_214 : vector<16xf32>
      %broadcast_in_dim3A_218 = arith.constant true
      %broadcast_in_dim3A_219 = vector.broadcast %broadcast_in_dim3A_218 : i1 to vector<16xi1>
      %masked_cumsum3A_220 = tpu.scan <sum>, %neg3A_217 masked %broadcast_in_dim3A_219 : vector<16xf32>, vector<16xi1> -> vector<16xf32>
      %add3A_221 = vector.broadcast %add3A_208 : f32 to vector<16xf32>
      %add3A_222 = arith.addf %masked_cumsum3A_220, %add3A_221 : vector<16xf32>
      %swap3A_223 = arith.constant 0 : i64
      %swap3A_224 = arith.index_cast %swap3A_223 : i64 to index
      %swap3A_225 = arith.constant 48 : index
      %swap3A_226 = tpu.vector_load %arg7[%swap3A_224, %swap3A_225] {strides = array<i32>} : memref<2x64xf32, #tpu.memory_space<vmem>>, vector<16xf32>,
      tpu.vector_store %arg7[%swap3A_224, %swap3A_225], %add3A_222 {strides = array<i32>} : memref<2x64xf32, #tpu.memory_space<vmem>>, vector<16xf32>,
      %reduce_sum3A_227 = arith.constant true
      %reduce_sum3A_228 = vector.broadcast %reduce_sum3A_227 : i1 to vector<16xi1>
      %reduce_sum3A_229 = tpu.scan <sum>, %neg3A_217 masked %reduce_sum3A_228 : vector<16xf32>, vector<16xi1> -> vector<16xf32>
      %reduce_sum3A_230 = vector.extract %reduce_sum3A_229[15] : f32 from vector<16xf32>
      %add3A_231 = arith.addf %add3A_208, %reduce_sum3A_230 : f32
      %add3A_232 = arith.constant 0 : i32
      %add3A_233 = vector.broadcast %add3A_232 : i32 to vector<16xi32>
      %add3A_234 = arith.addi %iota3A, %add3A_233 : vector<16xi32>
      %broadcast_in_dim3A_235 = arith.constant 63 : i32
      %broadcast_in_dim3A_236 = vector.broadcast %broadcast_in_dim3A_235 : i32 to vector<16xi32>
      %gather3A_237 = tpu.vector_load_idx %arg6[%add3A_234, %broadcast_in_dim3A_236] : memref<64x64xf32, #tpu.memory_space<vmem>>[vector<16xi32>, vector<16xi32>], vector<16xf32>,
      %neg3A_238 = arith.constant 0.000000e+00 : f32
      %neg3A_239 = vector.broadcast %neg3A_238 : f32 to vector<16xf32>
      %neg3A_240 = arith.subf %neg3A_239, %gather3A_237 : vector<16xf32>
      %broadcast_in_dim3A_241 = arith.constant true
      %broadcast_in_dim3A_242 = vector.broadcast %broadcast_in_dim3A_241 : i1 to vector<16xi1>
      %masked_cumsum3A_243 = tpu.scan <sum>, %neg3A_240 masked %broadcast_in_dim3A_242 : vector<16xf32>, vector<16xi1> -> vector<16xf32>
      %add3A_244 = arith.constant 0.000000e+00 : f32
      %add3A_245 = vector.broadcast %add3A_244 : f32 to vector<16xf32>
      %add3A_246 = arith.addf %masked_cumsum3A_243, %add3A_245 : vector<16xf32>
      %swap3A_247 = arith.constant 1 : i64
      %swap3A_248 = arith.index_cast %swap3A_247 : i64 to index
      %swap3A_249 = arith.constant 0 : index
      %swap3A_250 = tpu.vector_load %arg7[%swap3A_248, %swap3A_249] {strides = array<i32>} : memref<2x64xf32, #tpu.memory_space<vmem>>, vector<16xf32>,
      tpu.vector_store %arg7[%swap3A_248, %swap3A_249], %add3A_246 {strides = array<i32>} : memref<2x64xf32, #tpu.memory_space<vmem>>, vector<16xf32>,
      %reduce_sum3A_251 = arith.constant true
      %reduce_sum3A_252 = vector.broadcast %reduce_sum3A_251 : i1 to vector<16xi1>
      %reduce_sum3A_253 = tpu.scan <sum>, %neg3A_240 masked %reduce_sum3A_252 : vector<16xf32>, vector<16xi1> -> vector<16xf32>
      %reduce_sum3A_254 = vector.extract %reduce_sum3A_253[15] : f32 from vector<16xf32>
      %add3A_255 = arith.constant 0.000000e+00 : f32
      %add3A_256 = arith.addf %add3A_255, %reduce_sum3A_254 : f32
      %add3A_257 = arith.constant 16 : i32
      %add3A_258 = vector.broadcast %add3A_257 : i32 to vector<16xi32>
      %add3A_259 = arith.addi %iota3A, %add3A_258 : vector<16xi32>
      %broadcast_in_dim3A_260 = arith.constant 63 : i32
      %broadcast_in_dim3A_261 = vector.broadcast %broadcast_in_dim3A_260 : i32 to vector<16xi32>
      %gather3A_262 = tpu.vector_load_idx %arg6[%add3A_259, %broadcast_in_dim3A_261] : memref<64x64xf32, #tpu.memory_space<vmem>>[vector<16xi32>, vector<16xi32>], vector<16xf32>,
      %neg3A_263 = arith.constant 0.000000e+00 : f32
      %neg3A_264 = vector.broadcast %neg3A_263 : f32 to vector<16xf32>
      %neg3A_265 = arith.subf %neg3A_264, %gather3A_262 : vector<16xf32>
      %broadcast_in_dim3A_266 = arith.constant true
      %broadcast_in_dim3A_267 = vector.broadcast %broadcast_in_dim3A_266 : i1 to vector<16xi1>
      %masked_cumsum3A_268 = tpu.scan <sum>, %neg3A_265 masked %broadcast_in_dim3A_267 : vector<16xf32>, vector<16xi1> -> vector<16xf32>
      %add3A_269 = vector.broadcast %add3A_256 : f32 to vector<16xf32>
      %add3A_270 = arith.addf %masked_cumsum3A_268, %add3A_269 : vector<16xf32>
      %swap3A_271 = arith.constant 1 : i64
      %swap3A_272 = arith.index_cast %swap3A_271 : i64 to index
      %swap3A_273 = arith.constant 16 : index
      %swap3A_274 = tpu.vector_load %arg7[%swap3A_272, %swap3A_273] {strides = array<i32>} : memref<2x64xf32, #tpu.memory_space<vmem>>, vector<16xf32>,
      tpu.vector_store %arg7[%swap3A_272, %swap3A_273], %add3A_270 {strides = array<i32>} : memref<2x64xf32, #tpu.memory_space<vmem>>, vector<16xf32>,
      %reduce_sum3A_275 = arith.constant true
      %reduce_sum3A_276 = vector.broadcast %reduce_sum3A_275 : i1 to vector<16xi1>
      %reduce_sum3A_277 = tpu.scan <sum>, %neg3A_265 masked %reduce_sum3A_276 : vector<16xf32>, vector<16xi1> -> vector<16xf32>
      %reduce_sum3A_278 = vector.extract %reduce_sum3A_277[15] : f32 from vector<16xf32>
      %add3A_279 = arith.addf %add3A_256, %reduce_sum3A_278 : f32
      %add3A_280 = arith.constant 32 : i32
      %add3A_281 = vector.broadcast %add3A_280 : i32 to vector<16xi32>
      %add3A_282 = arith.addi %iota3A, %add3A_281 : vector<16xi32>
      %broadcast_in_dim3A_283 = arith.constant 63 : i32
      %broadcast_in_dim3A_284 = vector.broadcast %broadcast_in_dim3A_283 : i32 to vector<16xi32>
      %gather3A_285 = tpu.vector_load_idx %arg6[%add3A_282, %broadcast_in_dim3A_284] : memref<64x64xf32, #tpu.memory_space<vmem>>[vector<16xi32>, vector<16xi32>], vector<16xf32>,
      %neg3A_286 = arith.constant 0.000000e+00 : f32
      %neg3A_287 = vector.broadcast %neg3A_286 : f32 to vector<16xf32>
      %neg3A_288 = arith.subf %neg3A_287, %gather3A_285 : vector<16xf32>
      %broadcast_in_dim3A_289 = arith.constant true
      %broadcast_in_dim3A_290 = vector.broadcast %broadcast_in_dim3A_289 : i1 to vector<16xi1>
      %masked_cumsum3A_291 = tpu.scan <sum>, %neg3A_288 masked %broadcast_in_dim3A_290 : vector<16xf32>, vector<16xi1> -> vector<16xf32>
      %add3A_292 = vector.broadcast %add3A_279 : f32 to vector<16xf32>
      %add3A_293 = arith.addf %masked_cumsum3A_291, %add3A_292 : vector<16xf32>
      %swap3A_294 = arith.constant 1 : i64
      %swap3A_295 = arith.index_cast %swap3A_294 : i64 to index
      %swap3A_296 = arith.constant 32 : index
      %swap3A_297 = tpu.vector_load %arg7[%swap3A_295, %swap3A_296] {strides = array<i32>} : memref<2x64xf32, #tpu.memory_space<vmem>>, vector<16xf32>,
      tpu.vector_store %arg7[%swap3A_295, %swap3A_296], %add3A_293 {strides = array<i32>} : memref<2x64xf32, #tpu.memory_space<vmem>>, vector<16xf32>,
      %reduce_sum3A_298 = arith.constant true
      %reduce_sum3A_299 = vector.broadcast %reduce_sum3A_298 : i1 to vector<16xi1>
      %reduce_sum3A_300 = tpu.scan <sum>, %neg3A_288 masked %reduce_sum3A_299 : vector<16xf32>, vector<16xi1> -> vector<16xf32>
      %reduce_sum3A_301 = vector.extract %reduce_sum3A_300[15] : f32 from vector<16xf32>
      %add3A_302 = arith.addf %add3A_279, %reduce_sum3A_301 : f32
      %add3A_303 = arith.constant 48 : i32
      %add3A_304 = vector.broadcast %add3A_303 : i32 to vector<16xi32>
      %add3A_305 = arith.addi %iota3A, %add3A_304 : vector<16xi32>
      %broadcast_in_dim3A_306 = arith.constant 63 : i32
      %broadcast_in_dim3A_307 = vector.broadcast %broadcast_in_dim3A_306 : i32 to vector<16xi32>
      %gather3A_308 = tpu.vector_load_idx %arg6[%add3A_305, %broadcast_in_dim3A_307] : memref<64x64xf32, #tpu.memory_space<vmem>>[vector<16xi32>, vector<16xi32>], vector<16xf32>,
      %neg3A_309 = arith.constant 0.000000e+00 : f32
      %neg3A_310 = vector.broadcast %neg3A_309 : f32 to vector<16xf32>
      %neg3A_311 = arith.subf %neg3A_310, %gather3A_308 : vector<16xf32>
      %broadcast_in_dim3A_312 = arith.constant true
      %broadcast_in_dim3A_313 = vector.broadcast %broadcast_in_dim3A_312 : i1 to vector<16xi1>
      %masked_cumsum3A_314 = tpu.scan <sum>, %neg3A_311 masked %broadcast_in_dim3A_313 : vector<16xf32>, vector<16xi1> -> vector<16xf32>
      %add3A_315 = vector.broadcast %add3A_302 : f32 to vector<16xf32>
      %add3A_316 = arith.addf %masked_cumsum3A_314, %add3A_315 : vector<16xf32>
      %swap3A_317 = arith.constant 1 : i64
      %swap3A_318 = arith.index_cast %swap3A_317 : i64 to index
      %swap3A_319 = arith.constant 48 : index
      %swap3A_320 = tpu.vector_load %arg7[%swap3A_318, %swap3A_319] {strides = array<i32>} : memref<2x64xf32, #tpu.memory_space<vmem>>, vector<16xf32>,
      tpu.vector_store %arg7[%swap3A_318, %swap3A_319], %add3A_316 {strides = array<i32>} : memref<2x64xf32, #tpu.memory_space<vmem>>, vector<16xf32>,
      %reduce_sum3A_321 = arith.constant true
      %reduce_sum3A_322 = vector.broadcast %reduce_sum3A_321 : i1 to vector<16xi1>
      %reduce_sum3A_323 = tpu.scan <sum>, %neg3A_311 masked %reduce_sum3A_322 : vector<16xf32>, vector<16xi1> -> vector<16xf32>
      %reduce_sum3A_324 = vector.extract %reduce_sum3A_323[15] : f32 from vector<16xf32>
      %add3A_325 = arith.addf %add3A_302, %reduce_sum3A_324 : f32
      %swap3A_326 = arith.constant 0 : i64
      %swap3A_327 = arith.index_cast %swap3A_326 : i64 to index
      %swap3A_328 = arith.constant 0 : index
      %swap3A_329 = tpu.vector_load %arg8[%swap3A_327, %swap3A_328] {strides = array<i32>} : memref<65x64xf32, #tpu.memory_space<vmem>>, vector<16xf32>,
      tpu.vector_store %arg8[%swap3A_327, %swap3A_328], %mul3A_88 {strides = array<i32>} : memref<65x64xf32, #tpu.memory_space<vmem>>, vector<16xf32>,
      %swap3A_330 = arith.constant 0 : i64
      %swap3A_331 = arith.index_cast %swap3A_330 : i64 to index
      %swap3A_332 = arith.constant 16 : index
      %swap3A_333 = tpu.vector_load %arg8[%swap3A_331, %swap3A_332] {strides = array<i32>} : memref<65x64xf32, #tpu.memory_space<vmem>>, vector<16xf32>,
      tpu.vector_store %arg8[%swap3A_331, %swap3A_332], %mul3A_98 {strides = array<i32>} : memref<65x64xf32, #tpu.memory_space<vmem>>, vector<16xf32>,
      %swap3A_334 = arith.constant 0 : i64
      %swap3A_335 = arith.index_cast %swap3A_334 : i64 to index
      %swap3A_336 = arith.constant 32 : index
      %swap3A_337 = tpu.vector_load %arg8[%swap3A_335, %swap3A_336] {strides = array<i32>} : memref<65x64xf32, #tpu.memory_space<vmem>>, vector<16xf32>,
      tpu.vector_store %arg8[%swap3A_335, %swap3A_336], %mul3A_108 {strides = array<i32>} : memref<65x64xf32, #tpu.memory_space<vmem>>, vector<16xf32>,
      %swap3A_338 = arith.constant 0 : i64
      %swap3A_339 = arith.index_cast %swap3A_338 : i64 to index
      %swap3A_340 = arith.constant 48 : index
      %swap3A_341 = tpu.vector_load %arg8[%swap3A_339, %swap3A_340] {strides = array<i32>} : memref<65x64xf32, #tpu.memory_space<vmem>>, vector<16xf32>,
      tpu.vector_store %arg8[%swap3A_339, %swap3A_340], %mul3A_118 {strides = array<i32>} : memref<65x64xf32, #tpu.memory_space<vmem>>, vector<16xf32>,
      %while3A = arith.constant 0 : i32
      %while3A_342 = arith.constant 64 : i32
      %while3A_343 = arith.subi %while3A_342, %while3A : i32
      %while3A_344 = arith.addi %while3A, %while3A_343 : i32
      %while3A_345 = arith.constant 1 : i32
      %while3A_346 = arith.divsi %while3A_343, %while3A_345 : i32
      %while3A_347 = arith.muli %while3A_346, %while3A_345 : i32
      %while3A_348 = arith.addi %while3A, %while3A_347 : i32
      %while3A_349 = arith.constant 1 : i32
      %while3A_350:4 = scf.for %while3A_456 = %while3A to %while3A_348 step %while3A_349 iter_args(%while3A_457 = %mul3A_88, %while3A_458 = %mul3A_98, %while3A_459 = %mul3A_108, %while3A_460 = %mul3A_118) -> (vector<16xf32>, vector<16xf32>, vector<16xf32>, vector<16xf32>)  : i32 {
        %broadcast_in_dim3A_461 = vector.broadcast %while3A_456 : i32 to vector<16xi32>
        %gather3A_462 = tpu.vector_load_idx %arg7[%broadcast_in_dim3A_142, %broadcast_in_dim3A_461] : memref<2x64xf32, #tpu.memory_space<vmem>>[vector<16xi32>, vector<16xi32>], vector<16xf32>,
        %get3A_463 = arith.index_cast %while3A_456 : i32 to index
        %get3A_464 = arith.constant 0 : index
        %get3A_465 = tpu.vector_load %arg6[%get3A_463, %get3A_464] {strides = array<i32>} : memref<64x64xf32, #tpu.memory_space<vmem>>, vector<16xf32>,
        %sub3A_466 = arith.subf %while3A_457, %get3A_465 : vector<16xf32>
        %sub3A_467 = arith.subf %sub3A_466, %mul3A_29 : vector<16xf32>
        %eq3A_468 = arith.constant 0 : i32
        %eq3A_469 = vector.broadcast %eq3A_468 : i32 to vector<16xi32>
        %eq3A_470 = arith.cmpi eq, %iota3A, %eq3A_469 : vector<16xi32>
        %select_n3A = arith.select %eq3A_470, %gather3A_462, %sub3A_467 : vector<16xi1>, vector<16xf32>
        %get3A_471 = arith.index_cast %while3A_456 : i32 to index
        %get3A_472 = arith.constant 16 : index
        %get3A_473 = tpu.vector_load %arg6[%get3A_471, %get3A_472] {strides = array<i32>} : memref<64x64xf32, #tpu.memory_space<vmem>>, vector<16xf32>,
        %sub3A_474 = arith.subf %while3A_458, %get3A_473 : vector<16xf32>
        %sub3A_475 = arith.subf %sub3A_474, %mul3A_36 : vector<16xf32>
        %get3A_476 = arith.index_cast %while3A_456 : i32 to index
        %get3A_477 = arith.constant 32 : index
        %get3A_478 = tpu.vector_load %arg6[%get3A_476, %get3A_477] {strides = array<i32>} : memref<64x64xf32, #tpu.memory_space<vmem>>, vector<16xf32>,
        %sub3A_479 = arith.subf %while3A_459, %get3A_478 : vector<16xf32>
        %sub3A_480 = arith.subf %sub3A_479, %mul3A_43 : vector<16xf32>
        %get3A_481 = arith.index_cast %while3A_456 : i32 to index
        %get3A_482 = arith.constant 48 : index
        %get3A_483 = tpu.vector_load %arg6[%get3A_481, %get3A_482] {strides = array<i32>} : memref<64x64xf32, #tpu.memory_space<vmem>>, vector<16xf32>,
        %sub3A_484 = arith.subf %while3A_460, %get3A_483 : vector<16xf32>
        %sub3A_485 = arith.subf %sub3A_484, %mul3A_50 : vector<16xf32>
        %neg3A_486 = arith.constant 0.000000e+00 : f32
        %neg3A_487 = vector.broadcast %neg3A_486 : f32 to vector<16xf32>
        %neg3A_488 = arith.subf %neg3A_487, %select_n3A : vector<16xf32>
        %broadcast_in_dim3A_489 = arith.constant true
        %broadcast_in_dim3A_490 = vector.broadcast %broadcast_in_dim3A_489 : i1 to vector<16xi1>
        %masked_cummax3A = tpu.scan <max>, %neg3A_488 masked %broadcast_in_dim3A_490 : vector<16xf32>, vector<16xi1> -> vector<16xf32>
        %neg3A_491 = arith.constant 0.000000e+00 : f32
        %neg3A_492 = vector.broadcast %neg3A_491 : f32 to vector<16xf32>
        %neg3A_493 = arith.subf %neg3A_492, %masked_cummax3A : vector<16xf32>
        %min3A = arith.constant 0x7F800000 : f32
        %min3A_494 = vector.broadcast %min3A : f32 to vector<16xf32>
        %min3A_495 = arith.minimumf %neg3A_493, %min3A_494 : vector<16xf32>
        %slice3A = vector.extract_strided_slice %min3A_495 {offsets = [15], sizes = [1], strides = [1]} : vector<16xf32> to vector<1xf32>
        %squeeze3A = vector.extract %slice3A[0] : f32 from vector<1xf32>
        %add3A_496 = arith.addf %min3A_495, %mul3A_29 : vector<16xf32>
        %add3A_497 = arith.constant 1 : i32
        %add3A_498 = arith.addi %while3A_456, %add3A_497 : i32
        %swap3A_499 = arith.index_cast %add3A_498 : i32 to index
        %swap3A_500 = arith.constant 0 : index
        %swap3A_501 = tpu.vector_load %arg8[%swap3A_499, %swap3A_500] {strides = array<i32>} : memref<65x64xf32, #tpu.memory_space<vmem>>, vector<16xf32>,
        tpu.vector_store %arg8[%swap3A_499, %swap3A_500], %add3A_496 {strides = array<i32>} : memref<65x64xf32, #tpu.memory_space<vmem>>, vector<16xf32>,
        %neg3A_502 = arith.constant 0.000000e+00 : f32
        %neg3A_503 = vector.broadcast %neg3A_502 : f32 to vector<16xf32>
        %neg3A_504 = arith.subf %neg3A_503, %sub3A_475 : vector<16xf32>
        %broadcast_in_dim3A_505 = arith.constant true
        %broadcast_in_dim3A_506 = vector.broadcast %broadcast_in_dim3A_505 : i1 to vector<16xi1>
        %masked_cummax3A_507 = tpu.scan <max>, %neg3A_504 masked %broadcast_in_dim3A_506 : vector<16xf32>, vector<16xi1> -> vector<16xf32>
        %neg3A_508 = arith.constant 0.000000e+00 : f32
        %neg3A_509 = vector.broadcast %neg3A_508 : f32 to vector<16xf32>
        %neg3A_510 = arith.subf %neg3A_509, %masked_cummax3A_507 : vector<16xf32>
        %min3A_511 = vector.broadcast %squeeze3A : f32 to vector<16xf32>
        %min3A_512 = arith.minimumf %neg3A_510, %min3A_511 : vector<16xf32>
        %slice3A_513 = vector.extract_strided_slice %min3A_512 {offsets = [15], sizes = [1], strides = [1]} : vector<16xf32> to vector<1xf32>
        %squeeze3A_514 = vector.extract %slice3A_513[0] : f32 from vector<1xf32>
        %add3A_515 = arith.addf %min3A_512, %mul3A_36 : vector<16xf32>
        %add3A_516 = arith.constant 1 : i32
        %add3A_517 = arith.addi %while3A_456, %add3A_516 : i32
        %swap3A_518 = arith.index_cast %add3A_517 : i32 to index
        %swap3A_519 = arith.constant 16 : index
        %swap3A_520 = tpu.vector_load %arg8[%swap3A_518, %swap3A_519] {strides = array<i32>} : memref<65x64xf32, #tpu.memory_space<vmem>>, vector<16xf32>,
        tpu.vector_store %arg8[%swap3A_518, %swap3A_519], %add3A_515 {strides = array<i32>} : memref<65x64xf32, #tpu.memory_space<vmem>>, vector<16xf32>,
        %neg3A_521 = arith.constant 0.000000e+00 : f32
        %neg3A_522 = vector.broadcast %neg3A_521 : f32 to vector<16xf32>
        %neg3A_523 = arith.subf %neg3A_522, %sub3A_480 : vector<16xf32>
        %broadcast_in_dim3A_524 = arith.constant true
        %broadcast_in_dim3A_525 = vector.broadcast %broadcast_in_dim3A_524 : i1 to vector<16xi1>
        %masked_cummax3A_526 = tpu.scan <max>, %neg3A_523 masked %broadcast_in_dim3A_525 : vector<16xf32>, vector<16xi1> -> vector<16xf32>
        %neg3A_527 = arith.constant 0.000000e+00 : f32
        %neg3A_528 = vector.broadcast %neg3A_527 : f32 to vector<16xf32>
        %neg3A_529 = arith.subf %neg3A_528, %masked_cummax3A_526 : vector<16xf32>
        %min3A_530 = vector.broadcast %squeeze3A_514 : f32 to vector<16xf32>
        %min3A_531 = arith.minimumf %neg3A_529, %min3A_530 : vector<16xf32>
        %slice3A_532 = vector.extract_strided_slice %min3A_531 {offsets = [15], sizes = [1], strides = [1]} : vector<16xf32> to vector<1xf32>
        %squeeze3A_533 = vector.extract %slice3A_532[0] : f32 from vector<1xf32>
        %add3A_534 = arith.addf %min3A_531, %mul3A_43 : vector<16xf32>
        %add3A_535 = arith.constant 1 : i32
        %add3A_536 = arith.addi %while3A_456, %add3A_535 : i32
        %swap3A_537 = arith.index_cast %add3A_536 : i32 to index
        %swap3A_538 = arith.constant 32 : index
        %swap3A_539 = tpu.vector_load %arg8[%swap3A_537, %swap3A_538] {strides = array<i32>} : memref<65x64xf32, #tpu.memory_space<vmem>>, vector<16xf32>,
        tpu.vector_store %arg8[%swap3A_537, %swap3A_538], %add3A_534 {strides = array<i32>} : memref<65x64xf32, #tpu.memory_space<vmem>>, vector<16xf32>,
        %neg3A_540 = arith.constant 0.000000e+00 : f32
        %neg3A_541 = vector.broadcast %neg3A_540 : f32 to vector<16xf32>
        %neg3A_542 = arith.subf %neg3A_541, %sub3A_485 : vector<16xf32>
        %broadcast_in_dim3A_543 = arith.constant true
        %broadcast_in_dim3A_544 = vector.broadcast %broadcast_in_dim3A_543 : i1 to vector<16xi1>
        %masked_cummax3A_545 = tpu.scan <max>, %neg3A_542 masked %broadcast_in_dim3A_544 : vector<16xf32>, vector<16xi1> -> vector<16xf32>
        %neg3A_546 = arith.constant 0.000000e+00 : f32
        %neg3A_547 = vector.broadcast %neg3A_546 : f32 to vector<16xf32>
        %neg3A_548 = arith.subf %neg3A_547, %masked_cummax3A_545 : vector<16xf32>
        %min3A_549 = vector.broadcast %squeeze3A_533 : f32 to vector<16xf32>
        %min3A_550 = arith.minimumf %neg3A_548, %min3A_549 : vector<16xf32>
        %slice3A_551 = vector.extract_strided_slice %min3A_550 {offsets = [15], sizes = [1], strides = [1]} : vector<16xf32> to vector<1xf32>
        %squeeze3A_552 = vector.extract %slice3A_551[0] : f32 from vector<1xf32>
        %add3A_553 = arith.addf %min3A_550, %mul3A_50 : vector<16xf32>
        %add3A_554 = arith.constant 1 : i32
        %add3A_555 = arith.addi %while3A_456, %add3A_554 : i32
        %swap3A_556 = arith.index_cast %add3A_555 : i32 to index
        %swap3A_557 = arith.constant 48 : index
        %swap3A_558 = tpu.vector_load %arg8[%swap3A_556, %swap3A_557] {strides = array<i32>} : memref<65x64xf32, #tpu.memory_space<vmem>>, vector<16xf32>,
        tpu.vector_store %arg8[%swap3A_556, %swap3A_557], %add3A_553 {strides = array<i32>} : memref<65x64xf32, #tpu.memory_space<vmem>>, vector<16xf32>,
        scf.yield %add3A_496, %add3A_515, %add3A_534, %add3A_553 : vector<16xf32>, vector<16xf32>, vector<16xf32>, vector<16xf32>
      }
      %while3A_351 = arith.constant 1 : i32
      %while3A_352:4 = scf.for %while3A_456 = %while3A_348 to %while3A_344 step %while3A_351 iter_args(%while3A_457 = %while3A_350#0, %while3A_458 = %while3A_350#1, %while3A_459 = %while3A_350#2, %while3A_460 = %while3A_350#3) -> (vector<16xf32>, vector<16xf32>, vector<16xf32>, vector<16xf32>)  : i32 {
        %broadcast_in_dim3A_461 = vector.broadcast %while3A_456 : i32 to vector<16xi32>
        %gather3A_462 = tpu.vector_load_idx %arg7[%broadcast_in_dim3A_142, %broadcast_in_dim3A_461] : memref<2x64xf32, #tpu.memory_space<vmem>>[vector<16xi32>, vector<16xi32>], vector<16xf32>,
        %get3A_463 = arith.index_cast %while3A_456 : i32 to index
        %get3A_464 = arith.constant 0 : index
        %get3A_465 = tpu.vector_load %arg6[%get3A_463, %get3A_464] {strides = array<i32>} : memref<64x64xf32, #tpu.memory_space<vmem>>, vector<16xf32>,
        %sub3A_466 = arith.subf %while3A_457, %get3A_465 : vector<16xf32>
        %sub3A_467 = arith.subf %sub3A_466, %mul3A_29 : vector<16xf32>
        %eq3A_468 = arith.constant 0 : i32
        %eq3A_469 = vector.broadcast %eq3A_468 : i32 to vector<16xi32>
        %eq3A_470 = arith.cmpi eq, %iota3A, %eq3A_469 : vector<16xi32>
        %select_n3A = arith.select %eq3A_470, %gather3A_462, %sub3A_467 : vector<16xi1>, vector<16xf32>
        %get3A_471 = arith.index_cast %while3A_456 : i32 to index
        %get3A_472 = arith.constant 16 : index
        %get3A_473 = tpu.vector_load %arg6[%get3A_471, %get3A_472] {strides = array<i32>} : memref<64x64xf32, #tpu.memory_space<vmem>>, vector<16xf32>,
        %sub3A_474 = arith.subf %while3A_458, %get3A_473 : vector<16xf32>
        %sub3A_475 = arith.subf %sub3A_474, %mul3A_36 : vector<16xf32>
        %get3A_476 = arith.index_cast %while3A_456 : i32 to index
        %get3A_477 = arith.constant 32 : index
        %get3A_478 = tpu.vector_load %arg6[%get3A_476, %get3A_477] {strides = array<i32>} : memref<64x64xf32, #tpu.memory_space<vmem>>, vector<16xf32>,
        %sub3A_479 = arith.subf %while3A_459, %get3A_478 : vector<16xf32>
        %sub3A_480 = arith.subf %sub3A_479, %mul3A_43 : vector<16xf32>
        %get3A_481 = arith.index_cast %while3A_456 : i32 to index
        %get3A_482 = arith.constant 48 : index
        %get3A_483 = tpu.vector_load %arg6[%get3A_481, %get3A_482] {strides = array<i32>} : memref<64x64xf32, #tpu.memory_space<vmem>>, vector<16xf32>,
        %sub3A_484 = arith.subf %while3A_460, %get3A_483 : vector<16xf32>
        %sub3A_485 = arith.subf %sub3A_484, %mul3A_50 : vector<16xf32>
        %neg3A_486 = arith.constant 0.000000e+00 : f32
        %neg3A_487 = vector.broadcast %neg3A_486 : f32 to vector<16xf32>
        %neg3A_488 = arith.subf %neg3A_487, %select_n3A : vector<16xf32>
        %broadcast_in_dim3A_489 = arith.constant true
        %broadcast_in_dim3A_490 = vector.broadcast %broadcast_in_dim3A_489 : i1 to vector<16xi1>
        %masked_cummax3A = tpu.scan <max>, %neg3A_488 masked %broadcast_in_dim3A_490 : vector<16xf32>, vector<16xi1> -> vector<16xf32>
        %neg3A_491 = arith.constant 0.000000e+00 : f32
        %neg3A_492 = vector.broadcast %neg3A_491 : f32 to vector<16xf32>
        %neg3A_493 = arith.subf %neg3A_492, %masked_cummax3A : vector<16xf32>
        %min3A = arith.constant 0x7F800000 : f32
        %min3A_494 = vector.broadcast %min3A : f32 to vector<16xf32>
        %min3A_495 = arith.minimumf %neg3A_493, %min3A_494 : vector<16xf32>
        %slice3A = vector.extract_strided_slice %min3A_495 {offsets = [15], sizes = [1], strides = [1]} : vector<16xf32> to vector<1xf32>
        %squeeze3A = vector.extract %slice3A[0] : f32 from vector<1xf32>
        %add3A_496 = arith.addf %min3A_495, %mul3A_29 : vector<16xf32>
        %add3A_497 = arith.constant 1 : i32
        %add3A_498 = arith.addi %while3A_456, %add3A_497 : i32
        %swap3A_499 = arith.index_cast %add3A_498 : i32 to index
        %swap3A_500 = arith.constant 0 : index
        %swap3A_501 = tpu.vector_load %arg8[%swap3A_499, %swap3A_500] {strides = array<i32>} : memref<65x64xf32, #tpu.memory_space<vmem>>, vector<16xf32>,
        tpu.vector_store %arg8[%swap3A_499, %swap3A_500], %add3A_496 {strides = array<i32>} : memref<65x64xf32, #tpu.memory_space<vmem>>, vector<16xf32>,
        %neg3A_502 = arith.constant 0.000000e+00 : f32
        %neg3A_503 = vector.broadcast %neg3A_502 : f32 to vector<16xf32>
        %neg3A_504 = arith.subf %neg3A_503, %sub3A_475 : vector<16xf32>
        %broadcast_in_dim3A_505 = arith.constant true
        %broadcast_in_dim3A_506 = vector.broadcast %broadcast_in_dim3A_505 : i1 to vector<16xi1>
        %masked_cummax3A_507 = tpu.scan <max>, %neg3A_504 masked %broadcast_in_dim3A_506 : vector<16xf32>, vector<16xi1> -> vector<16xf32>
        %neg3A_508 = arith.constant 0.000000e+00 : f32
        %neg3A_509 = vector.broadcast %neg3A_508 : f32 to vector<16xf32>
        %neg3A_510 = arith.subf %neg3A_509, %masked_cummax3A_507 : vector<16xf32>
        %min3A_511 = vector.broadcast %squeeze3A : f32 to vector<16xf32>
        %min3A_512 = arith.minimumf %neg3A_510, %min3A_511 : vector<16xf32>
        %slice3A_513 = vector.extract_strided_slice %min3A_512 {offsets = [15], sizes = [1], strides = [1]} : vector<16xf32> to vector<1xf32>
        %squeeze3A_514 = vector.extract %slice3A_513[0] : f32 from vector<1xf32>
        %add3A_515 = arith.addf %min3A_512, %mul3A_36 : vector<16xf32>
        %add3A_516 = arith.constant 1 : i32
        %add3A_517 = arith.addi %while3A_456, %add3A_516 : i32
        %swap3A_518 = arith.index_cast %add3A_517 : i32 to index
        %swap3A_519 = arith.constant 16 : index
        %swap3A_520 = tpu.vector_load %arg8[%swap3A_518, %swap3A_519] {strides = array<i32>} : memref<65x64xf32, #tpu.memory_space<vmem>>, vector<16xf32>,
        tpu.vector_store %arg8[%swap3A_518, %swap3A_519], %add3A_515 {strides = array<i32>} : memref<65x64xf32, #tpu.memory_space<vmem>>, vector<16xf32>,
        %neg3A_521 = arith.constant 0.000000e+00 : f32
        %neg3A_522 = vector.broadcast %neg3A_521 : f32 to vector<16xf32>
        %neg3A_523 = arith.subf %neg3A_522, %sub3A_480 : vector<16xf32>
        %broadcast_in_dim3A_524 = arith.constant true
        %broadcast_in_dim3A_525 = vector.broadcast %broadcast_in_dim3A_524 : i1 to vector<16xi1>
        %masked_cummax3A_526 = tpu.scan <max>, %neg3A_523 masked %broadcast_in_dim3A_525 : vector<16xf32>, vector<16xi1> -> vector<16xf32>
        %neg3A_527 = arith.constant 0.000000e+00 : f32
        %neg3A_528 = vector.broadcast %neg3A_527 : f32 to vector<16xf32>
        %neg3A_529 = arith.subf %neg3A_528, %masked_cummax3A_526 : vector<16xf32>
        %min3A_530 = vector.broadcast %squeeze3A_514 : f32 to vector<16xf32>
        %min3A_531 = arith.minimumf %neg3A_529, %min3A_530 : vector<16xf32>
        %slice3A_532 = vector.extract_strided_slice %min3A_531 {offsets = [15], sizes = [1], strides = [1]} : vector<16xf32> to vector<1xf32>
        %squeeze3A_533 = vector.extract %slice3A_532[0] : f32 from vector<1xf32>
        %add3A_534 = arith.addf %min3A_531, %mul3A_43 : vector<16xf32>
        %add3A_535 = arith.constant 1 : i32
        %add3A_536 = arith.addi %while3A_456, %add3A_535 : i32
        %swap3A_537 = arith.index_cast %add3A_536 : i32 to index
        %swap3A_538 = arith.constant 32 : index
        %swap3A_539 = tpu.vector_load %arg8[%swap3A_537, %swap3A_538] {strides = array<i32>} : memref<65x64xf32, #tpu.memory_space<vmem>>, vector<16xf32>,
        tpu.vector_store %arg8[%swap3A_537, %swap3A_538], %add3A_534 {strides = array<i32>} : memref<65x64xf32, #tpu.memory_space<vmem>>, vector<16xf32>,
        %neg3A_540 = arith.constant 0.000000e+00 : f32
        %neg3A_541 = vector.broadcast %neg3A_540 : f32 to vector<16xf32>
        %neg3A_542 = arith.subf %neg3A_541, %sub3A_485 : vector<16xf32>
        %broadcast_in_dim3A_543 = arith.constant true
        %broadcast_in_dim3A_544 = vector.broadcast %broadcast_in_dim3A_543 : i1 to vector<16xi1>
        %masked_cummax3A_545 = tpu.scan <max>, %neg3A_542 masked %broadcast_in_dim3A_544 : vector<16xf32>, vector<16xi1> -> vector<16xf32>
        %neg3A_546 = arith.constant 0.000000e+00 : f32
        %neg3A_547 = vector.broadcast %neg3A_546 : f32 to vector<16xf32>
        %neg3A_548 = arith.subf %neg3A_547, %masked_cummax3A_545 : vector<16xf32>
        %min3A_549 = vector.broadcast %squeeze3A_533 : f32 to vector<16xf32>
        %min3A_550 = arith.minimumf %neg3A_548, %min3A_549 : vector<16xf32>
        %slice3A_551 = vector.extract_strided_slice %min3A_550 {offsets = [15], sizes = [1], strides = [1]} : vector<16xf32> to vector<1xf32>
        %squeeze3A_552 = vector.extract %slice3A_551[0] : f32 from vector<1xf32>
        %add3A_553 = arith.addf %min3A_550, %mul3A_50 : vector<16xf32>
        %add3A_554 = arith.constant 1 : i32
        %add3A_555 = arith.addi %while3A_456, %add3A_554 : i32
        %swap3A_556 = arith.index_cast %add3A_555 : i32 to index
        %swap3A_557 = arith.constant 48 : index
        %swap3A_558 = tpu.vector_load %arg8[%swap3A_556, %swap3A_557] {strides = array<i32>} : memref<65x64xf32, #tpu.memory_space<vmem>>, vector<16xf32>,
        tpu.vector_store %arg8[%swap3A_556, %swap3A_557], %add3A_553 {strides = array<i32>} : memref<65x64xf32, #tpu.memory_space<vmem>>, vector<16xf32>,
        scf.yield %add3A_496, %add3A_515, %add3A_534, %add3A_553 : vector<16xf32>, vector<16xf32>, vector<16xf32>, vector<16xf32>
      }
      %get3A = arith.constant 64 : i64
      %get3A_353 = arith.index_cast %get3A : i64 to index
      %get3A_354 = arith.constant 0 : index
      %get3A_355 = tpu.vector_load %arg8[%get3A_353, %get3A_354] {strides = array<i32>} : memref<65x64xf32, #tpu.memory_space<vmem>>, vector<16xf32>,
      %add3A_356 = arith.addf %get3A_355, %mul3A_123 : vector<16xf32>
      %swap3A_357 = arith.constant 64 : i64
      %swap3A_358 = arith.index_cast %swap3A_357 : i64 to index
      %swap3A_359 = arith.constant 0 : index
      %swap3A_360 = tpu.vector_load %arg9[%swap3A_358, %swap3A_359] {strides = array<i32>} : memref<65x64xf32, #tpu.memory_space<vmem>>, vector<16xf32>,
      tpu.vector_store %arg9[%swap3A_358, %swap3A_359], %add3A_356 {strides = array<i32>} : memref<65x64xf32, #tpu.memory_space<vmem>>, vector<16xf32>,
      %get3A_361 = arith.constant 64 : i64
      %get3A_362 = arith.index_cast %get3A_361 : i64 to index
      %get3A_363 = arith.constant 16 : index
      %get3A_364 = tpu.vector_load %arg8[%get3A_362, %get3A_363] {strides = array<i32>} : memref<65x64xf32, #tpu.memory_space<vmem>>, vector<16xf32>,
      %add3A_365 = arith.addf %get3A_364, %mul3A_129 : vector<16xf32>
      %swap3A_366 = arith.constant 64 : i64
      %swap3A_367 = arith.index_cast %swap3A_366 : i64 to index
      %swap3A_368 = arith.constant 16 : index
      %swap3A_369 = tpu.vector_load %arg9[%swap3A_367, %swap3A_368] {strides = array<i32>} : memref<65x64xf32, #tpu.memory_space<vmem>>, vector<16xf32>,
      tpu.vector_store %arg9[%swap3A_367, %swap3A_368], %add3A_365 {strides = array<i32>} : memref<65x64xf32, #tpu.memory_space<vmem>>, vector<16xf32>,
      %get3A_370 = arith.constant 64 : i64
      %get3A_371 = arith.index_cast %get3A_370 : i64 to index
      %get3A_372 = arith.constant 32 : index
      %get3A_373 = tpu.vector_load %arg8[%get3A_371, %get3A_372] {strides = array<i32>} : memref<65x64xf32, #tpu.memory_space<vmem>>, vector<16xf32>,
      %add3A_374 = arith.addf %get3A_373, %mul3A_135 : vector<16xf32>
      %swap3A_375 = arith.constant 64 : i64
      %swap3A_376 = arith.index_cast %swap3A_375 : i64 to index
      %swap3A_377 = arith.constant 32 : index
      %swap3A_378 = tpu.vector_load %arg9[%swap3A_376, %swap3A_377] {strides = array<i32>} : memref<65x64xf32, #tpu.memory_space<vmem>>, vector<16xf32>,
      tpu.vector_store %arg9[%swap3A_376, %swap3A_377], %add3A_374 {strides = array<i32>} : memref<65x64xf32, #tpu.memory_space<vmem>>, vector<16xf32>,
      %get3A_379 = arith.constant 64 : i64
      %get3A_380 = arith.index_cast %get3A_379 : i64 to index
      %get3A_381 = arith.constant 48 : index
      %get3A_382 = tpu.vector_load %arg8[%get3A_380, %get3A_381] {strides = array<i32>} : memref<65x64xf32, #tpu.memory_space<vmem>>, vector<16xf32>,
      %add3A_383 = arith.addf %get3A_382, %mul3A_141 : vector<16xf32>
      %swap3A_384 = arith.constant 64 : i64
      %swap3A_385 = arith.index_cast %swap3A_384 : i64 to index
      %swap3A_386 = arith.constant 48 : index
      %swap3A_387 = tpu.vector_load %arg9[%swap3A_385, %swap3A_386] {strides = array<i32>} : memref<65x64xf32, #tpu.memory_space<vmem>>, vector<16xf32>,
      tpu.vector_store %arg9[%swap3A_385, %swap3A_386], %add3A_383 {strides = array<i32>} : memref<65x64xf32, #tpu.memory_space<vmem>>, vector<16xf32>,
      %while3A_388 = arith.constant 0 : i32
      %while3A_389 = arith.constant 64 : i32
      %while3A_390 = arith.subi %while3A_389, %while3A_388 : i32
      %while3A_391 = arith.addi %while3A_388, %while3A_390 : i32
      %while3A_392 = arith.constant 1 : i32
      %while3A_393 = arith.divsi %while3A_390, %while3A_392 : i32
      %while3A_394 = arith.muli %while3A_393, %while3A_392 : i32
      %while3A_395 = arith.addi %while3A_388, %while3A_394 : i32
      %while3A_396 = arith.constant 1 : i32
      %while3A_397:4 = scf.for %while3A_456 = %while3A_388 to %while3A_395 step %while3A_396 iter_args(%while3A_457 = %mul3A_123, %while3A_458 = %mul3A_129, %while3A_459 = %mul3A_135, %while3A_460 = %mul3A_141) -> (vector<16xf32>, vector<16xf32>, vector<16xf32>, vector<16xf32>)  : i32 {
        %sub3A_461 = arith.constant 63 : i32
        %sub3A_462 = arith.subi %sub3A_461, %while3A_456 : i32
        %broadcast_in_dim3A_463 = arith.constant 1 : i32
        %broadcast_in_dim3A_464 = vector.broadcast %broadcast_in_dim3A_463 : i32 to vector<16xi32>
        %sub3A_465 = arith.constant 63 : i32
        %sub3A_466 = arith.subi %sub3A_465, %sub3A_462 : i32
        %broadcast_in_dim3A_467 = vector.broadcast %sub3A_466 : i32 to vector<16xi32>
        %gather3A_468 = tpu.vector_load_idx %arg7[%broadcast_in_dim3A_464, %broadcast_in_dim3A_467] : memref<2x64xf32, #tpu.memory_space<vmem>>[vector<16xi32>, vector<16xi32>], vector<16xf32>,
        %get3A_469 = arith.index_cast %sub3A_462 : i32 to index
        %get3A_470 = arith.constant 0 : index
        %get3A_471 = tpu.vector_load %arg6[%get3A_469, %get3A_470] {strides = array<i32>} : memref<64x64xf32, #tpu.memory_space<vmem>>, vector<16xf32>,
        %sub3A_472 = arith.subf %while3A_457, %get3A_471 : vector<16xf32>
        %add3A_473 = arith.addf %sub3A_472, %mul3A_57 : vector<16xf32>
        %get3A_474 = arith.index_cast %sub3A_462 : i32 to index
        %get3A_475 = arith.constant 16 : index
        %get3A_476 = tpu.vector_load %arg6[%get3A_474, %get3A_475] {strides = array<i32>} : memref<64x64xf32, #tpu.memory_space<vmem>>, vector<16xf32>,
        %sub3A_477 = arith.subf %while3A_458, %get3A_476 : vector<16xf32>
        %add3A_478 = arith.addf %sub3A_477, %mul3A_64 : vector<16xf32>
        %get3A_479 = arith.index_cast %sub3A_462 : i32 to index
        %get3A_480 = arith.constant 32 : index
        %get3A_481 = tpu.vector_load %arg6[%get3A_479, %get3A_480] {strides = array<i32>} : memref<64x64xf32, #tpu.memory_space<vmem>>, vector<16xf32>,
        %sub3A_482 = arith.subf %while3A_459, %get3A_481 : vector<16xf32>
        %add3A_483 = arith.addf %sub3A_482, %mul3A_71 : vector<16xf32>
        %get3A_484 = arith.index_cast %sub3A_462 : i32 to index
        %get3A_485 = arith.constant 48 : index
        %get3A_486 = tpu.vector_load %arg6[%get3A_484, %get3A_485] {strides = array<i32>} : memref<64x64xf32, #tpu.memory_space<vmem>>, vector<16xf32>,
        %sub3A_487 = arith.subf %while3A_460, %get3A_486 : vector<16xf32>
        %add3A_488 = arith.addf %sub3A_487, %mul3A_78 : vector<16xf32>
        %eq3A_489 = arith.constant 15 : i32
        %eq3A_490 = vector.broadcast %eq3A_489 : i32 to vector<16xi32>
        %eq3A_491 = arith.cmpi eq, %iota3A, %eq3A_490 : vector<16xi32>
        %add3A_492 = arith.addf %gather3A_468, %mul3A_78 : vector<16xf32>
        %select_n3A = arith.select %eq3A_491, %add3A_492, %add3A_488 : vector<16xi1>, vector<16xf32>
        %rev3A = arith.constant 15 : i32
        %rev3A_493 = vector.broadcast %rev3A : i32 to vector<16xi32>
        %rev3A_494 = tpu.iota {dimensions = array<i32: 0>} : vector<16xi32>
        %rev3A_495 = arith.subi %rev3A_493, %rev3A_494 : vector<16xi32>
        %rev3A_496 = tpu.dynamic_gather %select_n3A[%rev3A_495] in [0] : vector<16xf32>, vector<16xi32> -> vector<16xf32>
        %neg3A_497 = arith.constant 0.000000e+00 : f32
        %neg3A_498 = vector.broadcast %neg3A_497 : f32 to vector<16xf32>
        %neg3A_499 = arith.subf %neg3A_498, %rev3A_496 : vector<16xf32>
        %broadcast_in_dim3A_500 = arith.constant true
        %broadcast_in_dim3A_501 = vector.broadcast %broadcast_in_dim3A_500 : i1 to vector<16xi1>
        %masked_cummax3A = tpu.scan <max>, %neg3A_499 masked %broadcast_in_dim3A_501 : vector<16xf32>, vector<16xi1> -> vector<16xf32>
        %neg3A_502 = arith.constant 0.000000e+00 : f32
        %neg3A_503 = vector.broadcast %neg3A_502 : f32 to vector<16xf32>
        %neg3A_504 = arith.subf %neg3A_503, %masked_cummax3A : vector<16xf32>
        %rev3A_505 = arith.constant 15 : i32
        %rev3A_506 = vector.broadcast %rev3A_505 : i32 to vector<16xi32>
        %rev3A_507 = tpu.iota {dimensions = array<i32: 0>} : vector<16xi32>
        %rev3A_508 = arith.subi %rev3A_506, %rev3A_507 : vector<16xi32>
        %rev3A_509 = tpu.dynamic_gather %neg3A_504[%rev3A_508] in [0] : vector<16xf32>, vector<16xi32> -> vector<16xf32>
        %min3A = arith.constant 0x7F800000 : f32
        %min3A_510 = vector.broadcast %min3A : f32 to vector<16xf32>
        %min3A_511 = arith.minimumf %rev3A_509, %min3A_510 : vector<16xf32>
        %slice3A = vector.extract_strided_slice %min3A_511 {offsets = [0], sizes = [1], strides = [1]} : vector<16xf32> to vector<1xf32>
        %squeeze3A = vector.extract %slice3A[0] : f32 from vector<1xf32>
        %sub3A_512 = arith.subf %min3A_511, %mul3A_78 : vector<16xf32>
        %get3A_513 = arith.index_cast %sub3A_462 : i32 to index
        %get3A_514 = arith.constant 48 : index
        %get3A_515 = tpu.vector_load %arg8[%get3A_513, %get3A_514] {strides = array<i32>} : memref<65x64xf32, #tpu.memory_space<vmem>>, vector<16xf32>,
        %add3A_516 = arith.addf %sub3A_512, %get3A_515 : vector<16xf32>
        %swap3A_517 = arith.index_cast %sub3A_462 : i32 to index
        %swap3A_518 = arith.constant 48 : index
        %swap3A_519 = tpu.vector_load %arg9[%swap3A_517, %swap3A_518] {strides = array<i32>} : memref<65x64xf32, #tpu.memory_space<vmem>>, vector<16xf32>,
        tpu.vector_store %arg9[%swap3A_517, %swap3A_518], %add3A_516 {strides = array<i32>} : memref<65x64xf32, #tpu.memory_space<vmem>>, vector<16xf32>,
        %rev3A_520 = arith.constant 15 : i32
        %rev3A_521 = vector.broadcast %rev3A_520 : i32 to vector<16xi32>
        %rev3A_522 = tpu.iota {dimensions = array<i32: 0>} : vector<16xi32>
        %rev3A_523 = arith.subi %rev3A_521, %rev3A_522 : vector<16xi32>
        %rev3A_524 = tpu.dynamic_gather %add3A_483[%rev3A_523] in [0] : vector<16xf32>, vector<16xi32> -> vector<16xf32>
        %neg3A_525 = arith.constant 0.000000e+00 : f32
        %neg3A_526 = vector.broadcast %neg3A_525 : f32 to vector<16xf32>
        %neg3A_527 = arith.subf %neg3A_526, %rev3A_524 : vector<16xf32>
        %broadcast_in_dim3A_528 = arith.constant true
        %broadcast_in_dim3A_529 = vector.broadcast %broadcast_in_dim3A_528 : i1 to vector<16xi1>
        %masked_cummax3A_530 = tpu.scan <max>, %neg3A_527 masked %broadcast_in_dim3A_529 : vector<16xf32>, vector<16xi1> -> vector<16xf32>
        %neg3A_531 = arith.constant 0.000000e+00 : f32
        %neg3A_532 = vector.broadcast %neg3A_531 : f32 to vector<16xf32>
        %neg3A_533 = arith.subf %neg3A_532, %masked_cummax3A_530 : vector<16xf32>
        %rev3A_534 = arith.constant 15 : i32
        %rev3A_535 = vector.broadcast %rev3A_534 : i32 to vector<16xi32>
        %rev3A_536 = tpu.iota {dimensions = array<i32: 0>} : vector<16xi32>
        %rev3A_537 = arith.subi %rev3A_535, %rev3A_536 : vector<16xi32>
        %rev3A_538 = tpu.dynamic_gather %neg3A_533[%rev3A_537] in [0] : vector<16xf32>, vector<16xi32> -> vector<16xf32>
        %min3A_539 = vector.broadcast %squeeze3A : f32 to vector<16xf32>
        %min3A_540 = arith.minimumf %rev3A_538, %min3A_539 : vector<16xf32>
        %slice3A_541 = vector.extract_strided_slice %min3A_540 {offsets = [0], sizes = [1], strides = [1]} : vector<16xf32> to vector<1xf32>
        %squeeze3A_542 = vector.extract %slice3A_541[0] : f32 from vector<1xf32>
        %sub3A_543 = arith.subf %min3A_540, %mul3A_71 : vector<16xf32>
        %get3A_544 = arith.index_cast %sub3A_462 : i32 to index
        %get3A_545 = arith.constant 32 : index
        %get3A_546 = tpu.vector_load %arg8[%get3A_544, %get3A_545] {strides = array<i32>} : memref<65x64xf32, #tpu.memory_space<vmem>>, vector<16xf32>,
        %add3A_547 = arith.addf %sub3A_543, %get3A_546 : vector<16xf32>
        %swap3A_548 = arith.index_cast %sub3A_462 : i32 to index
        %swap3A_549 = arith.constant 32 : index
        %swap3A_550 = tpu.vector_load %arg9[%swap3A_548, %swap3A_549] {strides = array<i32>} : memref<65x64xf32, #tpu.memory_space<vmem>>, vector<16xf32>,
        tpu.vector_store %arg9[%swap3A_548, %swap3A_549], %add3A_547 {strides = array<i32>} : memref<65x64xf32, #tpu.memory_space<vmem>>, vector<16xf32>,
        %rev3A_551 = arith.constant 15 : i32
        %rev3A_552 = vector.broadcast %rev3A_551 : i32 to vector<16xi32>
        %rev3A_553 = tpu.iota {dimensions = array<i32: 0>} : vector<16xi32>
        %rev3A_554 = arith.subi %rev3A_552, %rev3A_553 : vector<16xi32>
        %rev3A_555 = tpu.dynamic_gather %add3A_478[%rev3A_554] in [0] : vector<16xf32>, vector<16xi32> -> vector<16xf32>
        %neg3A_556 = arith.constant 0.000000e+00 : f32
        %neg3A_557 = vector.broadcast %neg3A_556 : f32 to vector<16xf32>
        %neg3A_558 = arith.subf %neg3A_557, %rev3A_555 : vector<16xf32>
        %broadcast_in_dim3A_559 = arith.constant true
        %broadcast_in_dim3A_560 = vector.broadcast %broadcast_in_dim3A_559 : i1 to vector<16xi1>
        %masked_cummax3A_561 = tpu.scan <max>, %neg3A_558 masked %broadcast_in_dim3A_560 : vector<16xf32>, vector<16xi1> -> vector<16xf32>
        %neg3A_562 = arith.constant 0.000000e+00 : f32
        %neg3A_563 = vector.broadcast %neg3A_562 : f32 to vector<16xf32>
        %neg3A_564 = arith.subf %neg3A_563, %masked_cummax3A_561 : vector<16xf32>
        %rev3A_565 = arith.constant 15 : i32
        %rev3A_566 = vector.broadcast %rev3A_565 : i32 to vector<16xi32>
        %rev3A_567 = tpu.iota {dimensions = array<i32: 0>} : vector<16xi32>
        %rev3A_568 = arith.subi %rev3A_566, %rev3A_567 : vector<16xi32>
        %rev3A_569 = tpu.dynamic_gather %neg3A_564[%rev3A_568] in [0] : vector<16xf32>, vector<16xi32> -> vector<16xf32>
        %min3A_570 = vector.broadcast %squeeze3A_542 : f32 to vector<16xf32>
        %min3A_571 = arith.minimumf %rev3A_569, %min3A_570 : vector<16xf32>
        %slice3A_572 = vector.extract_strided_slice %min3A_571 {offsets = [0], sizes = [1], strides = [1]} : vector<16xf32> to vector<1xf32>
        %squeeze3A_573 = vector.extract %slice3A_572[0] : f32 from vector<1xf32>
        %sub3A_574 = arith.subf %min3A_571, %mul3A_64 : vector<16xf32>
        %get3A_575 = arith.index_cast %sub3A_462 : i32 to index
        %get3A_576 = arith.constant 16 : index
        %get3A_577 = tpu.vector_load %arg8[%get3A_575, %get3A_576] {strides = array<i32>} : memref<65x64xf32, #tpu.memory_space<vmem>>, vector<16xf32>,
        %add3A_578 = arith.addf %sub3A_574, %get3A_577 : vector<16xf32>
        %swap3A_579 = arith.index_cast %sub3A_462 : i32 to index
        %swap3A_580 = arith.constant 16 : index
        %swap3A_581 = tpu.vector_load %arg9[%swap3A_579, %swap3A_580] {strides = array<i32>} : memref<65x64xf32, #tpu.memory_space<vmem>>, vector<16xf32>,
        tpu.vector_store %arg9[%swap3A_579, %swap3A_580], %add3A_578 {strides = array<i32>} : memref<65x64xf32, #tpu.memory_space<vmem>>, vector<16xf32>,
        %rev3A_582 = arith.constant 15 : i32
        %rev3A_583 = vector.broadcast %rev3A_582 : i32 to vector<16xi32>
        %rev3A_584 = tpu.iota {dimensions = array<i32: 0>} : vector<16xi32>
        %rev3A_585 = arith.subi %rev3A_583, %rev3A_584 : vector<16xi32>
        %rev3A_586 = tpu.dynamic_gather %add3A_473[%rev3A_585] in [0] : vector<16xf32>, vector<16xi32> -> vector<16xf32>
        %neg3A_587 = arith.constant 0.000000e+00 : f32
        %neg3A_588 = vector.broadcast %neg3A_587 : f32 to vector<16xf32>
        %neg3A_589 = arith.subf %neg3A_588, %rev3A_586 : vector<16xf32>
        %broadcast_in_dim3A_590 = arith.constant true
        %broadcast_in_dim3A_591 = vector.broadcast %broadcast_in_dim3A_590 : i1 to vector<16xi1>
        %masked_cummax3A_592 = tpu.scan <max>, %neg3A_589 masked %broadcast_in_dim3A_591 : vector<16xf32>, vector<16xi1> -> vector<16xf32>
        %neg3A_593 = arith.constant 0.000000e+00 : f32
        %neg3A_594 = vector.broadcast %neg3A_593 : f32 to vector<16xf32>
        %neg3A_595 = arith.subf %neg3A_594, %masked_cummax3A_592 : vector<16xf32>
        %rev3A_596 = arith.constant 15 : i32
        %rev3A_597 = vector.broadcast %rev3A_596 : i32 to vector<16xi32>
        %rev3A_598 = tpu.iota {dimensions = array<i32: 0>} : vector<16xi32>
        %rev3A_599 = arith.subi %rev3A_597, %rev3A_598 : vector<16xi32>
        %rev3A_600 = tpu.dynamic_gather %neg3A_595[%rev3A_599] in [0] : vector<16xf32>, vector<16xi32> -> vector<16xf32>
        %min3A_601 = vector.broadcast %squeeze3A_573 : f32 to vector<16xf32>
        %min3A_602 = arith.minimumf %rev3A_600, %min3A_601 : vector<16xf32>
        %slice3A_603 = vector.extract_strided_slice %min3A_602 {offsets = [0], sizes = [1], strides = [1]} : vector<16xf32> to vector<1xf32>
        %squeeze3A_604 = vector.extract %slice3A_603[0] : f32 from vector<1xf32>
        %sub3A_605 = arith.subf %min3A_602, %mul3A_57 : vector<16xf32>
        %get3A_606 = arith.index_cast %sub3A_462 : i32 to index
        %get3A_607 = arith.constant 0 : index
        %get3A_608 = tpu.vector_load %arg8[%get3A_606, %get3A_607] {strides = array<i32>} : memref<65x64xf32, #tpu.memory_space<vmem>>, vector<16xf32>,
        %add3A_609 = arith.addf %sub3A_605, %get3A_608 : vector<16xf32>
        %swap3A_610 = arith.index_cast %sub3A_462 : i32 to index
        %swap3A_611 = arith.constant 0 : index
        %swap3A_612 = tpu.vector_load %arg9[%swap3A_610, %swap3A_611] {strides = array<i32>} : memref<65x64xf32, #tpu.memory_space<vmem>>, vector<16xf32>,
        tpu.vector_store %arg9[%swap3A_610, %swap3A_611], %add3A_609 {strides = array<i32>} : memref<65x64xf32, #tpu.memory_space<vmem>>, vector<16xf32>,
        scf.yield %sub3A_605, %sub3A_574, %sub3A_543, %sub3A_512 : vector<16xf32>, vector<16xf32>, vector<16xf32>, vector<16xf32>
      }
      %while3A_398 = arith.constant 1 : i32
      %while3A_399:4 = scf.for %while3A_456 = %while3A_395 to %while3A_391 step %while3A_398 iter_args(%while3A_457 = %while3A_397#0, %while3A_458 = %while3A_397#1, %while3A_459 = %while3A_397#2, %while3A_460 = %while3A_397#3) -> (vector<16xf32>, vector<16xf32>, vector<16xf32>, vector<16xf32>)  : i32 {
        %sub3A_461 = arith.constant 63 : i32
        %sub3A_462 = arith.subi %sub3A_461, %while3A_456 : i32
        %broadcast_in_dim3A_463 = arith.constant 1 : i32
        %broadcast_in_dim3A_464 = vector.broadcast %broadcast_in_dim3A_463 : i32 to vector<16xi32>
        %sub3A_465 = arith.constant 63 : i32
        %sub3A_466 = arith.subi %sub3A_465, %sub3A_462 : i32
        %broadcast_in_dim3A_467 = vector.broadcast %sub3A_466 : i32 to vector<16xi32>
        %gather3A_468 = tpu.vector_load_idx %arg7[%broadcast_in_dim3A_464, %broadcast_in_dim3A_467] : memref<2x64xf32, #tpu.memory_space<vmem>>[vector<16xi32>, vector<16xi32>], vector<16xf32>,
        %get3A_469 = arith.index_cast %sub3A_462 : i32 to index
        %get3A_470 = arith.constant 0 : index
        %get3A_471 = tpu.vector_load %arg6[%get3A_469, %get3A_470] {strides = array<i32>} : memref<64x64xf32, #tpu.memory_space<vmem>>, vector<16xf32>,
        %sub3A_472 = arith.subf %while3A_457, %get3A_471 : vector<16xf32>
        %add3A_473 = arith.addf %sub3A_472, %mul3A_57 : vector<16xf32>
        %get3A_474 = arith.index_cast %sub3A_462 : i32 to index
        %get3A_475 = arith.constant 16 : index
        %get3A_476 = tpu.vector_load %arg6[%get3A_474, %get3A_475] {strides = array<i32>} : memref<64x64xf32, #tpu.memory_space<vmem>>, vector<16xf32>,
        %sub3A_477 = arith.subf %while3A_458, %get3A_476 : vector<16xf32>
        %add3A_478 = arith.addf %sub3A_477, %mul3A_64 : vector<16xf32>
        %get3A_479 = arith.index_cast %sub3A_462 : i32 to index
        %get3A_480 = arith.constant 32 : index
        %get3A_481 = tpu.vector_load %arg6[%get3A_479, %get3A_480] {strides = array<i32>} : memref<64x64xf32, #tpu.memory_space<vmem>>, vector<16xf32>,
        %sub3A_482 = arith.subf %while3A_459, %get3A_481 : vector<16xf32>
        %add3A_483 = arith.addf %sub3A_482, %mul3A_71 : vector<16xf32>
        %get3A_484 = arith.index_cast %sub3A_462 : i32 to index
        %get3A_485 = arith.constant 48 : index
        %get3A_486 = tpu.vector_load %arg6[%get3A_484, %get3A_485] {strides = array<i32>} : memref<64x64xf32, #tpu.memory_space<vmem>>, vector<16xf32>,
        %sub3A_487 = arith.subf %while3A_460, %get3A_486 : vector<16xf32>
        %add3A_488 = arith.addf %sub3A_487, %mul3A_78 : vector<16xf32>
        %eq3A_489 = arith.constant 15 : i32
        %eq3A_490 = vector.broadcast %eq3A_489 : i32 to vector<16xi32>
        %eq3A_491 = arith.cmpi eq, %iota3A, %eq3A_490 : vector<16xi32>
        %add3A_492 = arith.addf %gather3A_468, %mul3A_78 : vector<16xf32>
        %select_n3A = arith.select %eq3A_491, %add3A_492, %add3A_488 : vector<16xi1>, vector<16xf32>
        %rev3A = arith.constant 15 : i32
        %rev3A_493 = vector.broadcast %rev3A : i32 to vector<16xi32>
        %rev3A_494 = tpu.iota {dimensions = array<i32: 0>} : vector<16xi32>
        %rev3A_495 = arith.subi %rev3A_493, %rev3A_494 : vector<16xi32>
        %rev3A_496 = tpu.dynamic_gather %select_n3A[%rev3A_495] in [0] : vector<16xf32>, vector<16xi32> -> vector<16xf32>
        %neg3A_497 = arith.constant 0.000000e+00 : f32
        %neg3A_498 = vector.broadcast %neg3A_497 : f32 to vector<16xf32>
        %neg3A_499 = arith.subf %neg3A_498, %rev3A_496 : vector<16xf32>
        %broadcast_in_dim3A_500 = arith.constant true
        %broadcast_in_dim3A_501 = vector.broadcast %broadcast_in_dim3A_500 : i1 to vector<16xi1>
        %masked_cummax3A = tpu.scan <max>, %neg3A_499 masked %broadcast_in_dim3A_501 : vector<16xf32>, vector<16xi1> -> vector<16xf32>
        %neg3A_502 = arith.constant 0.000000e+00 : f32
        %neg3A_503 = vector.broadcast %neg3A_502 : f32 to vector<16xf32>
        %neg3A_504 = arith.subf %neg3A_503, %masked_cummax3A : vector<16xf32>
        %rev3A_505 = arith.constant 15 : i32
        %rev3A_506 = vector.broadcast %rev3A_505 : i32 to vector<16xi32>
        %rev3A_507 = tpu.iota {dimensions = array<i32: 0>} : vector<16xi32>
        %rev3A_508 = arith.subi %rev3A_506, %rev3A_507 : vector<16xi32>
        %rev3A_509 = tpu.dynamic_gather %neg3A_504[%rev3A_508] in [0] : vector<16xf32>, vector<16xi32> -> vector<16xf32>
        %min3A = arith.constant 0x7F800000 : f32
        %min3A_510 = vector.broadcast %min3A : f32 to vector<16xf32>
        %min3A_511 = arith.minimumf %rev3A_509, %min3A_510 : vector<16xf32>
        %slice3A = vector.extract_strided_slice %min3A_511 {offsets = [0], sizes = [1], strides = [1]} : vector<16xf32> to vector<1xf32>
        %squeeze3A = vector.extract %slice3A[0] : f32 from vector<1xf32>
        %sub3A_512 = arith.subf %min3A_511, %mul3A_78 : vector<16xf32>
        %get3A_513 = arith.index_cast %sub3A_462 : i32 to index
        %get3A_514 = arith.constant 48 : index
        %get3A_515 = tpu.vector_load %arg8[%get3A_513, %get3A_514] {strides = array<i32>} : memref<65x64xf32, #tpu.memory_space<vmem>>, vector<16xf32>,
        %add3A_516 = arith.addf %sub3A_512, %get3A_515 : vector<16xf32>
        %swap3A_517 = arith.index_cast %sub3A_462 : i32 to index
        %swap3A_518 = arith.constant 48 : index
        %swap3A_519 = tpu.vector_load %arg9[%swap3A_517, %swap3A_518] {strides = array<i32>} : memref<65x64xf32, #tpu.memory_space<vmem>>, vector<16xf32>,
        tpu.vector_store %arg9[%swap3A_517, %swap3A_518], %add3A_516 {strides = array<i32>} : memref<65x64xf32, #tpu.memory_space<vmem>>, vector<16xf32>,
        %rev3A_520 = arith.constant 15 : i32
        %rev3A_521 = vector.broadcast %rev3A_520 : i32 to vector<16xi32>
        %rev3A_522 = tpu.iota {dimensions = array<i32: 0>} : vector<16xi32>
        %rev3A_523 = arith.subi %rev3A_521, %rev3A_522 : vector<16xi32>
        %rev3A_524 = tpu.dynamic_gather %add3A_483[%rev3A_523] in [0] : vector<16xf32>, vector<16xi32> -> vector<16xf32>
        %neg3A_525 = arith.constant 0.000000e+00 : f32
        %neg3A_526 = vector.broadcast %neg3A_525 : f32 to vector<16xf32>
        %neg3A_527 = arith.subf %neg3A_526, %rev3A_524 : vector<16xf32>
        %broadcast_in_dim3A_528 = arith.constant true
        %broadcast_in_dim3A_529 = vector.broadcast %broadcast_in_dim3A_528 : i1 to vector<16xi1>
        %masked_cummax3A_530 = tpu.scan <max>, %neg3A_527 masked %broadcast_in_dim3A_529 : vector<16xf32>, vector<16xi1> -> vector<16xf32>
        %neg3A_531 = arith.constant 0.000000e+00 : f32
        %neg3A_532 = vector.broadcast %neg3A_531 : f32 to vector<16xf32>
        %neg3A_533 = arith.subf %neg3A_532, %masked_cummax3A_530 : vector<16xf32>
        %rev3A_534 = arith.constant 15 : i32
        %rev3A_535 = vector.broadcast %rev3A_534 : i32 to vector<16xi32>
        %rev3A_536 = tpu.iota {dimensions = array<i32: 0>} : vector<16xi32>
        %rev3A_537 = arith.subi %rev3A_535, %rev3A_536 : vector<16xi32>
        %rev3A_538 = tpu.dynamic_gather %neg3A_533[%rev3A_537] in [0] : vector<16xf32>, vector<16xi32> -> vector<16xf32>
        %min3A_539 = vector.broadcast %squeeze3A : f32 to vector<16xf32>
        %min3A_540 = arith.minimumf %rev3A_538, %min3A_539 : vector<16xf32>
        %slice3A_541 = vector.extract_strided_slice %min3A_540 {offsets = [0], sizes = [1], strides = [1]} : vector<16xf32> to vector<1xf32>
        %squeeze3A_542 = vector.extract %slice3A_541[0] : f32 from vector<1xf32>
        %sub3A_543 = arith.subf %min3A_540, %mul3A_71 : vector<16xf32>
        %get3A_544 = arith.index_cast %sub3A_462 : i32 to index
        %get3A_545 = arith.constant 32 : index
        %get3A_546 = tpu.vector_load %arg8[%get3A_544, %get3A_545] {strides = array<i32>} : memref<65x64xf32, #tpu.memory_space<vmem>>, vector<16xf32>,
        %add3A_547 = arith.addf %sub3A_543, %get3A_546 : vector<16xf32>
        %swap3A_548 = arith.index_cast %sub3A_462 : i32 to index
        %swap3A_549 = arith.constant 32 : index
        %swap3A_550 = tpu.vector_load %arg9[%swap3A_548, %swap3A_549] {strides = array<i32>} : memref<65x64xf32, #tpu.memory_space<vmem>>, vector<16xf32>,
        tpu.vector_store %arg9[%swap3A_548, %swap3A_549], %add3A_547 {strides = array<i32>} : memref<65x64xf32, #tpu.memory_space<vmem>>, vector<16xf32>,
        %rev3A_551 = arith.constant 15 : i32
        %rev3A_552 = vector.broadcast %rev3A_551 : i32 to vector<16xi32>
        %rev3A_553 = tpu.iota {dimensions = array<i32: 0>} : vector<16xi32>
        %rev3A_554 = arith.subi %rev3A_552, %rev3A_553 : vector<16xi32>
        %rev3A_555 = tpu.dynamic_gather %add3A_478[%rev3A_554] in [0] : vector<16xf32>, vector<16xi32> -> vector<16xf32>
        %neg3A_556 = arith.constant 0.000000e+00 : f32
        %neg3A_557 = vector.broadcast %neg3A_556 : f32 to vector<16xf32>
        %neg3A_558 = arith.subf %neg3A_557, %rev3A_555 : vector<16xf32>
        %broadcast_in_dim3A_559 = arith.constant true
        %broadcast_in_dim3A_560 = vector.broadcast %broadcast_in_dim3A_559 : i1 to vector<16xi1>
        %masked_cummax3A_561 = tpu.scan <max>, %neg3A_558 masked %broadcast_in_dim3A_560 : vector<16xf32>, vector<16xi1> -> vector<16xf32>
        %neg3A_562 = arith.constant 0.000000e+00 : f32
        %neg3A_563 = vector.broadcast %neg3A_562 : f32 to vector<16xf32>
        %neg3A_564 = arith.subf %neg3A_563, %masked_cummax3A_561 : vector<16xf32>
        %rev3A_565 = arith.constant 15 : i32
        %rev3A_566 = vector.broadcast %rev3A_565 : i32 to vector<16xi32>
        %rev3A_567 = tpu.iota {dimensions = array<i32: 0>} : vector<16xi32>
        %rev3A_568 = arith.subi %rev3A_566, %rev3A_567 : vector<16xi32>
        %rev3A_569 = tpu.dynamic_gather %neg3A_564[%rev3A_568] in [0] : vector<16xf32>, vector<16xi32> -> vector<16xf32>
        %min3A_570 = vector.broadcast %squeeze3A_542 : f32 to vector<16xf32>
        %min3A_571 = arith.minimumf %rev3A_569, %min3A_570 : vector<16xf32>
        %slice3A_572 = vector.extract_strided_slice %min3A_571 {offsets = [0], sizes = [1], strides = [1]} : vector<16xf32> to vector<1xf32>
        %squeeze3A_573 = vector.extract %slice3A_572[0] : f32 from vector<1xf32>
        %sub3A_574 = arith.subf %min3A_571, %mul3A_64 : vector<16xf32>
        %get3A_575 = arith.index_cast %sub3A_462 : i32 to index
        %get3A_576 = arith.constant 16 : index
        %get3A_577 = tpu.vector_load %arg8[%get3A_575, %get3A_576] {strides = array<i32>} : memref<65x64xf32, #tpu.memory_space<vmem>>, vector<16xf32>,
        %add3A_578 = arith.addf %sub3A_574, %get3A_577 : vector<16xf32>
        %swap3A_579 = arith.index_cast %sub3A_462 : i32 to index
        %swap3A_580 = arith.constant 16 : index
        %swap3A_581 = tpu.vector_load %arg9[%swap3A_579, %swap3A_580] {strides = array<i32>} : memref<65x64xf32, #tpu.memory_space<vmem>>, vector<16xf32>,
        tpu.vector_store %arg9[%swap3A_579, %swap3A_580], %add3A_578 {strides = array<i32>} : memref<65x64xf32, #tpu.memory_space<vmem>>, vector<16xf32>,
        %rev3A_582 = arith.constant 15 : i32
        %rev3A_583 = vector.broadcast %rev3A_582 : i32 to vector<16xi32>
        %rev3A_584 = tpu.iota {dimensions = array<i32: 0>} : vector<16xi32>
        %rev3A_585 = arith.subi %rev3A_583, %rev3A_584 : vector<16xi32>
        %rev3A_586 = tpu.dynamic_gather %add3A_473[%rev3A_585] in [0] : vector<16xf32>, vector<16xi32> -> vector<16xf32>
        %neg3A_587 = arith.constant 0.000000e+00 : f32
        %neg3A_588 = vector.broadcast %neg3A_587 : f32 to vector<16xf32>
        %neg3A_589 = arith.subf %neg3A_588, %rev3A_586 : vector<16xf32>
        %broadcast_in_dim3A_590 = arith.constant true
        %broadcast_in_dim3A_591 = vector.broadcast %broadcast_in_dim3A_590 : i1 to vector<16xi1>
        %masked_cummax3A_592 = tpu.scan <max>, %neg3A_589 masked %broadcast_in_dim3A_591 : vector<16xf32>, vector<16xi1> -> vector<16xf32>
        %neg3A_593 = arith.constant 0.000000e+00 : f32
        %neg3A_594 = vector.broadcast %neg3A_593 : f32 to vector<16xf32>
        %neg3A_595 = arith.subf %neg3A_594, %masked_cummax3A_592 : vector<16xf32>
        %rev3A_596 = arith.constant 15 : i32
        %rev3A_597 = vector.broadcast %rev3A_596 : i32 to vector<16xi32>
        %rev3A_598 = tpu.iota {dimensions = array<i32: 0>} : vector<16xi32>
        %rev3A_599 = arith.subi %rev3A_597, %rev3A_598 : vector<16xi32>
        %rev3A_600 = tpu.dynamic_gather %neg3A_595[%rev3A_599] in [0] : vector<16xf32>, vector<16xi32> -> vector<16xf32>
        %min3A_601 = vector.broadcast %squeeze3A_573 : f32 to vector<16xf32>
        %min3A_602 = arith.minimumf %rev3A_600, %min3A_601 : vector<16xf32>
        %slice3A_603 = vector.extract_strided_slice %min3A_602 {offsets = [0], sizes = [1], strides = [1]} : vector<16xf32> to vector<1xf32>
        %squeeze3A_604 = vector.extract %slice3A_603[0] : f32 from vector<1xf32>
        %sub3A_605 = arith.subf %min3A_602, %mul3A_57 : vector<16xf32>
        %get3A_606 = arith.index_cast %sub3A_462 : i32 to index
        %get3A_607 = arith.constant 0 : index
        %get3A_608 = tpu.vector_load %arg8[%get3A_606, %get3A_607] {strides = array<i32>} : memref<65x64xf32, #tpu.memory_space<vmem>>, vector<16xf32>,
        %add3A_609 = arith.addf %sub3A_605, %get3A_608 : vector<16xf32>
        %swap3A_610 = arith.index_cast %sub3A_462 : i32 to index
        %swap3A_611 = arith.constant 0 : index
        %swap3A_612 = tpu.vector_load %arg9[%swap3A_610, %swap3A_611] {strides = array<i32>} : memref<65x64xf32, #tpu.memory_space<vmem>>, vector<16xf32>,
        tpu.vector_store %arg9[%swap3A_610, %swap3A_611], %add3A_609 {strides = array<i32>} : memref<65x64xf32, #tpu.memory_space<vmem>>, vector<16xf32>,
        scf.yield %sub3A_605, %sub3A_574, %sub3A_543, %sub3A_512 : vector<16xf32>, vector<16xf32>, vector<16xf32>, vector<16xf32>
      }
      %broadcast_in_dim3A_400 = arith.constant 63 : i32
      %broadcast_in_dim3A_401 = vector.broadcast %broadcast_in_dim3A_400 : i32 to vector<16xi32>
      %swap3A_402 = arith.constant 0 : index
      %swap3A_403 = tpu.vector_load %arg10[%swap3A_402] {strides = array<i32>} : memref<64xi32, #tpu.memory_space<vmem>>, vector<16xi32>,
      tpu.vector_store %arg10[%swap3A_402], %broadcast_in_dim3A_401 {strides = array<i32>} : memref<64xi32, #tpu.memory_space<vmem>>, vector<16xi32>,
      %broadcast_in_dim3A_404 = arith.constant 63 : i32
      %broadcast_in_dim3A_405 = vector.broadcast %broadcast_in_dim3A_404 : i32 to vector<16xi32>
      %swap3A_406 = arith.constant 16 : index
      %swap3A_407 = tpu.vector_load %arg10[%swap3A_406] {strides = array<i32>} : memref<64xi32, #tpu.memory_space<vmem>>, vector<16xi32>,
      tpu.vector_store %arg10[%swap3A_406], %broadcast_in_dim3A_405 {strides = array<i32>} : memref<64xi32, #tpu.memory_space<vmem>>, vector<16xi32>,
      %broadcast_in_dim3A_408 = arith.constant 63 : i32
      %broadcast_in_dim3A_409 = vector.broadcast %broadcast_in_dim3A_408 : i32 to vector<16xi32>
      %swap3A_410 = arith.constant 32 : index
      %swap3A_411 = tpu.vector_load %arg10[%swap3A_410] {strides = array<i32>} : memref<64xi32, #tpu.memory_space<vmem>>, vector<16xi32>,
      tpu.vector_store %arg10[%swap3A_410], %broadcast_in_dim3A_409 {strides = array<i32>} : memref<64xi32, #tpu.memory_space<vmem>>, vector<16xi32>,
      %broadcast_in_dim3A_412 = arith.constant 63 : i32
      %broadcast_in_dim3A_413 = vector.broadcast %broadcast_in_dim3A_412 : i32 to vector<16xi32>
      %swap3A_414 = arith.constant 48 : index
      %swap3A_415 = tpu.vector_load %arg10[%swap3A_414] {strides = array<i32>} : memref<64xi32, #tpu.memory_space<vmem>>, vector<16xi32>,
      tpu.vector_store %arg10[%swap3A_414], %broadcast_in_dim3A_413 {strides = array<i32>} : memref<64xi32, #tpu.memory_space<vmem>>, vector<16xi32>,
      %eq3A = arith.constant 0 : i32
      %eq3A_416 = vector.broadcast %eq3A : i32 to vector<16xi32>
      %eq3A_417 = arith.cmpi eq, %iota3A, %eq3A_416 : vector<16xi32>
      %broadcast_in_dim3A_418 = arith.constant 0 : i32
      %broadcast_in_dim3A_419 = vector.broadcast %broadcast_in_dim3A_418 : i32 to vector<16xi32>
      %broadcast_in_dim3A_420 = arith.constant 0 : i32
      %broadcast_in_dim3A_421 = vector.broadcast %broadcast_in_dim3A_420 : i32 to vector<16xi32>
      %while3A_422 = arith.constant 0 : i32
      %while3A_423 = arith.constant 127 : i32
      %while3A_424 = arith.subi %while3A_423, %while3A_422 : i32
      %while3A_425 = arith.addi %while3A_422, %while3A_424 : i32
      %while3A_426 = arith.constant 1 : i32
      %while3A_427 = arith.divsi %while3A_424, %while3A_426 : i32
      %while3A_428 = arith.muli %while3A_427, %while3A_426 : i32
      %while3A_429 = arith.addi %while3A_422, %while3A_428 : i32
      %while3A_430 = arith.constant 1 : i32
      %while3A_431:2 = scf.for %while3A_456 = %while3A_422 to %while3A_429 step %while3A_430 iter_args(%while3A_457 = %broadcast_in_dim3A_419, %while3A_458 = %broadcast_in_dim3A_421) -> (vector<16xi32>, vector<16xi32>)  : i32 {
        %lt3A_459 = arith.constant 64 : i32
        %lt3A_460 = vector.broadcast %lt3A_459 : i32 to vector<16xi32>
        %lt3A_461 = arith.cmpi slt, %while3A_457, %lt3A_460 : vector<16xi32>
        %lt3A_462 = arith.constant 63 : i32
        %lt3A_463 = vector.broadcast %lt3A_462 : i32 to vector<16xi32>
        %lt3A_464 = arith.cmpi slt, %while3A_458, %lt3A_463 : vector<16xi32>
        %and3A = arith.andi %lt3A_461, %lt3A_464 : vector<16xi1>
        %min3A = arith.constant 63 : i32
        %min3A_465 = vector.broadcast %min3A : i32 to vector<16xi32>
        %min3A_466 = arith.minsi %while3A_457, %min3A_465 : vector<16xi32>
        %min3A_467 = arith.constant 62 : i32
        %min3A_468 = vector.broadcast %min3A_467 : i32 to vector<16xi32>
        %min3A_469 = arith.minsi %while3A_458, %min3A_468 : vector<16xi32>
        %add3A_470 = arith.constant 1 : i32
        %add3A_471 = vector.broadcast %add3A_470 : i32 to vector<16xi32>
        %add3A_472 = arith.addi %min3A_466, %add3A_471 : vector<16xi32>
        %gather3A_473 = tpu.vector_load_idx %arg9[%add3A_472, %min3A_469] : memref<65x64xf32, #tpu.memory_space<vmem>>[vector<16xi32>, vector<16xi32>], vector<16xf32>,
        %add3A_474 = arith.constant 1 : i32
        %add3A_475 = vector.broadcast %add3A_474 : i32 to vector<16xi32>
        %add3A_476 = arith.addi %min3A_469, %add3A_475 : vector<16xi32>
        %gather3A_477 = tpu.vector_load_idx %arg9[%min3A_466, %add3A_476] : memref<65x64xf32, #tpu.memory_space<vmem>>[vector<16xi32>, vector<16xi32>], vector<16xf32>,
        %le3A = arith.cmpf ole, %gather3A_473, %gather3A_477 : vector<16xf32>
        %and3A_478 = arith.andi %and3A, %le3A : vector<16xi1>
        %not3A = arith.constant dense<true> : vector<16xi1>
        %not3A_479 = arith.xori %and3A_478, %not3A : vector<16xi1>
        %and3A_480 = arith.andi %and3A, %not3A_479 : vector<16xi1>
        %and3A_481 = arith.andi %and3A_478, %eq3A_417 : vector<16xi1>
        tpu.vector_store_idx %arg10[%min3A_466], %min3A_469 masked %and3A_481 : memref<64xi32, #tpu.memory_space<vmem>>[vector<16xi32>], vector<16xi32>, vector<16xi1>
        %add3A_482 = arith.constant 1 : i32
        %add3A_483 = vector.broadcast %add3A_482 : i32 to vector<16xi32>
        %add3A_484 = arith.addi %while3A_457, %add3A_483 : vector<16xi32>
        %select_n3A = arith.select %and3A_478, %add3A_484, %while3A_457 : vector<16xi1>, vector<16xi32>
        %add3A_485 = arith.constant 1 : i32
        %add3A_486 = vector.broadcast %add3A_485 : i32 to vector<16xi32>
        %add3A_487 = arith.addi %while3A_458, %add3A_486 : vector<16xi32>
        %select_n3A_488 = arith.select %and3A_480, %add3A_487, %while3A_458 : vector<16xi1>, vector<16xi32>
        scf.yield %select_n3A, %select_n3A_488 : vector<16xi32>, vector<16xi32>
      }
      %while3A_432 = arith.constant 1 : i32
      %while3A_433:2 = scf.for %while3A_456 = %while3A_429 to %while3A_425 step %while3A_432 iter_args(%while3A_457 = %while3A_431#0, %while3A_458 = %while3A_431#1) -> (vector<16xi32>, vector<16xi32>)  : i32 {
        %lt3A_459 = arith.constant 64 : i32
        %lt3A_460 = vector.broadcast %lt3A_459 : i32 to vector<16xi32>
        %lt3A_461 = arith.cmpi slt, %while3A_457, %lt3A_460 : vector<16xi32>
        %lt3A_462 = arith.constant 63 : i32
        %lt3A_463 = vector.broadcast %lt3A_462 : i32 to vector<16xi32>
        %lt3A_464 = arith.cmpi slt, %while3A_458, %lt3A_463 : vector<16xi32>
        %and3A = arith.andi %lt3A_461, %lt3A_464 : vector<16xi1>
        %min3A = arith.constant 63 : i32
        %min3A_465 = vector.broadcast %min3A : i32 to vector<16xi32>
        %min3A_466 = arith.minsi %while3A_457, %min3A_465 : vector<16xi32>
        %min3A_467 = arith.constant 62 : i32
        %min3A_468 = vector.broadcast %min3A_467 : i32 to vector<16xi32>
        %min3A_469 = arith.minsi %while3A_458, %min3A_468 : vector<16xi32>
        %add3A_470 = arith.constant 1 : i32
        %add3A_471 = vector.broadcast %add3A_470 : i32 to vector<16xi32>
        %add3A_472 = arith.addi %min3A_466, %add3A_471 : vector<16xi32>
        %gather3A_473 = tpu.vector_load_idx %arg9[%add3A_472, %min3A_469] : memref<65x64xf32, #tpu.memory_space<vmem>>[vector<16xi32>, vector<16xi32>], vector<16xf32>,
        %add3A_474 = arith.constant 1 : i32
        %add3A_475 = vector.broadcast %add3A_474 : i32 to vector<16xi32>
        %add3A_476 = arith.addi %min3A_469, %add3A_475 : vector<16xi32>
        %gather3A_477 = tpu.vector_load_idx %arg9[%min3A_466, %add3A_476] : memref<65x64xf32, #tpu.memory_space<vmem>>[vector<16xi32>, vector<16xi32>], vector<16xf32>,
        %le3A = arith.cmpf ole, %gather3A_473, %gather3A_477 : vector<16xf32>
        %and3A_478 = arith.andi %and3A, %le3A : vector<16xi1>
        %not3A = arith.constant dense<true> : vector<16xi1>
        %not3A_479 = arith.xori %and3A_478, %not3A : vector<16xi1>
        %and3A_480 = arith.andi %and3A, %not3A_479 : vector<16xi1>
        %and3A_481 = arith.andi %and3A_478, %eq3A_417 : vector<16xi1>
        tpu.vector_store_idx %arg10[%min3A_466], %min3A_469 masked %and3A_481 : memref<64xi32, #tpu.memory_space<vmem>>[vector<16xi32>], vector<16xi32>, vector<16xi1>
        %add3A_482 = arith.constant 1 : i32
        %add3A_483 = vector.broadcast %add3A_482 : i32 to vector<16xi32>
        %add3A_484 = arith.addi %while3A_457, %add3A_483 : vector<16xi32>
        %select_n3A = arith.select %and3A_478, %add3A_484, %while3A_457 : vector<16xi1>, vector<16xi32>
        %add3A_485 = arith.constant 1 : i32
        %add3A_486 = vector.broadcast %add3A_485 : i32 to vector<16xi32>
        %add3A_487 = arith.addi %while3A_458, %add3A_486 : vector<16xi32>
        %select_n3A_488 = arith.select %and3A_480, %add3A_487, %while3A_458 : vector<16xi1>, vector<16xi32>
        scf.yield %select_n3A, %select_n3A_488 : vector<16xi32>, vector<16xi32>
      }
      %while3A_434 = arith.constant 0 : i32
      %while3A_435 = arith.constant 0 : i32
      %while3A_436 = arith.constant 64 : i32
      %while3A_437 = arith.subi %while3A_436, %while3A_435 : i32
      %while3A_438 = arith.addi %while3A_435, %while3A_437 : i32
      %while3A_439 = arith.constant 1 : i32
      %while3A_440 = arith.divsi %while3A_437, %while3A_439 : i32
      %while3A_441 = arith.muli %while3A_440, %while3A_439 : i32
      %while3A_442 = arith.addi %while3A_435, %while3A_441 : i32
      %while3A_443 = arith.constant 1 : i32
      scf.for %while3A_456 = %while3A_435 to %while3A_442 step %while3A_443  : i32 {
        %broadcast_in_dim3A_457 = vector.broadcast %while3A_456 : i32 to vector<16xi32>
        %gather3A_458 = tpu.vector_load_idx %arg10[%broadcast_in_dim3A_457] : memref<64xi32, #tpu.memory_space<vmem>>[vector<16xi32>], vector<16xi32>,
        %add3A_459 = arith.constant 0 : i32
        %add3A_460 = vector.broadcast %add3A_459 : i32 to vector<16xi32>
        %add3A_461 = arith.addi %iota3A, %add3A_460 : vector<16xi32>
        %ge3A = arith.cmpi sge, %add3A_461, %gather3A_458 : vector<16xi32>
        %jit3A = arith.constant 1.000000e+00 : f32
        %jit3A_462 = arith.constant 0.000000e+00 : f32
        %broadcast_in_dim3A_463 = vector.broadcast %jit3A : f32 to vector<16xf32>
        %broadcast_in_dim3A_464 = vector.broadcast %jit3A_462 : f32 to vector<16xf32>
        %select_n3A = arith.select %ge3A, %broadcast_in_dim3A_463, %broadcast_in_dim3A_464 : vector<16xi1>, vector<16xf32>
        %swap3A_465 = arith.index_cast %while3A_456 : i32 to index
        %swap3A_466 = arith.constant 0 : index
        %swap3A_467 = tpu.vector_load %arg11[%swap3A_465, %swap3A_466] {strides = array<i32>} : memref<64x64xf32, #tpu.memory_space<vmem>>, vector<16xf32>,
        tpu.vector_store %arg11[%swap3A_465, %swap3A_466], %select_n3A {strides = array<i32>} : memref<64x64xf32, #tpu.memory_space<vmem>>, vector<16xf32>,
        %add3A_468 = arith.constant 16 : i32
        %add3A_469 = vector.broadcast %add3A_468 : i32 to vector<16xi32>
        %add3A_470 = arith.addi %iota3A, %add3A_469 : vector<16xi32>
        %ge3A_471 = arith.cmpi sge, %add3A_470, %gather3A_458 : vector<16xi32>
        %jit3A_472 = arith.constant 1.000000e+00 : f32
        %jit3A_473 = arith.constant 0.000000e+00 : f32
        %broadcast_in_dim3A_474 = vector.broadcast %jit3A_472 : f32 to vector<16xf32>
        %broadcast_in_dim3A_475 = vector.broadcast %jit3A_473 : f32 to vector<16xf32>
        %select_n3A_476 = arith.select %ge3A_471, %broadcast_in_dim3A_474, %broadcast_in_dim3A_475 : vector<16xi1>, vector<16xf32>
        %swap3A_477 = arith.index_cast %while3A_456 : i32 to index
        %swap3A_478 = arith.constant 16 : index
        %swap3A_479 = tpu.vector_load %arg11[%swap3A_477, %swap3A_478] {strides = array<i32>} : memref<64x64xf32, #tpu.memory_space<vmem>>, vector<16xf32>,
        tpu.vector_store %arg11[%swap3A_477, %swap3A_478], %select_n3A_476 {strides = array<i32>} : memref<64x64xf32, #tpu.memory_space<vmem>>, vector<16xf32>,
        %add3A_480 = arith.constant 32 : i32
        %add3A_481 = vector.broadcast %add3A_480 : i32 to vector<16xi32>
        %add3A_482 = arith.addi %iota3A, %add3A_481 : vector<16xi32>
        %ge3A_483 = arith.cmpi sge, %add3A_482, %gather3A_458 : vector<16xi32>
        %jit3A_484 = arith.constant 1.000000e+00 : f32
        %jit3A_485 = arith.constant 0.000000e+00 : f32
        %broadcast_in_dim3A_486 = vector.broadcast %jit3A_484 : f32 to vector<16xf32>
        %broadcast_in_dim3A_487 = vector.broadcast %jit3A_485 : f32 to vector<16xf32>
        %select_n3A_488 = arith.select %ge3A_483, %broadcast_in_dim3A_486, %broadcast_in_dim3A_487 : vector<16xi1>, vector<16xf32>
        %swap3A_489 = arith.index_cast %while3A_456 : i32 to index
        %swap3A_490 = arith.constant 32 : index
        %swap3A_491 = tpu.vector_load %arg11[%swap3A_489, %swap3A_490] {strides = array<i32>} : memref<64x64xf32, #tpu.memory_space<vmem>>, vector<16xf32>,
        tpu.vector_store %arg11[%swap3A_489, %swap3A_490], %select_n3A_488 {strides = array<i32>} : memref<64x64xf32, #tpu.memory_space<vmem>>, vector<16xf32>,
        %add3A_492 = arith.constant 48 : i32
        %add3A_493 = vector.broadcast %add3A_492 : i32 to vector<16xi32>
        %add3A_494 = arith.addi %iota3A, %add3A_493 : vector<16xi32>
        %ge3A_495 = arith.cmpi sge, %add3A_494, %gather3A_458 : vector<16xi32>
        %jit3A_496 = arith.constant 1.000000e+00 : f32
        %jit3A_497 = arith.constant 0.000000e+00 : f32
        %broadcast_in_dim3A_498 = vector.broadcast %jit3A_496 : f32 to vector<16xf32>
        %broadcast_in_dim3A_499 = vector.broadcast %jit3A_497 : f32 to vector<16xf32>
        %select_n3A_500 = arith.select %ge3A_495, %broadcast_in_dim3A_498, %broadcast_in_dim3A_499 : vector<16xi1>, vector<16xf32>
        %swap3A_501 = arith.index_cast %while3A_456 : i32 to index
        %swap3A_502 = arith.constant 48 : index
        %swap3A_503 = tpu.vector_load %arg11[%swap3A_501, %swap3A_502] {strides = array<i32>} : memref<64x64xf32, #tpu.memory_space<vmem>>, vector<16xf32>,
        tpu.vector_store %arg11[%swap3A_501, %swap3A_502], %select_n3A_500 {strides = array<i32>} : memref<64x64xf32, #tpu.memory_space<vmem>>, vector<16xf32>,
      }
      %while3A_444 = arith.constant 1 : i32
      scf.for %while3A_456 = %while3A_442 to %while3A_438 step %while3A_444  : i32 {
        %broadcast_in_dim3A_457 = vector.broadcast %while3A_456 : i32 to vector<16xi32>
        %gather3A_458 = tpu.vector_load_idx %arg10[%broadcast_in_dim3A_457] : memref<64xi32, #tpu.memory_space<vmem>>[vector<16xi32>], vector<16xi32>,
        %add3A_459 = arith.constant 0 : i32
        %add3A_460 = vector.broadcast %add3A_459 : i32 to vector<16xi32>
        %add3A_461 = arith.addi %iota3A, %add3A_460 : vector<16xi32>
        %ge3A = arith.cmpi sge, %add3A_461, %gather3A_458 : vector<16xi32>
        %jit3A = arith.constant 1.000000e+00 : f32
        %jit3A_462 = arith.constant 0.000000e+00 : f32
        %broadcast_in_dim3A_463 = vector.broadcast %jit3A : f32 to vector<16xf32>
        %broadcast_in_dim3A_464 = vector.broadcast %jit3A_462 : f32 to vector<16xf32>
        %select_n3A = arith.select %ge3A, %broadcast_in_dim3A_463, %broadcast_in_dim3A_464 : vector<16xi1>, vector<16xf32>
        %swap3A_465 = arith.index_cast %while3A_456 : i32 to index
        %swap3A_466 = arith.constant 0 : index
        %swap3A_467 = tpu.vector_load %arg11[%swap3A_465, %swap3A_466] {strides = array<i32>} : memref<64x64xf32, #tpu.memory_space<vmem>>, vector<16xf32>,
        tpu.vector_store %arg11[%swap3A_465, %swap3A_466], %select_n3A {strides = array<i32>} : memref<64x64xf32, #tpu.memory_space<vmem>>, vector<16xf32>,
        %add3A_468 = arith.constant 16 : i32
        %add3A_469 = vector.broadcast %add3A_468 : i32 to vector<16xi32>
        %add3A_470 = arith.addi %iota3A, %add3A_469 : vector<16xi32>
        %ge3A_471 = arith.cmpi sge, %add3A_470, %gather3A_458 : vector<16xi32>
        %jit3A_472 = arith.constant 1.000000e+00 : f32
        %jit3A_473 = arith.constant 0.000000e+00 : f32
        %broadcast_in_dim3A_474 = vector.broadcast %jit3A_472 : f32 to vector<16xf32>
        %broadcast_in_dim3A_475 = vector.broadcast %jit3A_473 : f32 to vector<16xf32>
        %select_n3A_476 = arith.select %ge3A_471, %broadcast_in_dim3A_474, %broadcast_in_dim3A_475 : vector<16xi1>, vector<16xf32>
        %swap3A_477 = arith.index_cast %while3A_456 : i32 to index
        %swap3A_478 = arith.constant 16 : index
        %swap3A_479 = tpu.vector_load %arg11[%swap3A_477, %swap3A_478] {strides = array<i32>} : memref<64x64xf32, #tpu.memory_space<vmem>>, vector<16xf32>,
        tpu.vector_store %arg11[%swap3A_477, %swap3A_478], %select_n3A_476 {strides = array<i32>} : memref<64x64xf32, #tpu.memory_space<vmem>>, vector<16xf32>,
        %add3A_480 = arith.constant 32 : i32
        %add3A_481 = vector.broadcast %add3A_480 : i32 to vector<16xi32>
        %add3A_482 = arith.addi %iota3A, %add3A_481 : vector<16xi32>
        %ge3A_483 = arith.cmpi sge, %add3A_482, %gather3A_458 : vector<16xi32>
        %jit3A_484 = arith.constant 1.000000e+00 : f32
        %jit3A_485 = arith.constant 0.000000e+00 : f32
        %broadcast_in_dim3A_486 = vector.broadcast %jit3A_484 : f32 to vector<16xf32>
        %broadcast_in_dim3A_487 = vector.broadcast %jit3A_485 : f32 to vector<16xf32>
        %select_n3A_488 = arith.select %ge3A_483, %broadcast_in_dim3A_486, %broadcast_in_dim3A_487 : vector<16xi1>, vector<16xf32>
        %swap3A_489 = arith.index_cast %while3A_456 : i32 to index
        %swap3A_490 = arith.constant 32 : index
        %swap3A_491 = tpu.vector_load %arg11[%swap3A_489, %swap3A_490] {strides = array<i32>} : memref<64x64xf32, #tpu.memory_space<vmem>>, vector<16xf32>,
        tpu.vector_store %arg11[%swap3A_489, %swap3A_490], %select_n3A_488 {strides = array<i32>} : memref<64x64xf32, #tpu.memory_space<vmem>>, vector<16xf32>,
        %add3A_492 = arith.constant 48 : i32
        %add3A_493 = vector.broadcast %add3A_492 : i32 to vector<16xi32>
        %add3A_494 = arith.addi %iota3A, %add3A_493 : vector<16xi32>
        %ge3A_495 = arith.cmpi sge, %add3A_494, %gather3A_458 : vector<16xi32>
        %jit3A_496 = arith.constant 1.000000e+00 : f32
        %jit3A_497 = arith.constant 0.000000e+00 : f32
        %broadcast_in_dim3A_498 = vector.broadcast %jit3A_496 : f32 to vector<16xf32>
        %broadcast_in_dim3A_499 = vector.broadcast %jit3A_497 : f32 to vector<16xf32>
        %select_n3A_500 = arith.select %ge3A_495, %broadcast_in_dim3A_498, %broadcast_in_dim3A_499 : vector<16xi1>, vector<16xf32>
        %swap3A_501 = arith.index_cast %while3A_456 : i32 to index
        %swap3A_502 = arith.constant 48 : index
        %swap3A_503 = tpu.vector_load %arg11[%swap3A_501, %swap3A_502] {strides = array<i32>} : memref<64x64xf32, #tpu.memory_space<vmem>>, vector<16xf32>,
        tpu.vector_store %arg11[%swap3A_501, %swap3A_502], %select_n3A_500 {strides = array<i32>} : memref<64x64xf32, #tpu.memory_space<vmem>>, vector<16xf32>,
      }
      %while3A_445 = arith.constant 0 : i32
      %while3A_446 = arith.constant 0 : i32
      %while3A_447 = arith.constant 63 : i32
      %while3A_448 = arith.subi %while3A_447, %while3A_446 : i32
      %while3A_449 = arith.addi %while3A_446, %while3A_448 : i32
      %while3A_450 = arith.constant 1 : i32
      %while3A_451 = arith.divsi %while3A_448, %while3A_450 : i32
      %while3A_452 = arith.muli %while3A_451, %while3A_450 : i32
      %while3A_453 = arith.addi %while3A_446, %while3A_452 : i32
      %while3A_454 = arith.constant 1 : i32
      scf.for %while3A_456 = %while3A_446 to %while3A_453 step %while3A_454  : i32 {
        %add3A_457 = arith.constant 1 : i32
        %add3A_458 = arith.addi %while3A_456, %add3A_457 : i32
        %get3A_459 = arith.index_cast %add3A_458 : i32 to index
        %get3A_460 = arith.constant 0 : index
        %get3A_461 = tpu.vector_load %arg11[%get3A_459, %get3A_460] {strides = array<i32>} : memref<64x64xf32, #tpu.memory_space<vmem>>, vector<16xf32>,
        %sub3A_462 = arith.constant 1.000000e+00 : f32
        %sub3A_463 = vector.broadcast %sub3A_462 : f32 to vector<16xf32>
        %sub3A_464 = arith.subf %sub3A_463, %get3A_461 : vector<16xf32>
        %swap3A_465 = arith.index_cast %while3A_456 : i32 to index
        %swap3A_466 = arith.constant 0 : index
        %swap3A_467 = tpu.vector_load %arg12[%swap3A_465, %swap3A_466] {strides = array<i32>} : memref<63x64xf32, #tpu.memory_space<vmem>>, vector<16xf32>,
        tpu.vector_store %arg12[%swap3A_465, %swap3A_466], %sub3A_464 {strides = array<i32>} : memref<63x64xf32, #tpu.memory_space<vmem>>, vector<16xf32>,
        %add3A_468 = arith.constant 1 : i32
        %add3A_469 = arith.addi %while3A_456, %add3A_468 : i32
        %get3A_470 = arith.index_cast %add3A_469 : i32 to index
        %get3A_471 = arith.constant 16 : index
        %get3A_472 = tpu.vector_load %arg11[%get3A_470, %get3A_471] {strides = array<i32>} : memref<64x64xf32, #tpu.memory_space<vmem>>, vector<16xf32>,
        %sub3A_473 = arith.constant 1.000000e+00 : f32
        %sub3A_474 = vector.broadcast %sub3A_473 : f32 to vector<16xf32>
        %sub3A_475 = arith.subf %sub3A_474, %get3A_472 : vector<16xf32>
        %swap3A_476 = arith.index_cast %while3A_456 : i32 to index
        %swap3A_477 = arith.constant 16 : index
        %swap3A_478 = tpu.vector_load %arg12[%swap3A_476, %swap3A_477] {strides = array<i32>} : memref<63x64xf32, #tpu.memory_space<vmem>>, vector<16xf32>,
        tpu.vector_store %arg12[%swap3A_476, %swap3A_477], %sub3A_475 {strides = array<i32>} : memref<63x64xf32, #tpu.memory_space<vmem>>, vector<16xf32>,
        %add3A_479 = arith.constant 1 : i32
        %add3A_480 = arith.addi %while3A_456, %add3A_479 : i32
        %get3A_481 = arith.index_cast %add3A_480 : i32 to index
        %get3A_482 = arith.constant 32 : index
        %get3A_483 = tpu.vector_load %arg11[%get3A_481, %get3A_482] {strides = array<i32>} : memref<64x64xf32, #tpu.memory_space<vmem>>, vector<16xf32>,
        %sub3A_484 = arith.constant 1.000000e+00 : f32
        %sub3A_485 = vector.broadcast %sub3A_484 : f32 to vector<16xf32>
        %sub3A_486 = arith.subf %sub3A_485, %get3A_483 : vector<16xf32>
        %swap3A_487 = arith.index_cast %while3A_456 : i32 to index
        %swap3A_488 = arith.constant 32 : index
        %swap3A_489 = tpu.vector_load %arg12[%swap3A_487, %swap3A_488] {strides = array<i32>} : memref<63x64xf32, #tpu.memory_space<vmem>>, vector<16xf32>,
        tpu.vector_store %arg12[%swap3A_487, %swap3A_488], %sub3A_486 {strides = array<i32>} : memref<63x64xf32, #tpu.memory_space<vmem>>, vector<16xf32>,
        %add3A_490 = arith.constant 1 : i32
        %add3A_491 = arith.addi %while3A_456, %add3A_490 : i32
        %get3A_492 = arith.index_cast %add3A_491 : i32 to index
        %get3A_493 = arith.constant 48 : index
        %get3A_494 = tpu.vector_load %arg11[%get3A_492, %get3A_493] {strides = array<i32>} : memref<64x64xf32, #tpu.memory_space<vmem>>, vector<16xf32>,
        %sub3A_495 = arith.constant 1.000000e+00 : f32
        %sub3A_496 = vector.broadcast %sub3A_495 : f32 to vector<16xf32>
        %sub3A_497 = arith.subf %sub3A_496, %get3A_494 : vector<16xf32>
        %swap3A_498 = arith.index_cast %while3A_456 : i32 to index
        %swap3A_499 = arith.constant 48 : index
        %swap3A_500 = tpu.vector_load %arg12[%swap3A_498, %swap3A_499] {strides = array<i32>} : memref<63x64xf32, #tpu.memory_space<vmem>>, vector<16xf32>,
        tpu.vector_store %arg12[%swap3A_498, %swap3A_499], %sub3A_497 {strides = array<i32>} : memref<63x64xf32, #tpu.memory_space<vmem>>, vector<16xf32>,
      }
      %while3A_455 = arith.constant 1 : i32
      scf.for %while3A_456 = %while3A_453 to %while3A_449 step %while3A_455  : i32 {
        %add3A_457 = arith.constant 1 : i32
        %add3A_458 = arith.addi %while3A_456, %add3A_457 : i32
        %get3A_459 = arith.index_cast %add3A_458 : i32 to index
        %get3A_460 = arith.constant 0 : index
        %get3A_461 = tpu.vector_load %arg11[%get3A_459, %get3A_460] {strides = array<i32>} : memref<64x64xf32, #tpu.memory_space<vmem>>, vector<16xf32>,
        %sub3A_462 = arith.constant 1.000000e+00 : f32
        %sub3A_463 = vector.broadcast %sub3A_462 : f32 to vector<16xf32>
        %sub3A_464 = arith.subf %sub3A_463, %get3A_461 : vector<16xf32>
        %swap3A_465 = arith.index_cast %while3A_456 : i32 to index
        %swap3A_466 = arith.constant 0 : index
        %swap3A_467 = tpu.vector_load %arg12[%swap3A_465, %swap3A_466] {strides = array<i32>} : memref<63x64xf32, #tpu.memory_space<vmem>>, vector<16xf32>,
        tpu.vector_store %arg12[%swap3A_465, %swap3A_466], %sub3A_464 {strides = array<i32>} : memref<63x64xf32, #tpu.memory_space<vmem>>, vector<16xf32>,
        %add3A_468 = arith.constant 1 : i32
        %add3A_469 = arith.addi %while3A_456, %add3A_468 : i32
        %get3A_470 = arith.index_cast %add3A_469 : i32 to index
        %get3A_471 = arith.constant 16 : index
        %get3A_472 = tpu.vector_load %arg11[%get3A_470, %get3A_471] {strides = array<i32>} : memref<64x64xf32, #tpu.memory_space<vmem>>, vector<16xf32>,
        %sub3A_473 = arith.constant 1.000000e+00 : f32
        %sub3A_474 = vector.broadcast %sub3A_473 : f32 to vector<16xf32>
        %sub3A_475 = arith.subf %sub3A_474, %get3A_472 : vector<16xf32>
        %swap3A_476 = arith.index_cast %while3A_456 : i32 to index
        %swap3A_477 = arith.constant 16 : index
        %swap3A_478 = tpu.vector_load %arg12[%swap3A_476, %swap3A_477] {strides = array<i32>} : memref<63x64xf32, #tpu.memory_space<vmem>>, vector<16xf32>,
        tpu.vector_store %arg12[%swap3A_476, %swap3A_477], %sub3A_475 {strides = array<i32>} : memref<63x64xf32, #tpu.memory_space<vmem>>, vector<16xf32>,
        %add3A_479 = arith.constant 1 : i32
        %add3A_480 = arith.addi %while3A_456, %add3A_479 : i32
        %get3A_481 = arith.index_cast %add3A_480 : i32 to index
        %get3A_482 = arith.constant 32 : index
        %get3A_483 = tpu.vector_load %arg11[%get3A_481, %get3A_482] {strides = array<i32>} : memref<64x64xf32, #tpu.memory_space<vmem>>, vector<16xf32>,
        %sub3A_484 = arith.constant 1.000000e+00 : f32
        %sub3A_485 = vector.broadcast %sub3A_484 : f32 to vector<16xf32>
        %sub3A_486 = arith.subf %sub3A_485, %get3A_483 : vector<16xf32>
        %swap3A_487 = arith.index_cast %while3A_456 : i32 to index
        %swap3A_488 = arith.constant 32 : index
        %swap3A_489 = tpu.vector_load %arg12[%swap3A_487, %swap3A_488] {strides = array<i32>} : memref<63x64xf32, #tpu.memory_space<vmem>>, vector<16xf32>,
        tpu.vector_store %arg12[%swap3A_487, %swap3A_488], %sub3A_486 {strides = array<i32>} : memref<63x64xf32, #tpu.memory_space<vmem>>, vector<16xf32>,
        %add3A_490 = arith.constant 1 : i32
        %add3A_491 = arith.addi %while3A_456, %add3A_490 : i32
        %get3A_492 = arith.index_cast %add3A_491 : i32 to index
        %get3A_493 = arith.constant 48 : index
        %get3A_494 = tpu.vector_load %arg11[%get3A_492, %get3A_493] {strides = array<i32>} : memref<64x64xf32, #tpu.memory_space<vmem>>, vector<16xf32>,
        %sub3A_495 = arith.constant 1.000000e+00 : f32
        %sub3A_496 = vector.broadcast %sub3A_495 : f32 to vector<16xf32>
        %sub3A_497 = arith.subf %sub3A_496, %get3A_494 : vector<16xf32>
        %swap3A_498 = arith.index_cast %while3A_456 : i32 to index
        %swap3A_499 = arith.constant 48 : index
        %swap3A_500 = tpu.vector_load %arg12[%swap3A_498, %swap3A_499] {strides = array<i32>} : memref<63x64xf32, #tpu.memory_space<vmem>>, vector<16xf32>,
        tpu.vector_store %arg12[%swap3A_498, %swap3A_499], %sub3A_497 {strides = array<i32>} : memref<63x64xf32, #tpu.memory_space<vmem>>, vector<16xf32>,
      }
      "tpu.region"() ({
        %run_scoped3A = tpu.sem_alloc : memref<!tpu.dma_semaphore, #tpu.memory_space<semaphore_mem>>
        %dma_start3A = arith.constant 0 : i32
        %dma_start3A_456 = arith.constant 0 : i32
        %dma_start3A_457 = tpu.memref_slice %arg3[%add3A, %dma_start3A, %dma_start3A_456] : memref<8x64x64xf32, #tpu.memory_space<hbm>> -> memref<1x64x64xf32, #tpu.memory_space<hbm>>
        %dma_start3A_458 = tpu.memref_squeeze %dma_start3A_457 : memref<1x64x64xf32, #tpu.memory_space<hbm>> -> memref<64x64xf32, #tpu.memory_space<hbm>>
        %dma_start3A_459 = arith.constant 0 : i32
        %dma_start3A_460 = arith.constant 0 : i32
        %dma_start3A_461 = tpu.memref_slice %arg3[%add3A, %dma_start3A_459, %dma_start3A_460] : memref<8x64x64xf32, #tpu.memory_space<hbm>> -> memref<1x64x64xf32, #tpu.memory_space<hbm>>
        %dma_start3A_462 = tpu.memref_squeeze %dma_start3A_461 : memref<1x64x64xf32, #tpu.memory_space<hbm>> -> memref<64x64xf32, #tpu.memory_space<hbm>>
        tpu.enqueue_dma source(%arg11 : memref<64x64xf32, #tpu.memory_space<vmem>>) target(%dma_start3A_462 : memref<64x64xf32, #tpu.memory_space<hbm>>) target_semaphore(%run_scoped3A : memref<!tpu.dma_semaphore, #tpu.memory_space<semaphore_mem>>)
        %dma_wait3A = arith.constant 0 : i32
        %dma_wait3A_463 = arith.constant 0 : i32
        %dma_wait3A_464 = tpu.memref_slice %arg3[%add3A, %dma_wait3A, %dma_wait3A_463] : memref<8x64x64xf32, #tpu.memory_space<hbm>> -> memref<1x64x64xf32, #tpu.memory_space<hbm>>
        %dma_wait3A_465 = tpu.memref_squeeze %dma_wait3A_464 : memref<1x64x64xf32, #tpu.memory_space<hbm>> -> memref<64x64xf32, #tpu.memory_space<hbm>>
        %dma_wait3A_466 = arith.constant 0 : i32
        %dma_wait3A_467 = arith.constant 0 : i32
        %dma_wait3A_468 = tpu.memref_slice %arg3[%add3A, %dma_wait3A_466, %dma_wait3A_467] : memref<8x64x64xf32, #tpu.memory_space<hbm>> -> memref<1x64x64xf32, #tpu.memory_space<hbm>>
        %dma_wait3A_469 = tpu.memref_squeeze %dma_wait3A_468 : memref<1x64x64xf32, #tpu.memory_space<hbm>> -> memref<64x64xf32, #tpu.memory_space<hbm>>
        tpu.wait_dma2 semaphore(%run_scoped3A : memref<!tpu.dma_semaphore, #tpu.memory_space<semaphore_mem>>) src(%arg11 : memref<64x64xf32, #tpu.memory_space<vmem>>) dst(%dma_wait3A_469 : memref<64x64xf32, #tpu.memory_space<hbm>>)
        tpu.yield
      }) : () -> ()
      "tpu.region"() ({
        %run_scoped3A = tpu.sem_alloc : memref<!tpu.dma_semaphore, #tpu.memory_space<semaphore_mem>>
        %dma_start3A = arith.constant 0 : i32
        %dma_start3A_456 = arith.constant 0 : i32
        %dma_start3A_457 = tpu.memref_slice %arg4[%add3A, %dma_start3A, %dma_start3A_456] : memref<8x63x64xf32, #tpu.memory_space<hbm>> -> memref<1x63x64xf32, #tpu.memory_space<hbm>>
        %dma_start3A_458 = tpu.memref_squeeze %dma_start3A_457 : memref<1x63x64xf32, #tpu.memory_space<hbm>> -> memref<63x64xf32, #tpu.memory_space<hbm>>
        %dma_start3A_459 = arith.constant 0 : i32
        %dma_start3A_460 = arith.constant 0 : i32
        %dma_start3A_461 = tpu.memref_slice %arg4[%add3A, %dma_start3A_459, %dma_start3A_460] : memref<8x63x64xf32, #tpu.memory_space<hbm>> -> memref<1x63x64xf32, #tpu.memory_space<hbm>>
        %dma_start3A_462 = tpu.memref_squeeze %dma_start3A_461 : memref<1x63x64xf32, #tpu.memory_space<hbm>> -> memref<63x64xf32, #tpu.memory_space<hbm>>
        tpu.enqueue_dma source(%arg12 : memref<63x64xf32, #tpu.memory_space<vmem>>) target(%dma_start3A_462 : memref<63x64xf32, #tpu.memory_space<hbm>>) target_semaphore(%run_scoped3A : memref<!tpu.dma_semaphore, #tpu.memory_space<semaphore_mem>>)
        %dma_wait3A = arith.constant 0 : i32
        %dma_wait3A_463 = arith.constant 0 : i32
        %dma_wait3A_464 = tpu.memref_slice %arg4[%add3A, %dma_wait3A, %dma_wait3A_463] : memref<8x63x64xf32, #tpu.memory_space<hbm>> -> memref<1x63x64xf32, #tpu.memory_space<hbm>>
        %dma_wait3A_465 = tpu.memref_squeeze %dma_wait3A_464 : memref<1x63x64xf32, #tpu.memory_space<hbm>> -> memref<63x64xf32, #tpu.memory_space<hbm>>
        %dma_wait3A_466 = arith.constant 0 : i32
        %dma_wait3A_467 = arith.constant 0 : i32
        %dma_wait3A_468 = tpu.memref_slice %arg4[%add3A, %dma_wait3A_466, %dma_wait3A_467] : memref<8x63x64xf32, #tpu.memory_space<hbm>> -> memref<1x63x64xf32, #tpu.memory_space<hbm>>
        %dma_wait3A_469 = tpu.memref_squeeze %dma_wait3A_468 : memref<1x63x64xf32, #tpu.memory_space<hbm>> -> memref<63x64xf32, #tpu.memory_space<hbm>>
        tpu.wait_dma2 semaphore(%run_scoped3A : memref<!tpu.dma_semaphore, #tpu.memory_space<semaphore_mem>>) src(%arg12 : memref<63x64xf32, #tpu.memory_space<vmem>>) dst(%dma_wait3A_469 : memref<63x64xf32, #tpu.memory_space<hbm>>)
        tpu.yield
      }) : () -> ()
      "tpu.region"() ({
        %run_scoped3A = tpu.sem_alloc : memref<!tpu.dma_semaphore, #tpu.memory_space<semaphore_mem>>
        %dma_start3A = arith.constant 1 : i32
        %dma_start3A_456 = arith.constant 0 : i32
        %dma_start3A_457 = tpu.memref_slice %arg11[%dma_start3A, %dma_start3A_456] : memref<64x64xf32, #tpu.memory_space<vmem>> -> memref<63x64xf32, #tpu.memory_space<vmem>>
        %dma_start3A_458 = arith.constant 0 : i32
        %dma_start3A_459 = arith.constant 0 : i32
        %dma_start3A_460 = tpu.memref_slice %arg5[%add3A, %dma_start3A_458, %dma_start3A_459] : memref<8x63x64xf32, #tpu.memory_space<hbm>> -> memref<1x63x64xf32, #tpu.memory_space<hbm>>
        %dma_start3A_461 = tpu.memref_squeeze %dma_start3A_460 : memref<1x63x64xf32, #tpu.memory_space<hbm>> -> memref<63x64xf32, #tpu.memory_space<hbm>>
        %dma_start3A_462 = arith.constant 0 : i32
        %dma_start3A_463 = arith.constant 0 : i32
        %dma_start3A_464 = tpu.memref_slice %arg5[%add3A, %dma_start3A_462, %dma_start3A_463] : memref<8x63x64xf32, #tpu.memory_space<hbm>> -> memref<1x63x64xf32, #tpu.memory_space<hbm>>
        %dma_start3A_465 = tpu.memref_squeeze %dma_start3A_464 : memref<1x63x64xf32, #tpu.memory_space<hbm>> -> memref<63x64xf32, #tpu.memory_space<hbm>>
        %dma_start3A_466 = arith.constant 1 : i32
        %dma_start3A_467 = arith.constant 0 : i32
        %dma_start3A_468 = tpu.memref_slice %arg11[%dma_start3A_466, %dma_start3A_467] : memref<64x64xf32, #tpu.memory_space<vmem>> -> memref<63x64xf32, #tpu.memory_space<vmem>>
        tpu.enqueue_dma source(%dma_start3A_468 : memref<63x64xf32, #tpu.memory_space<vmem>>) target(%dma_start3A_465 : memref<63x64xf32, #tpu.memory_space<hbm>>) target_semaphore(%run_scoped3A : memref<!tpu.dma_semaphore, #tpu.memory_space<semaphore_mem>>)
        %dma_wait3A = arith.constant 1 : i32
        %dma_wait3A_469 = arith.constant 0 : i32
        %dma_wait3A_470 = tpu.memref_slice %arg11[%dma_wait3A, %dma_wait3A_469] : memref<64x64xf32, #tpu.memory_space<vmem>> -> memref<63x64xf32, #tpu.memory_space<vmem>>
        %dma_wait3A_471 = arith.constant 0 : i32
        %dma_wait3A_472 = arith.constant 0 : i32
        %dma_wait3A_473 = tpu.memref_slice %arg5[%add3A, %dma_wait3A_471, %dma_wait3A_472] : memref<8x63x64xf32, #tpu.memory_space<hbm>> -> memref<1x63x64xf32, #tpu.memory_space<hbm>>
        %dma_wait3A_474 = tpu.memref_squeeze %dma_wait3A_473 : memref<1x63x64xf32, #tpu.memory_space<hbm>> -> memref<63x64xf32, #tpu.memory_space<hbm>>
        %dma_wait3A_475 = arith.constant 0 : i32
        %dma_wait3A_476 = arith.constant 0 : i32
        %dma_wait3A_477 = tpu.memref_slice %arg5[%add3A, %dma_wait3A_475, %dma_wait3A_476] : memref<8x63x64xf32, #tpu.memory_space<hbm>> -> memref<1x63x64xf32, #tpu.memory_space<hbm>>
        %dma_wait3A_478 = tpu.memref_squeeze %dma_wait3A_477 : memref<1x63x64xf32, #tpu.memory_space<hbm>> -> memref<63x64xf32, #tpu.memory_space<hbm>>
        %dma_wait3A_479 = arith.constant 1 : i32
        %dma_wait3A_480 = arith.constant 0 : i32
        %dma_wait3A_481 = tpu.memref_slice %arg11[%dma_wait3A_479, %dma_wait3A_480] : memref<64x64xf32, #tpu.memory_space<vmem>> -> memref<63x64xf32, #tpu.memory_space<vmem>>
        tpu.wait_dma2 semaphore(%run_scoped3A : memref<!tpu.dma_semaphore, #tpu.memory_space<semaphore_mem>>) src(%dma_wait3A_481 : memref<63x64xf32, #tpu.memory_space<vmem>>) dst(%dma_wait3A_478 : memref<63x64xf32, #tpu.memory_space<hbm>>)
        tpu.yield
      }) : () -> ()
    } else {
    }
    return
  }
}

module attributes {stable_mosaic.version = 14 : i64} {
  func.func @_tc_gate_body(%arg0: i32, %arg1: memref<1x8x256x1024xf32, #tpu.memory_space<vmem>>, %arg2: memref<1x1024xf32, #tpu.memory_space<vmem>>, %arg3: memref<1x128xf32, #tpu.memory_space<vmem>>, %arg4: memref<1x8x256xf32, #tpu.memory_space<vmem>>, %arg5: memref<1x8x256xf32, #tpu.memory_space<vmem>>) attributes {dimension_semantics = [#tpu.dimension_semantics<arbitrary>], iteration_bounds = array<i64: 16>, scalar_prefetch = 0 : i64, scratch_operands = 0 : i64, tpu.core_type = #tpu.core_type<tc>, window_params = [{transform_indices = @transform_0, window_bounds = array<i64: 1, 8, 256, 1024>}, {pipeline_mode = #tpu.pipeline_mode<synchronous>, transform_indices = @transform_1, window_bounds = array<i64: 1, 1024>}, {pipeline_mode = #tpu.pipeline_mode<synchronous>, transform_indices = @transform_2, window_bounds = array<i64: 1, 128>}, {transform_indices = @transform_3, window_bounds = array<i64: 1, 8, 256>}, {transform_indices = @transform_4, window_bounds = array<i64: 1, 8, 256>}]} {
    %get3A = arith.constant 0 : index
    %get3A_0 = arith.constant 0 : index
    %get3A_1 = vector.load %arg2[%get3A, %get3A_0] : memref<1x1024xf32, #tpu.memory_space<vmem>>, vector<1x1024xf32>
    %get3A_2 = arith.constant 0 : index
    %get3A_3 = arith.constant 0 : index
    %get3A_4 = arith.constant 0 : index
    %get3A_5 = arith.constant 0 : index
    %get3A_6 = vector.load %arg1[%get3A_2, %get3A_3, %get3A_4, %get3A_5] : memref<1x8x256x1024xf32, #tpu.memory_space<vmem>>, vector<1x1x256x1024xf32>
    %get3A_7 = vector.shape_cast %get3A_6 : vector<1x1x256x1024xf32> to vector<256x1024xf32>
    %dot_general3A = arith.constant dense<0.000000e+00> : vector<1x256xf32>
    %dot_general3A_8 = tpu.matmul %get3A_1, %get3A_7, %dot_general3A {dimension_numbers = #tpu.dot_dimension_numbers<[1], [1], [0], [0], [0, 0, 1, 0], [], []>, transpose_lhs_hint = false} : vector<1x1024xf32>, vector<256x1024xf32>, vector<1x256xf32> -> vector<1x256xf32>
    %get3A_9 = arith.constant 0 : index
    %get3A_10 = arith.constant 0 : index
    %get3A_11 = vector.load %arg3[%get3A_9, %get3A_10] : memref<1x128xf32, #tpu.memory_space<vmem>>, vector<1x1xf32>
    %get3A_12 = vector.extract %get3A_11[0, 0] : f32 from vector<1x1xf32>
    %add3A = vector.broadcast %get3A_12 : f32 to vector<1x256xf32>
    %add3A_13 = arith.addf %dot_general3A_8, %add3A : vector<1x256xf32>
    %min3A = arith.constant 0.000000e+00 : f32
    %min3A_14 = vector.broadcast %min3A : f32 to vector<1x256xf32>
    %min3A_15 = arith.minimumf %add3A_13, %min3A_14 : vector<1x256xf32>
    %abs3A = math.absf %add3A_13 : vector<1x256xf32>
    %neg3A = arith.constant 0.000000e+00 : f32
    %neg3A_16 = vector.broadcast %neg3A : f32 to vector<1x256xf32>
    %neg3A_17 = arith.subf %neg3A_16, %abs3A : vector<1x256xf32>
    %exp3A = math.exp %neg3A_17 : vector<1x256xf32>
    %add3A_18 = arith.constant 1.000000e+00 : f32
    %add3A_19 = vector.broadcast %add3A_18 : f32 to vector<1x256xf32>
    %add3A_20 = arith.addf %add3A_19, %exp3A : vector<1x256xf32>
    %log3A = math.log %add3A_20 : vector<1x256xf32>
    %sub3A = arith.subf %min3A_15, %log3A : vector<1x256xf32>
    %swap3A = arith.constant 0 : index
    %swap3A_21 = arith.constant 0 : index
    %swap3A_22 = arith.constant 0 : index
    %swap3A_23 = vector.load %arg4[%swap3A, %swap3A_21, %swap3A_22] : memref<1x8x256xf32, #tpu.memory_space<vmem>>, vector<1x1x256xf32>
    %swap3A_24 = vector.shape_cast %swap3A_23 : vector<1x1x256xf32> to vector<1x256xf32>
    %swap3A_25 = vector.shape_cast %sub3A : vector<1x256xf32> to vector<1x1x256xf32>
    tpu.vector_store %arg4[%swap3A, %swap3A_21, %swap3A_22], %swap3A_25 {strides = array<i32>} : memref<1x8x256xf32, #tpu.memory_space<vmem>>, vector<1x1x256xf32>,
    %sub3A_26 = arith.subf %sub3A, %add3A_13 : vector<1x256xf32>
    %swap3A_27 = arith.constant 0 : index
    %swap3A_28 = arith.constant 0 : index
    %swap3A_29 = arith.constant 0 : index
    %swap3A_30 = vector.load %arg5[%swap3A_27, %swap3A_28, %swap3A_29] : memref<1x8x256xf32, #tpu.memory_space<vmem>>, vector<1x1x256xf32>
    %swap3A_31 = vector.shape_cast %swap3A_30 : vector<1x1x256xf32> to vector<1x256xf32>
    %swap3A_32 = vector.shape_cast %sub3A_26 : vector<1x256xf32> to vector<1x1x256xf32>
    tpu.vector_store %arg5[%swap3A_27, %swap3A_28, %swap3A_29], %swap3A_32 {strides = array<i32>} : memref<1x8x256xf32, #tpu.memory_space<vmem>>, vector<1x1x256xf32>,
    %get3A_33 = arith.constant 0 : index
    %get3A_34 = arith.constant 0 : index
    %get3A_35 = vector.load %arg2[%get3A_33, %get3A_34] : memref<1x1024xf32, #tpu.memory_space<vmem>>, vector<1x1024xf32>
    %get3A_36 = arith.constant 0 : index
    %get3A_37 = arith.constant 1 : index
    %get3A_38 = arith.constant 0 : index
    %get3A_39 = arith.constant 0 : index
    %get3A_40 = vector.load %arg1[%get3A_36, %get3A_37, %get3A_38, %get3A_39] : memref<1x8x256x1024xf32, #tpu.memory_space<vmem>>, vector<1x1x256x1024xf32>
    %get3A_41 = vector.shape_cast %get3A_40 : vector<1x1x256x1024xf32> to vector<256x1024xf32>
    %dot_general3A_42 = arith.constant dense<0.000000e+00> : vector<1x256xf32>
    %dot_general3A_43 = tpu.matmul %get3A_35, %get3A_41, %dot_general3A_42 {dimension_numbers = #tpu.dot_dimension_numbers<[1], [1], [0], [0], [0, 0, 1, 0], [], []>, transpose_lhs_hint = false} : vector<1x1024xf32>, vector<256x1024xf32>, vector<1x256xf32> -> vector<1x256xf32>
    %get3A_44 = arith.constant 0 : index
    %get3A_45 = arith.constant 0 : index
    %get3A_46 = vector.load %arg3[%get3A_44, %get3A_45] : memref<1x128xf32, #tpu.memory_space<vmem>>, vector<1x1xf32>
    %get3A_47 = vector.extract %get3A_46[0, 0] : f32 from vector<1x1xf32>
    %add3A_48 = vector.broadcast %get3A_47 : f32 to vector<1x256xf32>
    %add3A_49 = arith.addf %dot_general3A_43, %add3A_48 : vector<1x256xf32>
    %min3A_50 = arith.constant 0.000000e+00 : f32
    %min3A_51 = vector.broadcast %min3A_50 : f32 to vector<1x256xf32>
    %min3A_52 = arith.minimumf %add3A_49, %min3A_51 : vector<1x256xf32>
    %abs3A_53 = math.absf %add3A_49 : vector<1x256xf32>
    %neg3A_54 = arith.constant 0.000000e+00 : f32
    %neg3A_55 = vector.broadcast %neg3A_54 : f32 to vector<1x256xf32>
    %neg3A_56 = arith.subf %neg3A_55, %abs3A_53 : vector<1x256xf32>
    %exp3A_57 = math.exp %neg3A_56 : vector<1x256xf32>
    %add3A_58 = arith.constant 1.000000e+00 : f32
    %add3A_59 = vector.broadcast %add3A_58 : f32 to vector<1x256xf32>
    %add3A_60 = arith.addf %add3A_59, %exp3A_57 : vector<1x256xf32>
    %log3A_61 = math.log %add3A_60 : vector<1x256xf32>
    %sub3A_62 = arith.subf %min3A_52, %log3A_61 : vector<1x256xf32>
    %swap3A_63 = arith.constant 0 : index
    %swap3A_64 = arith.constant 1 : index
    %swap3A_65 = arith.constant 0 : index
    %swap3A_66 = vector.load %arg4[%swap3A_63, %swap3A_64, %swap3A_65] : memref<1x8x256xf32, #tpu.memory_space<vmem>>, vector<1x1x256xf32>
    %swap3A_67 = vector.shape_cast %swap3A_66 : vector<1x1x256xf32> to vector<1x256xf32>
    %swap3A_68 = vector.shape_cast %sub3A_62 : vector<1x256xf32> to vector<1x1x256xf32>
    tpu.vector_store %arg4[%swap3A_63, %swap3A_64, %swap3A_65], %swap3A_68 {strides = array<i32>} : memref<1x8x256xf32, #tpu.memory_space<vmem>>, vector<1x1x256xf32>,
    %sub3A_69 = arith.subf %sub3A_62, %add3A_49 : vector<1x256xf32>
    %swap3A_70 = arith.constant 0 : index
    %swap3A_71 = arith.constant 1 : index
    %swap3A_72 = arith.constant 0 : index
    %swap3A_73 = vector.load %arg5[%swap3A_70, %swap3A_71, %swap3A_72] : memref<1x8x256xf32, #tpu.memory_space<vmem>>, vector<1x1x256xf32>
    %swap3A_74 = vector.shape_cast %swap3A_73 : vector<1x1x256xf32> to vector<1x256xf32>
    %swap3A_75 = vector.shape_cast %sub3A_69 : vector<1x256xf32> to vector<1x1x256xf32>
    tpu.vector_store %arg5[%swap3A_70, %swap3A_71, %swap3A_72], %swap3A_75 {strides = array<i32>} : memref<1x8x256xf32, #tpu.memory_space<vmem>>, vector<1x1x256xf32>,
    %get3A_76 = arith.constant 0 : index
    %get3A_77 = arith.constant 0 : index
    %get3A_78 = vector.load %arg2[%get3A_76, %get3A_77] : memref<1x1024xf32, #tpu.memory_space<vmem>>, vector<1x1024xf32>
    %get3A_79 = arith.constant 0 : index
    %get3A_80 = arith.constant 2 : index
    %get3A_81 = arith.constant 0 : index
    %get3A_82 = arith.constant 0 : index
    %get3A_83 = vector.load %arg1[%get3A_79, %get3A_80, %get3A_81, %get3A_82] : memref<1x8x256x1024xf32, #tpu.memory_space<vmem>>, vector<1x1x256x1024xf32>
    %get3A_84 = vector.shape_cast %get3A_83 : vector<1x1x256x1024xf32> to vector<256x1024xf32>
    %dot_general3A_85 = arith.constant dense<0.000000e+00> : vector<1x256xf32>
    %dot_general3A_86 = tpu.matmul %get3A_78, %get3A_84, %dot_general3A_85 {dimension_numbers = #tpu.dot_dimension_numbers<[1], [1], [0], [0], [0, 0, 1, 0], [], []>, transpose_lhs_hint = false} : vector<1x1024xf32>, vector<256x1024xf32>, vector<1x256xf32> -> vector<1x256xf32>
    %get3A_87 = arith.constant 0 : index
    %get3A_88 = arith.constant 0 : index
    %get3A_89 = vector.load %arg3[%get3A_87, %get3A_88] : memref<1x128xf32, #tpu.memory_space<vmem>>, vector<1x1xf32>
    %get3A_90 = vector.extract %get3A_89[0, 0] : f32 from vector<1x1xf32>
    %add3A_91 = vector.broadcast %get3A_90 : f32 to vector<1x256xf32>
    %add3A_92 = arith.addf %dot_general3A_86, %add3A_91 : vector<1x256xf32>
    %min3A_93 = arith.constant 0.000000e+00 : f32
    %min3A_94 = vector.broadcast %min3A_93 : f32 to vector<1x256xf32>
    %min3A_95 = arith.minimumf %add3A_92, %min3A_94 : vector<1x256xf32>
    %abs3A_96 = math.absf %add3A_92 : vector<1x256xf32>
    %neg3A_97 = arith.constant 0.000000e+00 : f32
    %neg3A_98 = vector.broadcast %neg3A_97 : f32 to vector<1x256xf32>
    %neg3A_99 = arith.subf %neg3A_98, %abs3A_96 : vector<1x256xf32>
    %exp3A_100 = math.exp %neg3A_99 : vector<1x256xf32>
    %add3A_101 = arith.constant 1.000000e+00 : f32
    %add3A_102 = vector.broadcast %add3A_101 : f32 to vector<1x256xf32>
    %add3A_103 = arith.addf %add3A_102, %exp3A_100 : vector<1x256xf32>
    %log3A_104 = math.log %add3A_103 : vector<1x256xf32>
    %sub3A_105 = arith.subf %min3A_95, %log3A_104 : vector<1x256xf32>
    %swap3A_106 = arith.constant 0 : index
    %swap3A_107 = arith.constant 2 : index
    %swap3A_108 = arith.constant 0 : index
    %swap3A_109 = vector.load %arg4[%swap3A_106, %swap3A_107, %swap3A_108] : memref<1x8x256xf32, #tpu.memory_space<vmem>>, vector<1x1x256xf32>
    %swap3A_110 = vector.shape_cast %swap3A_109 : vector<1x1x256xf32> to vector<1x256xf32>
    %swap3A_111 = vector.shape_cast %sub3A_105 : vector<1x256xf32> to vector<1x1x256xf32>
    tpu.vector_store %arg4[%swap3A_106, %swap3A_107, %swap3A_108], %swap3A_111 {strides = array<i32>} : memref<1x8x256xf32, #tpu.memory_space<vmem>>, vector<1x1x256xf32>,
    %sub3A_112 = arith.subf %sub3A_105, %add3A_92 : vector<1x256xf32>
    %swap3A_113 = arith.constant 0 : index
    %swap3A_114 = arith.constant 2 : index
    %swap3A_115 = arith.constant 0 : index
    %swap3A_116 = vector.load %arg5[%swap3A_113, %swap3A_114, %swap3A_115] : memref<1x8x256xf32, #tpu.memory_space<vmem>>, vector<1x1x256xf32>
    %swap3A_117 = vector.shape_cast %swap3A_116 : vector<1x1x256xf32> to vector<1x256xf32>
    %swap3A_118 = vector.shape_cast %sub3A_112 : vector<1x256xf32> to vector<1x1x256xf32>
    tpu.vector_store %arg5[%swap3A_113, %swap3A_114, %swap3A_115], %swap3A_118 {strides = array<i32>} : memref<1x8x256xf32, #tpu.memory_space<vmem>>, vector<1x1x256xf32>,
    %get3A_119 = arith.constant 0 : index
    %get3A_120 = arith.constant 0 : index
    %get3A_121 = vector.load %arg2[%get3A_119, %get3A_120] : memref<1x1024xf32, #tpu.memory_space<vmem>>, vector<1x1024xf32>
    %get3A_122 = arith.constant 0 : index
    %get3A_123 = arith.constant 3 : index
    %get3A_124 = arith.constant 0 : index
    %get3A_125 = arith.constant 0 : index
    %get3A_126 = vector.load %arg1[%get3A_122, %get3A_123, %get3A_124, %get3A_125] : memref<1x8x256x1024xf32, #tpu.memory_space<vmem>>, vector<1x1x256x1024xf32>
    %get3A_127 = vector.shape_cast %get3A_126 : vector<1x1x256x1024xf32> to vector<256x1024xf32>
    %dot_general3A_128 = arith.constant dense<0.000000e+00> : vector<1x256xf32>
    %dot_general3A_129 = tpu.matmul %get3A_121, %get3A_127, %dot_general3A_128 {dimension_numbers = #tpu.dot_dimension_numbers<[1], [1], [0], [0], [0, 0, 1, 0], [], []>, transpose_lhs_hint = false} : vector<1x1024xf32>, vector<256x1024xf32>, vector<1x256xf32> -> vector<1x256xf32>
    %get3A_130 = arith.constant 0 : index
    %get3A_131 = arith.constant 0 : index
    %get3A_132 = vector.load %arg3[%get3A_130, %get3A_131] : memref<1x128xf32, #tpu.memory_space<vmem>>, vector<1x1xf32>
    %get3A_133 = vector.extract %get3A_132[0, 0] : f32 from vector<1x1xf32>
    %add3A_134 = vector.broadcast %get3A_133 : f32 to vector<1x256xf32>
    %add3A_135 = arith.addf %dot_general3A_129, %add3A_134 : vector<1x256xf32>
    %min3A_136 = arith.constant 0.000000e+00 : f32
    %min3A_137 = vector.broadcast %min3A_136 : f32 to vector<1x256xf32>
    %min3A_138 = arith.minimumf %add3A_135, %min3A_137 : vector<1x256xf32>
    %abs3A_139 = math.absf %add3A_135 : vector<1x256xf32>
    %neg3A_140 = arith.constant 0.000000e+00 : f32
    %neg3A_141 = vector.broadcast %neg3A_140 : f32 to vector<1x256xf32>
    %neg3A_142 = arith.subf %neg3A_141, %abs3A_139 : vector<1x256xf32>
    %exp3A_143 = math.exp %neg3A_142 : vector<1x256xf32>
    %add3A_144 = arith.constant 1.000000e+00 : f32
    %add3A_145 = vector.broadcast %add3A_144 : f32 to vector<1x256xf32>
    %add3A_146 = arith.addf %add3A_145, %exp3A_143 : vector<1x256xf32>
    %log3A_147 = math.log %add3A_146 : vector<1x256xf32>
    %sub3A_148 = arith.subf %min3A_138, %log3A_147 : vector<1x256xf32>
    %swap3A_149 = arith.constant 0 : index
    %swap3A_150 = arith.constant 3 : index
    %swap3A_151 = arith.constant 0 : index
    %swap3A_152 = vector.load %arg4[%swap3A_149, %swap3A_150, %swap3A_151] : memref<1x8x256xf32, #tpu.memory_space<vmem>>, vector<1x1x256xf32>
    %swap3A_153 = vector.shape_cast %swap3A_152 : vector<1x1x256xf32> to vector<1x256xf32>
    %swap3A_154 = vector.shape_cast %sub3A_148 : vector<1x256xf32> to vector<1x1x256xf32>
    tpu.vector_store %arg4[%swap3A_149, %swap3A_150, %swap3A_151], %swap3A_154 {strides = array<i32>} : memref<1x8x256xf32, #tpu.memory_space<vmem>>, vector<1x1x256xf32>,
    %sub3A_155 = arith.subf %sub3A_148, %add3A_135 : vector<1x256xf32>
    %swap3A_156 = arith.constant 0 : index
    %swap3A_157 = arith.constant 3 : index
    %swap3A_158 = arith.constant 0 : index
    %swap3A_159 = vector.load %arg5[%swap3A_156, %swap3A_157, %swap3A_158] : memref<1x8x256xf32, #tpu.memory_space<vmem>>, vector<1x1x256xf32>
    %swap3A_160 = vector.shape_cast %swap3A_159 : vector<1x1x256xf32> to vector<1x256xf32>
    %swap3A_161 = vector.shape_cast %sub3A_155 : vector<1x256xf32> to vector<1x1x256xf32>
    tpu.vector_store %arg5[%swap3A_156, %swap3A_157, %swap3A_158], %swap3A_161 {strides = array<i32>} : memref<1x8x256xf32, #tpu.memory_space<vmem>>, vector<1x1x256xf32>,
    %get3A_162 = arith.constant 0 : index
    %get3A_163 = arith.constant 0 : index
    %get3A_164 = vector.load %arg2[%get3A_162, %get3A_163] : memref<1x1024xf32, #tpu.memory_space<vmem>>, vector<1x1024xf32>
    %get3A_165 = arith.constant 0 : index
    %get3A_166 = arith.constant 4 : index
    %get3A_167 = arith.constant 0 : index
    %get3A_168 = arith.constant 0 : index
    %get3A_169 = vector.load %arg1[%get3A_165, %get3A_166, %get3A_167, %get3A_168] : memref<1x8x256x1024xf32, #tpu.memory_space<vmem>>, vector<1x1x256x1024xf32>
    %get3A_170 = vector.shape_cast %get3A_169 : vector<1x1x256x1024xf32> to vector<256x1024xf32>
    %dot_general3A_171 = arith.constant dense<0.000000e+00> : vector<1x256xf32>
    %dot_general3A_172 = tpu.matmul %get3A_164, %get3A_170, %dot_general3A_171 {dimension_numbers = #tpu.dot_dimension_numbers<[1], [1], [0], [0], [0, 0, 1, 0], [], []>, transpose_lhs_hint = false} : vector<1x1024xf32>, vector<256x1024xf32>, vector<1x256xf32> -> vector<1x256xf32>
    %get3A_173 = arith.constant 0 : index
    %get3A_174 = arith.constant 0 : index
    %get3A_175 = vector.load %arg3[%get3A_173, %get3A_174] : memref<1x128xf32, #tpu.memory_space<vmem>>, vector<1x1xf32>
    %get3A_176 = vector.extract %get3A_175[0, 0] : f32 from vector<1x1xf32>
    %add3A_177 = vector.broadcast %get3A_176 : f32 to vector<1x256xf32>
    %add3A_178 = arith.addf %dot_general3A_172, %add3A_177 : vector<1x256xf32>
    %min3A_179 = arith.constant 0.000000e+00 : f32
    %min3A_180 = vector.broadcast %min3A_179 : f32 to vector<1x256xf32>
    %min3A_181 = arith.minimumf %add3A_178, %min3A_180 : vector<1x256xf32>
    %abs3A_182 = math.absf %add3A_178 : vector<1x256xf32>
    %neg3A_183 = arith.constant 0.000000e+00 : f32
    %neg3A_184 = vector.broadcast %neg3A_183 : f32 to vector<1x256xf32>
    %neg3A_185 = arith.subf %neg3A_184, %abs3A_182 : vector<1x256xf32>
    %exp3A_186 = math.exp %neg3A_185 : vector<1x256xf32>
    %add3A_187 = arith.constant 1.000000e+00 : f32
    %add3A_188 = vector.broadcast %add3A_187 : f32 to vector<1x256xf32>
    %add3A_189 = arith.addf %add3A_188, %exp3A_186 : vector<1x256xf32>
    %log3A_190 = math.log %add3A_189 : vector<1x256xf32>
    %sub3A_191 = arith.subf %min3A_181, %log3A_190 : vector<1x256xf32>
    %swap3A_192 = arith.constant 0 : index
    %swap3A_193 = arith.constant 4 : index
    %swap3A_194 = arith.constant 0 : index
    %swap3A_195 = vector.load %arg4[%swap3A_192, %swap3A_193, %swap3A_194] : memref<1x8x256xf32, #tpu.memory_space<vmem>>, vector<1x1x256xf32>
    %swap3A_196 = vector.shape_cast %swap3A_195 : vector<1x1x256xf32> to vector<1x256xf32>
    %swap3A_197 = vector.shape_cast %sub3A_191 : vector<1x256xf32> to vector<1x1x256xf32>
    tpu.vector_store %arg4[%swap3A_192, %swap3A_193, %swap3A_194], %swap3A_197 {strides = array<i32>} : memref<1x8x256xf32, #tpu.memory_space<vmem>>, vector<1x1x256xf32>,
    %sub3A_198 = arith.subf %sub3A_191, %add3A_178 : vector<1x256xf32>
    %swap3A_199 = arith.constant 0 : index
    %swap3A_200 = arith.constant 4 : index
    %swap3A_201 = arith.constant 0 : index
    %swap3A_202 = vector.load %arg5[%swap3A_199, %swap3A_200, %swap3A_201] : memref<1x8x256xf32, #tpu.memory_space<vmem>>, vector<1x1x256xf32>
    %swap3A_203 = vector.shape_cast %swap3A_202 : vector<1x1x256xf32> to vector<1x256xf32>
    %swap3A_204 = vector.shape_cast %sub3A_198 : vector<1x256xf32> to vector<1x1x256xf32>
    tpu.vector_store %arg5[%swap3A_199, %swap3A_200, %swap3A_201], %swap3A_204 {strides = array<i32>} : memref<1x8x256xf32, #tpu.memory_space<vmem>>, vector<1x1x256xf32>,
    %get3A_205 = arith.constant 0 : index
    %get3A_206 = arith.constant 0 : index
    %get3A_207 = vector.load %arg2[%get3A_205, %get3A_206] : memref<1x1024xf32, #tpu.memory_space<vmem>>, vector<1x1024xf32>
    %get3A_208 = arith.constant 0 : index
    %get3A_209 = arith.constant 5 : index
    %get3A_210 = arith.constant 0 : index
    %get3A_211 = arith.constant 0 : index
    %get3A_212 = vector.load %arg1[%get3A_208, %get3A_209, %get3A_210, %get3A_211] : memref<1x8x256x1024xf32, #tpu.memory_space<vmem>>, vector<1x1x256x1024xf32>
    %get3A_213 = vector.shape_cast %get3A_212 : vector<1x1x256x1024xf32> to vector<256x1024xf32>
    %dot_general3A_214 = arith.constant dense<0.000000e+00> : vector<1x256xf32>
    %dot_general3A_215 = tpu.matmul %get3A_207, %get3A_213, %dot_general3A_214 {dimension_numbers = #tpu.dot_dimension_numbers<[1], [1], [0], [0], [0, 0, 1, 0], [], []>, transpose_lhs_hint = false} : vector<1x1024xf32>, vector<256x1024xf32>, vector<1x256xf32> -> vector<1x256xf32>
    %get3A_216 = arith.constant 0 : index
    %get3A_217 = arith.constant 0 : index
    %get3A_218 = vector.load %arg3[%get3A_216, %get3A_217] : memref<1x128xf32, #tpu.memory_space<vmem>>, vector<1x1xf32>
    %get3A_219 = vector.extract %get3A_218[0, 0] : f32 from vector<1x1xf32>
    %add3A_220 = vector.broadcast %get3A_219 : f32 to vector<1x256xf32>
    %add3A_221 = arith.addf %dot_general3A_215, %add3A_220 : vector<1x256xf32>
    %min3A_222 = arith.constant 0.000000e+00 : f32
    %min3A_223 = vector.broadcast %min3A_222 : f32 to vector<1x256xf32>
    %min3A_224 = arith.minimumf %add3A_221, %min3A_223 : vector<1x256xf32>
    %abs3A_225 = math.absf %add3A_221 : vector<1x256xf32>
    %neg3A_226 = arith.constant 0.000000e+00 : f32
    %neg3A_227 = vector.broadcast %neg3A_226 : f32 to vector<1x256xf32>
    %neg3A_228 = arith.subf %neg3A_227, %abs3A_225 : vector<1x256xf32>
    %exp3A_229 = math.exp %neg3A_228 : vector<1x256xf32>
    %add3A_230 = arith.constant 1.000000e+00 : f32
    %add3A_231 = vector.broadcast %add3A_230 : f32 to vector<1x256xf32>
    %add3A_232 = arith.addf %add3A_231, %exp3A_229 : vector<1x256xf32>
    %log3A_233 = math.log %add3A_232 : vector<1x256xf32>
    %sub3A_234 = arith.subf %min3A_224, %log3A_233 : vector<1x256xf32>
    %swap3A_235 = arith.constant 0 : index
    %swap3A_236 = arith.constant 5 : index
    %swap3A_237 = arith.constant 0 : index
    %swap3A_238 = vector.load %arg4[%swap3A_235, %swap3A_236, %swap3A_237] : memref<1x8x256xf32, #tpu.memory_space<vmem>>, vector<1x1x256xf32>
    %swap3A_239 = vector.shape_cast %swap3A_238 : vector<1x1x256xf32> to vector<1x256xf32>
    %swap3A_240 = vector.shape_cast %sub3A_234 : vector<1x256xf32> to vector<1x1x256xf32>
    tpu.vector_store %arg4[%swap3A_235, %swap3A_236, %swap3A_237], %swap3A_240 {strides = array<i32>} : memref<1x8x256xf32, #tpu.memory_space<vmem>>, vector<1x1x256xf32>,
    %sub3A_241 = arith.subf %sub3A_234, %add3A_221 : vector<1x256xf32>
    %swap3A_242 = arith.constant 0 : index
    %swap3A_243 = arith.constant 5 : index
    %swap3A_244 = arith.constant 0 : index
    %swap3A_245 = vector.load %arg5[%swap3A_242, %swap3A_243, %swap3A_244] : memref<1x8x256xf32, #tpu.memory_space<vmem>>, vector<1x1x256xf32>
    %swap3A_246 = vector.shape_cast %swap3A_245 : vector<1x1x256xf32> to vector<1x256xf32>
    %swap3A_247 = vector.shape_cast %sub3A_241 : vector<1x256xf32> to vector<1x1x256xf32>
    tpu.vector_store %arg5[%swap3A_242, %swap3A_243, %swap3A_244], %swap3A_247 {strides = array<i32>} : memref<1x8x256xf32, #tpu.memory_space<vmem>>, vector<1x1x256xf32>,
    %get3A_248 = arith.constant 0 : index
    %get3A_249 = arith.constant 0 : index
    %get3A_250 = vector.load %arg2[%get3A_248, %get3A_249] : memref<1x1024xf32, #tpu.memory_space<vmem>>, vector<1x1024xf32>
    %get3A_251 = arith.constant 0 : index
    %get3A_252 = arith.constant 6 : index
    %get3A_253 = arith.constant 0 : index
    %get3A_254 = arith.constant 0 : index
    %get3A_255 = vector.load %arg1[%get3A_251, %get3A_252, %get3A_253, %get3A_254] : memref<1x8x256x1024xf32, #tpu.memory_space<vmem>>, vector<1x1x256x1024xf32>
    %get3A_256 = vector.shape_cast %get3A_255 : vector<1x1x256x1024xf32> to vector<256x1024xf32>
    %dot_general3A_257 = arith.constant dense<0.000000e+00> : vector<1x256xf32>
    %dot_general3A_258 = tpu.matmul %get3A_250, %get3A_256, %dot_general3A_257 {dimension_numbers = #tpu.dot_dimension_numbers<[1], [1], [0], [0], [0, 0, 1, 0], [], []>, transpose_lhs_hint = false} : vector<1x1024xf32>, vector<256x1024xf32>, vector<1x256xf32> -> vector<1x256xf32>
    %get3A_259 = arith.constant 0 : index
    %get3A_260 = arith.constant 0 : index
    %get3A_261 = vector.load %arg3[%get3A_259, %get3A_260] : memref<1x128xf32, #tpu.memory_space<vmem>>, vector<1x1xf32>
    %get3A_262 = vector.extract %get3A_261[0, 0] : f32 from vector<1x1xf32>
    %add3A_263 = vector.broadcast %get3A_262 : f32 to vector<1x256xf32>
    %add3A_264 = arith.addf %dot_general3A_258, %add3A_263 : vector<1x256xf32>
    %min3A_265 = arith.constant 0.000000e+00 : f32
    %min3A_266 = vector.broadcast %min3A_265 : f32 to vector<1x256xf32>
    %min3A_267 = arith.minimumf %add3A_264, %min3A_266 : vector<1x256xf32>
    %abs3A_268 = math.absf %add3A_264 : vector<1x256xf32>
    %neg3A_269 = arith.constant 0.000000e+00 : f32
    %neg3A_270 = vector.broadcast %neg3A_269 : f32 to vector<1x256xf32>
    %neg3A_271 = arith.subf %neg3A_270, %abs3A_268 : vector<1x256xf32>
    %exp3A_272 = math.exp %neg3A_271 : vector<1x256xf32>
    %add3A_273 = arith.constant 1.000000e+00 : f32
    %add3A_274 = vector.broadcast %add3A_273 : f32 to vector<1x256xf32>
    %add3A_275 = arith.addf %add3A_274, %exp3A_272 : vector<1x256xf32>
    %log3A_276 = math.log %add3A_275 : vector<1x256xf32>
    %sub3A_277 = arith.subf %min3A_267, %log3A_276 : vector<1x256xf32>
    %swap3A_278 = arith.constant 0 : index
    %swap3A_279 = arith.constant 6 : index
    %swap3A_280 = arith.constant 0 : index
    %swap3A_281 = vector.load %arg4[%swap3A_278, %swap3A_279, %swap3A_280] : memref<1x8x256xf32, #tpu.memory_space<vmem>>, vector<1x1x256xf32>
    %swap3A_282 = vector.shape_cast %swap3A_281 : vector<1x1x256xf32> to vector<1x256xf32>
    %swap3A_283 = vector.shape_cast %sub3A_277 : vector<1x256xf32> to vector<1x1x256xf32>
    tpu.vector_store %arg4[%swap3A_278, %swap3A_279, %swap3A_280], %swap3A_283 {strides = array<i32>} : memref<1x8x256xf32, #tpu.memory_space<vmem>>, vector<1x1x256xf32>,
    %sub3A_284 = arith.subf %sub3A_277, %add3A_264 : vector<1x256xf32>
    %swap3A_285 = arith.constant 0 : index
    %swap3A_286 = arith.constant 6 : index
    %swap3A_287 = arith.constant 0 : index
    %swap3A_288 = vector.load %arg5[%swap3A_285, %swap3A_286, %swap3A_287] : memref<1x8x256xf32, #tpu.memory_space<vmem>>, vector<1x1x256xf32>
    %swap3A_289 = vector.shape_cast %swap3A_288 : vector<1x1x256xf32> to vector<1x256xf32>
    %swap3A_290 = vector.shape_cast %sub3A_284 : vector<1x256xf32> to vector<1x1x256xf32>
    tpu.vector_store %arg5[%swap3A_285, %swap3A_286, %swap3A_287], %swap3A_290 {strides = array<i32>} : memref<1x8x256xf32, #tpu.memory_space<vmem>>, vector<1x1x256xf32>,
    %get3A_291 = arith.constant 0 : index
    %get3A_292 = arith.constant 0 : index
    %get3A_293 = vector.load %arg2[%get3A_291, %get3A_292] : memref<1x1024xf32, #tpu.memory_space<vmem>>, vector<1x1024xf32>
    %get3A_294 = arith.constant 0 : index
    %get3A_295 = arith.constant 7 : index
    %get3A_296 = arith.constant 0 : index
    %get3A_297 = arith.constant 0 : index
    %get3A_298 = vector.load %arg1[%get3A_294, %get3A_295, %get3A_296, %get3A_297] : memref<1x8x256x1024xf32, #tpu.memory_space<vmem>>, vector<1x1x256x1024xf32>
    %get3A_299 = vector.shape_cast %get3A_298 : vector<1x1x256x1024xf32> to vector<256x1024xf32>
    %dot_general3A_300 = arith.constant dense<0.000000e+00> : vector<1x256xf32>
    %dot_general3A_301 = tpu.matmul %get3A_293, %get3A_299, %dot_general3A_300 {dimension_numbers = #tpu.dot_dimension_numbers<[1], [1], [0], [0], [0, 0, 1, 0], [], []>, transpose_lhs_hint = false} : vector<1x1024xf32>, vector<256x1024xf32>, vector<1x256xf32> -> vector<1x256xf32>
    %get3A_302 = arith.constant 0 : index
    %get3A_303 = arith.constant 0 : index
    %get3A_304 = vector.load %arg3[%get3A_302, %get3A_303] : memref<1x128xf32, #tpu.memory_space<vmem>>, vector<1x1xf32>
    %get3A_305 = vector.extract %get3A_304[0, 0] : f32 from vector<1x1xf32>
    %add3A_306 = vector.broadcast %get3A_305 : f32 to vector<1x256xf32>
    %add3A_307 = arith.addf %dot_general3A_301, %add3A_306 : vector<1x256xf32>
    %min3A_308 = arith.constant 0.000000e+00 : f32
    %min3A_309 = vector.broadcast %min3A_308 : f32 to vector<1x256xf32>
    %min3A_310 = arith.minimumf %add3A_307, %min3A_309 : vector<1x256xf32>
    %abs3A_311 = math.absf %add3A_307 : vector<1x256xf32>
    %neg3A_312 = arith.constant 0.000000e+00 : f32
    %neg3A_313 = vector.broadcast %neg3A_312 : f32 to vector<1x256xf32>
    %neg3A_314 = arith.subf %neg3A_313, %abs3A_311 : vector<1x256xf32>
    %exp3A_315 = math.exp %neg3A_314 : vector<1x256xf32>
    %add3A_316 = arith.constant 1.000000e+00 : f32
    %add3A_317 = vector.broadcast %add3A_316 : f32 to vector<1x256xf32>
    %add3A_318 = arith.addf %add3A_317, %exp3A_315 : vector<1x256xf32>
    %log3A_319 = math.log %add3A_318 : vector<1x256xf32>
    %sub3A_320 = arith.subf %min3A_310, %log3A_319 : vector<1x256xf32>
    %swap3A_321 = arith.constant 0 : index
    %swap3A_322 = arith.constant 7 : index
    %swap3A_323 = arith.constant 0 : index
    %swap3A_324 = vector.load %arg4[%swap3A_321, %swap3A_322, %swap3A_323] : memref<1x8x256xf32, #tpu.memory_space<vmem>>, vector<1x1x256xf32>
    %swap3A_325 = vector.shape_cast %swap3A_324 : vector<1x1x256xf32> to vector<1x256xf32>
    %swap3A_326 = vector.shape_cast %sub3A_320 : vector<1x256xf32> to vector<1x1x256xf32>
    tpu.vector_store %arg4[%swap3A_321, %swap3A_322, %swap3A_323], %swap3A_326 {strides = array<i32>} : memref<1x8x256xf32, #tpu.memory_space<vmem>>, vector<1x1x256xf32>,
    %sub3A_327 = arith.subf %sub3A_320, %add3A_307 : vector<1x256xf32>
    %swap3A_328 = arith.constant 0 : index
    %swap3A_329 = arith.constant 7 : index
    %swap3A_330 = arith.constant 0 : index
    %swap3A_331 = vector.load %arg5[%swap3A_328, %swap3A_329, %swap3A_330] : memref<1x8x256xf32, #tpu.memory_space<vmem>>, vector<1x1x256xf32>
    %swap3A_332 = vector.shape_cast %swap3A_331 : vector<1x1x256xf32> to vector<1x256xf32>
    %swap3A_333 = vector.shape_cast %sub3A_327 : vector<1x256xf32> to vector<1x1x256xf32>
    tpu.vector_store %arg5[%swap3A_328, %swap3A_329, %swap3A_330], %swap3A_333 {strides = array<i32>} : memref<1x8x256xf32, #tpu.memory_space<vmem>>, vector<1x1x256xf32>,
    return
  }
  func.func @transform_0(%arg0: i32) -> (i32, i32, i32, i32) {
    %c0_i32 = arith.constant 0 : i32
    %c0_i32_0 = arith.constant 0 : i32
    %c0_i32_1 = arith.constant 0 : i32
    %c0_i32_2 = arith.constant 0 : i32
    return %arg0, %c0_i32, %c0_i32_0, %c0_i32_1 : i32, i32, i32, i32
  }
  func.func @transform_1(%arg0: i32) -> (i32, i32) {
    %c0_i32 = arith.constant 0 : i32
    %c0_i32_0 = arith.constant 0 : i32
    %c0_i32_1 = arith.constant 0 : i32
    return %c0_i32, %c0_i32_0 : i32, i32
  }
  func.func @transform_2(%arg0: i32) -> (i32, i32) {
    %c0_i32 = arith.constant 0 : i32
    %c0_i32_0 = arith.constant 0 : i32
    %c0_i32_1 = arith.constant 0 : i32
    return %c0_i32, %c0_i32_0 : i32, i32
  }
  func.func @transform_3(%arg0: i32) -> (i32, i32, i32) {
    %c0_i32 = arith.constant 0 : i32
    %c0_i32_0 = arith.constant 0 : i32
    %c0_i32_1 = arith.constant 0 : i32
    return %arg0, %c0_i32, %c0_i32_0 : i32, i32, i32
  }
  func.func @transform_4(%arg0: i32) -> (i32, i32, i32) {
    %c0_i32 = arith.constant 0 : i32
    %c0_i32_0 = arith.constant 0 : i32
    %c0_i32_1 = arith.constant 0 : i32
    return %arg0, %c0_i32, %c0_i32_0 : i32, i32, i32
  }
}

</mosaic_0001>

<sc_bundles>
// kernel: kernel.4.cloned.1.call-start
scs
__scs_entry_jumppad:
0x0: {  	(pc) =	sbr.rel $0x88, $3  }
0x1: {  	(tag) =	ssettag $0x0;
	lr =	simm.s32 $0x1  }
0x2: {  	[smem:$0x3F9D] =	sst lr;
	_ =	strace $0xD0000000  }
0x3: {  	_ = 	snop  }
0x4: {  	_ = 	snop  }
0x5: {  	_ = 	snop  }
0x6: {  	_ = 	snop  }
0x7: {  	_ = 	snop  }
__scs_overlays_trampoline_lowered:
0x8: {  	[smem:$0x3FAC] =	sst s0  }
0x9: {  	[smem:$0x3FAD] =	sst s1  }
0xa: {  	[smem:$0x3FAE] =	sst s2  }
0xb: {  	[smem:$0x3FAF] =	sst s3  }
0xc: {  	[smem:$0x3FB0] =	sst s4  }
0xd: {  	[smem:$0x3FB1] =	sst s5  }
0xe: {  	[smem:$0x3FB2] =	sst s6  }
0xf: {  	[smem:$0x3FB3] =	sst s7  }
0x10: {  	[smem:$0x3FB4] =	sst s8  }
0x11: {  	[smem:$0x3FB5] =	sst s9;
	s0 =	simm.s32 @!p0 $0x0  }
0x12: {  	s1 =	sld [smem:$0x3F9B];
	s0 =	simm.s32 @p0 $0x1  }
0x13: {  	[smem:$0x3FB6] =	sst s0;
	s0 =	simm.s32 @!p1 $0x0  }
0x14: {  	s2 =	sld [smem:$0x3F9A];
	s0 =	simm.s32 @p1 $0x1  }
0x15: {  	[smem:$0x3FB7] =	sst s0;
	s0 =	simm.s32 @!p2 $0x0  }
0x16: {  	s3 =	sld [smem:$0x3FDB];
	s0 =	simm.s32 @p2 $0x1  }
0x17: {  	s4 =	simm.s32 $0x1BF5;
	[smem:$0x3FB9] =	sst s0  }
0x18: {  	s0 =	sld [smem:$0x3F9C];
	_ =	swait.ge [sflag:s4], $0x0  }
0x19: {  	s7 =	sld [smem:$0x3F9D]  }
0x1a: {  	s8 =	sadd.s32 $0xFFFFE003, lr  }
0x1b: {  	s9 =	sadd.s32 $0xFFFFFEF7, lr;
	s5 =	simm.s32 $0xFFFFFFFF;
	p2 =	slt.u32 s8, $0xFFFFF086  }
0x1c: {  	p1 =	slt.u32 s9, $0xF7A;
	s5 =	simm.s32 @!p2 $0x0  }
0x1d: {  	s5 =	simm.s32 @p1 $0x1;
	p0 =	seq.s32 s7, s2  }
0x1e: {  	s7 =	smul.u32 @!p0 $0xF7A, s2;
	p2 =	seq.s32 @!p0 s5, $0x0  }
0x1f: {  	s9 =	smul.u32 $0xF7A, s1;
	s8 =	simm.s32 @!p0 $0x1BF5;
	p2 =	por !p2, p0  }
0x20: {  	[sflag:s8] =	ssyncset.s32 @!p0 $0xFFFFF086;
	s6 =	sadd.s32 @!p0 s3, s7;
	s7 =	simm.s32 @!p0 $0x108  }
0x21: {  	s3 =	sadd.s32 s3, s9;
	s6 =	sadd.s32 @!p0 $0x88, s6;
	s7 =	simm.s32 @p2 $0x1082  }
0x22: {  	[simem:s7], [sflag:s8] =	dma.local @!p0 [hbm:s6], $0xF7A  }
0x23: {  	s9 =	sor.u32 $0xD0000000, s2;
	s6 =	simm.s32 $0x108;
	_ =	swait.ge @!p0 [sflag:s8], $0x0  }
0x24: {  	s3 =	sadd.s32 $0x88, s3;
	s6 =	simm.s32 @!p1 $0x1082;
	[sflag:s4] =	ssyncset.s32 $0xFFFFF086  }
0x25: {  	[simem:s6], [sflag:s4] =	dma.local [hbm:s3], $0xF7A  }
0x26: {  	[smem:$0x3F9D] =	sst s1;
	(tag) =	ssettag s2;
	_ =	strace s9  }
0x27: {  	s1 =	sld [smem:$0x3FAD]  }
0x28: {  	s2 =	sld [smem:$0x3FAE]  }
0x29: {  	s4 =	sld [smem:$0x3FB0]  }
0x2a: {  	p0 =	seq.s32 s5, $0x0;
	s5 =	sld [smem:$0x3FB1]  }
0x2b: {  	s6 =	sld [smem:$0x3FB2]  }
0x2c: {  	s7 =	sld [smem:$0x3FB3]  }
0x2d: {  	s3 =	simm.s32 $0x108;
	s8 =	sld [smem:$0x3FB4]  }
0x2e: {  	s3 =	simm.s32 @!p0 $0x1082;
	s9 =	sld [smem:$0x3FB5]  }
0x2f: {  	lr =	sadd.s32 s0, s3;
	s0 =	sld [smem:$0x3FAC]  }
0x30: {  	s3 =	sld [smem:$0x3FAF]  }
0x31: {  	[smem:$0x3FB8] =	sst s10  }
0x32: {  	s10 =	sld [smem:$0x3FB6];
	_ =	sdelay $0x3  }
0x33: {  	p0 =	seq.s32 s10, $0x1;
	s10 =	sld [smem:$0x3FB8];
	_ =	sdelay $0x3  }
0x34: {  	[smem:$0x3FB8] =	sst s10  }
0x35: {  	s10 =	sld [smem:$0x3FB7];
	_ =	sdelay $0x3  }
0x36: {  	p1 =	seq.s32 s10, $0x1;
	s10 =	sld [smem:$0x3FB8];
	_ =	sdelay $0x3  }
0x37: {  	[smem:$0x3FB8] =	sst s10  }
0x38: {  	s10 =	sld [smem:$0x3FB9]  }
0x39: {  	_ = 	snop;
	(pc) =	sbr.ind lr, $3  }
0x3a: {  	_ = 	snop  }
0x3b: {  	_ = 	snop  }
0x3c: {  	p2 =	seq.s32 s10, $0x1;
	s10 =	sld [smem:$0x3FB8]  }
0x3d: {  	_ =	shalt  }
0x3e: {  	_ =	shalt  }
0x3f: {  	_ =	shalt  }
0x40: {  	_ =	shalt  }
0x41: {  	_ =	shalt  }
0x42: {  	_ =	shalt  }
0x43: {  	_ =	shalt  }
0x44: {  	_ =	shalt  }
0x45: {  	_ =	shalt  }
0x46: {  	_ =	shalt  }
0x47: {  	_ =	shalt  }
0x48: {  	_ =	shalt  }
0x49: {  	_ =	shalt  }
0x4a: {  	_ =	shalt  }
0x4b: {  	_ =	shalt  }
0x4c: {  	_ =	shalt  }
0x4d: {  	_ =	shalt  }
0x4e: {  	_ =	shalt  }
0x4f: {  	_ =	shalt  }
0x50: {  	_ =	shalt  }
0x51: {  	_ =	shalt  }
0x52: {  	_ =	shalt  }
0x53: {  	_ =	shalt  }
0x54: {  	_ =	shalt  }
0x55: {  	_ =	shalt  }
0x56: {  	_ =	shalt  }
0x57: {  	_ =	shalt  }
0x58: {  	_ =	shalt  }
0x59: {  	_ =	shalt  }
0x5a: {  	_ =	shalt  }
0x5b: {  	_ =	shalt  }
0x5c: {  	_ =	shalt  }
0x5d: {  	_ =	shalt  }
0x5e: {  	_ =	shalt  }
0x5f: {  	_ =	shalt  }
0x60: {  	_ =	shalt  }
0x61: {  	_ =	shalt  }
0x62: {  	_ =	shalt  }
0x63: {  	_ =	shalt  }
0x64: {  	_ =	shalt  }
0x65: {  	_ =	shalt  }
0x66: {  	_ =	shalt  }
0x67: {  	_ =	shalt  }
0x68: {  	_ =	shalt  }
0x69: {  	_ =	shalt  }
0x6a: {  	_ =	shalt  }
0x6b: {  	_ =	shalt  }
0x6c: {  	_ =	shalt  }
0x6d: {  	_ =	shalt  }
0x6e: {  	_ =	shalt  }
0x6f: {  	_ =	shalt  }
0x70: {  	_ =	shalt  }
0x71: {  	_ =	shalt  }
0x72: {  	_ =	shalt  }
0x73: {  	_ =	shalt  }
0x74: {  	_ =	shalt  }
0x75: {  	_ =	shalt  }
0x76: {  	_ =	shalt  }
0x77: {  	_ =	shalt  }
0x78: {  	_ =	shalt  }
0x79: {  	_ =	shalt  }
0x7a: {  	_ =	shalt  }
0x7b: {  	_ =	shalt  }
0x7c: {  	_ =	shalt  }
0x7d: {  	_ =	shalt  }
0x7e: {  	_ =	shalt  }
0x7f: {  	_ =	shalt  }
0x80: {  	_ =	shalt  }
0x81: {  	_ =	shalt  }
0x82: {  	_ =	shalt  }
0x83: {  	_ =	shalt  }
0x84: {  	_ =	shalt  }
0x85: {  	_ =	shalt  }
0x86: {  	_ =	shalt  }
0x87: {  	_ =	shalt  }
.Lfunc_end0:
.L_simem_size_0:
called_computation_lowered:
.L_overlay_start_0:
0x88: {  	s0 =	sld [smem:$0x3FD9]  }
0x89: {  	s1 =	sld [smem:$0x3FFE];
	_ =	sdelay $0x3  }
0x8a: {  	s0 =	sadd.s32 s1, s0  }
0x8b: {  	[smem:$0x3FC4] =	sst s0  }
0x8c: {  	_ = 	snop  }
0x8d: {  	s0 =	sld [smem:$0x3FD0];
	_ =	sdelay $0x2  }
0x8e: {  	s2 =	simm.s32 $0xA;
	s3 =	simm.s32 $0x10;
	s13 =	sld [smem:$0x3FC8]  }
0x8f: {  	[smem:s3], [sflag:s2] =	dma.local [hbm:s0], $0x1  }
0x90: {  	_ =	swait.eq [sflag:s2], $0x1  }
0x91: {  	[sflag:s2] =	ssyncset.done $0x0  }
0x92: {  	[sflag:s2] =	ssyncadd.s32 $0xFFFFFFFF  }
0x93: {  	s14 =	sld [smem:$0x11];
	(tm) =	ssettm $0x1  }
0x94: {  	s15 =	sld [smem:$0x3FFB];
	_ =	sdelay $0x3  }
0x95: {  	_ =	strace s15  }
0x96: {  	s2 =	sld [smem:$0x3FFC];
	_ =	sdelay $0x3  }
0x97: {  	_ =	strace s2  }
0x98: {  	s2 =	sld [smem:$0x3FFD];
	_ =	sdelay $0x3  }
0x99: {  	_ =	strace s2  }
0x9a: {  	_ =	strace $0x8FFFFFFF  }
0x9b: {  	s16 =	sld [smem:$0x3FDB];
	_ =	sdelay $0x1  }
0x9c: {  	s17 =	simm.s32 $_scs_section_size  }
0x9d: {  	s4 =	simm.s32 $_size__tile_overlayer_lowered;
	s5 =	simm.s32 $_tile_overlayer_lowered  }
0x9e: {  	s20 =	simm.s32 $0x1BFF;
	s19 =	sshll.u32 s5, $0x1;
	s2 =	sadd.s32 s17, s16  }
0x9f: {  	s6 =	simm.s32 $0x0;
	s18 =	sshll.u32 s4, $0x1;
	s4 =	sadd.s32 s19, s2  }
0xa0: {  	[timem:s6], [sflag:s20] =	dma.local [hbm:s4], s18  }
0xa1: {  	_ =	swait.ge [sflag:s20], s18  }
0xa2: {  	s3 =	ssub.s32 $0x0, s18;
	[sflag:s20] =	ssyncset.done $0x0  }
0xa3: {  	[sflag:s20] =	ssyncadd.s32 s3;
	_ =	sdelay $0x1  }
0xa4: {  	s21 =	simm.s32 $0x1B8B  }
0xa5: {  	_ =	swait.ge [sflag:s21], $0x1  }
0xa6: {  	[sflag:s21] =	ssyncset.done $0x0  }
0xa7: {  	s23 =	simm.s32 $0x1B8E;
	s22 =	sld [smem:$0x3FFE];
	[sflag:s21] =	ssyncadd.s32 $0xFFFFFFFF  }
0xa8: {  	s24 =	simm.s32 $execute0_lowered;
	[smem:$0x3FD2] =	sst s23  }
0xa9: {  	s4 =	sshll.u32 s24, $0x1;
	_ =	strace $0x80000046;
	[dreg:$0x1] =	wrdreg $0xFFFFFFFF  }
0xaa: {  	s25 =	simm.s32 $_size_execute0_lowered;
	s2 =	sadd.s32 s2, s4;
	[dreg:$0x0] =	wrdreg $0x0  }
0xab: {  	s4 =	sshll.u32 s25, $0x1;
	[dreg:$0x2] =	wrdreg s2  }
0xac: {  	[dreg:$0x3] =	wrdreg s4  }
0xad: {  	[dreg:$0x4] =	wrdreg $0xC0  }
0xae: {  	_ =	task [dreg:s6], $0x5FFFF  }
0xaf: {  	[dreg:$0x1] =	wrdreg $0xFFFFFFFF  }
0xb0: {  	[dreg:$0x0] =	wrdreg $0x60  }
0xb1: {  	[dreg:$0x2] =	wrdreg s13  }
0xb2: {  	[dreg:$0x3] =	wrdreg s14  }
0xb3: {  	[dreg:$0x4] =	wrdreg s22  }
0xb4: {  	[dreg:$0x5] =	wrdreg $0x9  }
0xb5: {  	_ =	task.clear_ibuf [dreg:s6], $0x6FFFF;
	_ =	strace $0x90000046  }
0xb6: {  	s26 =	simm.s32 $0x9;
	_ =	strace $0x80000048  }
0xb7: {  	_ =	swait.ge [sflag:s26], $0x1  }
0xb8: {  	[sflag:s26] =	ssyncadd.s32 $0xFFFFFFFF  }
0xb9: {  	_ =	strace $0x90000048  }
0xba: {  	_ =	sfence  }
0xbb: {  	s28 =	sld [smem:$0x0];
	_ =	sdelay $0x1  }
0xbc: {  	s29 =	srdreg.scid  }
0xbd: {  	s30 =	sshll.u32 s29, $0xD;
	s31 =	sshrl.u32 s29, $0x2  }
0xbe: {  	s1 =	sand.u32 $0x1, s29;
	s2 =	sand.u32 $0x4000, s30;
	s0 =	sadd.s32 s31, s28  }
0xbf: {  	s1 =	sor.u32 s2, s1;
	s0 =	sshll.u32 s0, $0x11  }
0xc0: {  	s0 =	sor.u32 s0, s1  }
0xc1: {  	s0 =	sadd.s32 $0x8F2B, s0  }
0xc2: {  	[sflag:s0] =	ssyncadd.remote.s32 $0x1  }
0xc3: {  	_ =	sfence.sel $0xFFFF  }
0xc4: {  	[dreg:$0x0] =	wrdreg $0xFFFFFFFF;
	(pc) =	sbr.abs _section_cstart, $3  }
0xc5: {  	[dreg:$0x1] =	wrdreg $0xFFFFFFFF  }
0xc6: {  	_ =	task.clear_ibuf [dreg:s6], $0x2FFFF;
	_ =	strace $0x9FFFFFFF  }
0xc7: {  	(tm) =	ssettm $0x7FFFFFFF  }
tec
execute0_lowered:
.L_overlay_start_1:
0x0: {  	(tag) =	ssettag $0x1  }
0x1: {  	s1 =	stileid.u32  }
0x2: {  	p0 =	sgt.u32 s1, $0x7  }
.Ltmp0:
0x3: {  	s6 =	rddreg [dreg:$0x0];
	(pc) =	sbr.rel @p0 .LBB2_12-.Ltmp0, $4  }
0x4: {  	s2 =	rddreg [dreg:$0x1]  }
0x5: {  	s3 =	rddreg [dreg:$0x2];
	s4 =	simm.s32 $0x0  }
0x6: {  	[smem:$0x7FF] =	sst s4  }
0x7: {  	s0 =	rddreg [dreg:$0x3];
	_ =	strace $0x80000047  }
0x8: {  	v0 =	vlaneseq.u32  }
0x9: {  	s5 =	sshll.u32 s1, $0xA;
	v0 =	vmul.u32 $0x80, v0  }
0xa: {  	s25 =	simm.s32 $0x1;
	s6 =	sadd.s32 s6, s5  }
0xb: {  	[tilespmem:s4], [sflag:$0x1] =	stream.linear.gather [hbm4b:s6+s4], $0x2000, $0x38;
	[tilespmem:$0xA980] =	vst v63  }
0xc: {  	_ =	swait.ge [sflag:s25], $0x2000  }
0xd: {  	[sflag:s25] =	ssyncset.done $0x0  }
0xe: {  	[sflag:s25] =	ssyncadd.s32 $0xFFFFE000  }
0xf: {  	v1 =	vld.idx.msk [tilespmem:v0+s4+$0x0], $0xffff;
	_ =	sdelay $0x4  }
0x10: {  	v1 =	vsub.f32 $0.0e+00, v1;
	_ =	sdelay $0x1  }
0x11: {  	(xrf2) =	vadd.scan.msk.f32 $0xffff, v1;
	_ =	sdelay $0x8  }
0x12: {  	v1 =	vor.u32 $0x800, v0  }
0x13: {  	v2, _, _ =	vpop (xrf2)  }
0x14: {  	v3 =	vadd.f32 $0.0e+00, v2;
	_ =	sdelay $0x1  }
0x15: {  	[tilespmem:$0x2000] =	vst v3  }
0x16: {  	(v2sf) =	vpush v2, $0xF;
	v1 =	vld.idx.msk [tilespmem:v1+s4+$0x0], $0xffff;
	_ =	sdelay $0x4  }
0x17: {  	v1 =	vsub.f32 $0.0e+00, v1;
	_ =	sdelay $0x1  }
0x18: {  	(xrf2) =	vadd.scan.msk.f32 $0xffff, v1;
	_ =	sdelay $0x7  }
0x19: {  	s26 =	spop (v2sf)  }
0x1a: {  	v1 =	vor.u32 $0x1000, v0;
	s6 =	sadd.f32 $0.0e+00, s26  }
0x1b: {  	v2, _, _ =	vpop (xrf2)  }
0x1c: {  	v3 =	vadd.f32 s6, v2;
	_ =	sdelay $0x1  }
0x1d: {  	[tilespmem:$0x2010] =	vst v3  }
0x1e: {  	(v2sf) =	vpush v2, $0xF;
	v1 =	vld.idx.msk [tilespmem:v1+s4+$0x0], $0xffff;
	_ =	sdelay $0x4  }
0x1f: {  	v1 =	vsub.f32 $0.0e+00, v1;
	_ =	sdelay $0x1  }
0x20: {  	(xrf2) =	vadd.scan.msk.f32 $0xffff, v1;
	_ =	sdelay $0x7  }
0x21: {  	s7 =	spop (v2sf)  }
0x22: {  	v1 =	vor.u32 $0x1800, v0;
	s6 =	sadd.f32 s7, s6  }
0x23: {  	v2, _, _ =	vpop (xrf2)  }
0x24: {  	v3 =	vadd.f32 s6, v2;
	_ =	sdelay $0x1  }
0x25: {  	[tilespmem:$0x2020] =	vst v3  }
0x26: {  	(v2sf) =	vpush v2, $0xF;
	v1 =	vld.idx.msk [tilespmem:v1+s4+$0x0], $0xffff;
	_ =	sdelay $0x4  }
0x27: {  	v1 =	vsub.f32 $0.0e+00, v1;
	_ =	sdelay $0x1  }
0x28: {  	(xrf2) =	vadd.scan.msk.f32 $0xffff, v1;
	_ =	sdelay $0x7  }
0x29: {  	s28 =	spop (v2sf)  }
0x2a: {  	v1 =	vor.u32 $0x3F, v0;
	s6 =	sadd.f32 s28, s6  }
0x2b: {  	v2, _, _ =	vpop (xrf2)  }
0x2c: {  	v2 =	vadd.f32 s6, v2;
	_ =	sdelay $0x1  }
0x2d: {  	[tilespmem:$0x2030] =	vst v2  }
0x2e: {  	v1 =	vld.idx.msk [tilespmem:v1+s4+$0x0], $0xffff;
	_ =	sdelay $0x4  }
0x2f: {  	v1 =	vsub.f32 $0.0e+00, v1;
	_ =	sdelay $0x1  }
0x30: {  	(xrf2) =	vadd.scan.msk.f32 $0xffff, v1;
	_ =	sdelay $0x8  }
0x31: {  	v1 =	vor.u32 $0x83F, v0  }
0x32: {  	v2, _, _ =	vpop (xrf2)  }
0x33: {  	v3 =	vadd.f32 $0.0e+00, v2;
	_ =	sdelay $0x1  }
0x34: {  	[tilespmem:$0x2080] =	vst v3  }
0x35: {  	(v2sf) =	vpush v2, $0xF;
	v1 =	vld.idx.msk [tilespmem:v1+s4+$0x0], $0xffff;
	_ =	sdelay $0x4  }
0x36: {  	v1 =	vsub.f32 $0.0e+00, v1;
	_ =	sdelay $0x1  }
0x37: {  	(xrf2) =	vadd.scan.msk.f32 $0xffff, v1;
	_ =	sdelay $0x7  }
0x38: {  	s29 =	spop (v2sf)  }
0x39: {  	v1 =	vor.u32 $0x103F, v0;
	s6 =	sadd.f32 $0.0e+00, s29  }
0x3a: {  	v2, _, _ =	vpop (xrf2)  }
0x3b: {  	v3 =	vadd.f32 s6, v2;
	_ =	sdelay $0x1  }
0x3c: {  	[tilespmem:$0x2090] =	vst v3  }
0x3d: {  	(v2sf) =	vpush v2, $0xF;
	v1 =	vld.idx.msk [tilespmem:v1+s4+$0x0], $0xffff;
	_ =	sdelay $0x4  }
0x3e: {  	v1 =	vsub.f32 $0.0e+00, v1;
	_ =	sdelay $0x1  }
0x3f: {  	(xrf2) =	vadd.scan.msk.f32 $0xffff, v1;
	_ =	sdelay $0x7  }
0x40: {  	s30 =	spop (v2sf)  }
0x41: {  	v0 =	vor.u32 $0x183F, v0;
	s6 =	sadd.f32 s30, s6  }
0x42: {  	v1, _, _ =	vpop (xrf2)  }
0x43: {  	v2 =	vadd.f32 s6, v1;
	_ =	sdelay $0x1  }
0x44: {  	[tilespmem:$0x20A0] =	vst v2  }
0x45: {  	(v2sf) =	vpush v1, $0xF;
	v0 =	vld.idx.msk [tilespmem:v0+s4+$0x0], $0xffff;
	_ =	sdelay $0x4  }
0x46: {  	v0 =	vsub.f32 $0.0e+00, v0;
	_ =	sdelay $0x1  }
0x47: {  	(xrf2) =	vadd.scan.msk.f32 $0xffff, v0;
	_ =	sdelay $0x3  }
0x48: {  	vm15 =	vcmask $0x300;
	vm14 =	vcmask $0x704;
	v0 =	vimm.f32 $2.125000000e+00  }
0x49: {  	vm12 =	vcmask $0xB08;
	vm9 =	vcmask $0xF0C;
	v0 =	vsel vm15, $0x3C800000, v0  }
0x4a: {  	vm8 =	vcmask $0x1310;
	vm1 =	vcmask $0x1714;
	v0 =	vsel vm14, $0x3D400000, v0  }
0x4b: {  	vm2 =	vcmask $0x1B18;
	vm3 =	vcmask $0x1F1C;
	v0 =	vsel vm12, $0x3DC00000, v0  }
0x4c: {  	vm4 =	vcmask $0x2320;
	vm6 =	vcmask $0x2724;
	v0 =	vsel vm9, $0x3E200000, v0;
	s31 =	spop (v2sf)  }
0x4d: {  	vm5 =	vcmask $0x2B28;
	vm7 =	vcmask $0x2F2C;
	v0 =	vsel vm8, $0x3E700000, v0;
	s6 =	sadd.f32 s31, s6  }
0x4e: {  	vm10 =	vcmask $0x3330;
	vm11 =	vcmask $0x3734;
	v0 =	vsel vm1, $0x3EA80000, v0;
	v1, _, _ =	vpop (xrf2)  }
0x4f: {  	v0 =	vsel vm2, $0x3EE00000, v0;
	v2 =	vadd.f32 s6, v1;
	v1 =	vimm.f32 $8.250000000e+00  }
0x50: {  	vm13 =	vcmask $0x3B38;
	v0 =	vsel vm3, $0x3F100000, v0;
	v1 =	vsel vm15, $0x40190000, v1  }
0x51: {  	v3 =	vimm.f32 $1.837500000e+01;
	v0 =	vsel vm4, $0x3F340000, v0;
	v1 =	vsel vm14, $0x402B0000, v1  }
0x52: {  	v3 =	vsel vm15, $0x410C4000, v3;
	v0 =	vsel vm6, $0x3F5C0000, v0;
	v1 =	vsel vm12, $0x403E0000, v1  }
0x53: {  	v3 =	vsel vm14, $0x4114C000, v3;
	v0 =	vsel vm5, $0x3F840000, v0;
	v1 =	vsel vm9, $0x40520000, v1  }
0x54: {  	v3 =	vsel vm12, $0x411D8000, v3;
	v0 =	vsel vm7, $0x3F9C0000, v0;
	v1 =	vsel vm8, $0x40670000, v1  }
0x55: {  	v3 =	vsel vm9, $0x41268000, v3;
	v0 =	vsel vm10, $0x3FB60000, v0;
	v1 =	vsel vm1, $0x407D0000, v1  }
0x56: {  	v4 =	vsel vm8, $0x412FC000, v3;
	v0 =	vsel vm11, $0x3FD20000, v0;
	v1 =	vsel vm2, $0x408A0000, v1  }
0x57: {  	v3 =	vsel vm13, $0x3FF00000, v0;
	v0 =	vsel vm3, $0x40960000, v1;
	v1 =	vsel vm1, $0x41394000, v4  }
0x58: {  	v4 =	vimm.f32 $3.250000000e+01;
	v0 =	vsel vm4, $0x40A28000, v0;
	v1 =	vsel vm2, $0x41430000, v1  }
0x59: {  	v4 =	vsel vm15, $0x41992000, v4;
	v0 =	vsel vm6, $0x40AF8000, v0;
	v1 =	vsel vm3, $0x414D0000, v1  }
0x5a: {  	v4 =	vsel vm14, $0x419F6000, v4;
	v0 =	vsel vm5, $0x40BD0000, v0;
	v1 =	vsel vm4, $0x41574000, v1  }
0x5b: {  	v4 =	vsel vm12, $0x41A5C000, v4;
	v0 =	vsel vm7, $0x40CB0000, v0;
	v1 =	vsel vm6, $0x4161C000, v1  }
0x5c: {  	v4 =	vsel vm9, $0x41AC4000, v4;
	v0 =	vsel vm10, $0x40D98000, v0;
	v1 =	vsel vm5, $0x416C8000, v1  }
0x5d: {  	v4 =	vsel vm8, $0x41B2E000, v4;
	v0 =	vsel vm11, $0x40E88000, v0;
	v1 =	vsel vm7, $0x41778000, v1  }
0x5e: {  	v5 =	vsel vm13, $0x40F80000, v0;
	v0 =	vsel vm10, $0x41816000, v1;
	v1 =	vsel vm1, $0x41B9A000, v4  }
0x5f: {  	v0 =	vsel vm11, $0x41872000, v0;
	v1 =	vsel vm2, $0x41C08000, v1  }
0x60: {  	v4 =	vimm.f32 $-2.109375000e+00;
	v6 =	vsel vm13, $0x418D0000, v0;
	v0 =	vsel vm3, $0x41C78000, v1  }
0x61: {  	v1 =	vsel vm14, $0xBD000000, v4;
	v0 =	vsel vm4, $0x41CEA000, v0  }
0x62: {  	v4 =	vimm.f32 $-8.234375000e+00;
	v1 =	vsel vm12, $0xBDA00000, v1;
	v0 =	vsel vm6, $0x41D5E000, v0  }
0x63: {  	v4 =	vsel vm15, $0xC0180000, v4;
	v1 =	vsel vm9, $0xBE100000, v1;
	v0 =	vsel vm5, $0x41DD4000, v0  }
0x64: {  	v4 =	vsel vm14, $0xC02A0000, v4;
	v1 =	vsel vm8, $0xBE600000, v1;
	v0 =	vsel vm7, $0x41E4C000, v0  }
0x65: {  	v4 =	vsel vm12, $0xC03D0000, v4;
	v1 =	vsel vm1, $0xBEA00000, v1;
	v0 =	vsel vm10, $0x41EC6000, v0  }
0x66: {  	v4 =	vsel vm9, $0xC0510000, v4;
	v1 =	vsel vm2, $0xBED80000, v1;
	v0 =	vsel vm11, $0x41F42000, v0  }
0x67: {  	v4 =	vsel vm8, $0xC0660000, v4;
	v1 =	vsel vm3, $0xBF0C0000, v1;
	v7 =	vsel vm13, $0x41FC0000, v0  }
0x68: {  	v0 =	vsel vm4, $0xBF300000, v1;
	v1 =	vsel vm1, $0xC07C0000, v4;
	v4 =	vimm.f32 $-1.835937500e+01  }
0x69: {  	v4 =	vsel vm15, $0xC10C0000, v4  }
0x6a: {  	vm0 =	vmmov $0x1;
	v4 =	vsel vm14, $0xC1148000, v4  }
0x6b: {  	v8 =	vimm.f32 $-3.248437500e+01;
	v9 =	vimm.f32 $2.109375000e+00;
	v4 =	vsel vm12, $0xC11D4000, v4  }
0x6c: {  	v10 =	vimm.f32 $8.234375000e+00;
	v13 =	vimm.f32 $1.835937500e+01;
	v4 =	vsel vm9, $0xC1264000, v4  }
0x6d: {  	v8 =	vsel vm15, $0xC1990000, v8;
	v9 =	vsel vm15, $0x0, v9;
	v4 =	vsel vm8, $0xC12F8000, v4  }
0x6e: {  	v10 =	vsel vm15, $0x40180000, v10;
	v8 =	vsel vm14, $0xC19F4000, v8;
	v4 =	vsel vm1, $0xC1390000, v4  }
0x6f: {  	v9 =	vsel vm14, $0x3D000000, v9;
	v10 =	vsel vm14, $0x402A0000, v10;
	v4 =	vsel vm2, $0xC142C000, v4  }
0x70: {  	v8 =	vsel vm12, $0xC1A5A000, v8;
	v10 =	vsel vm12, $0x403D0000, v10;
	[tilespmem:$0x20B0] =	vst v2;
	v4 =	vsel vm3, $0xC14CC000, v4  }
0x71: {  	v8 =	vsel vm9, $0xC1AC2000, v8;
	v10 =	vsel vm9, $0x40510000, v10;
	[tilespmem:$0x2100] =	vst v3;
	v4 =	vsel vm4, $0xC1570000, v4  }
0x72: {  	v10 =	vsel vm8, $0x40660000, v10;
	[tilespmem:$0x2110] =	vst v5;
	v0 =	vsel vm6, $0xBF580000, v0;
	v4 =	vsel vm6, $0xC1618000, v4  }
0x73: {  	[tilespmem:$0x2120] =	vst v6;
	v1 =	vsel vm2, $0xC0898000, v1;
	v0 =	vsel vm5, $0xBF820000, v0;
	v4 =	vsel vm5, $0xC16C4000, v4  }
0x74: {  	s6 =	simm.s32 $0x20;
	[tilespmem:$0x2130] =	vst v7;
	v2 =	vsel vm7, $0xC1774000, v4;
	v4 =	vsel vm8, $0xC1B2C000, v8;
	v8 =	vsel vm12, $0x3DA00000, v9  }
0x75: {  	v1 =	vsel vm3, $0xC0958000, v1;
	v11 =	vld [tilespmem:s6+$0xFFFFFFE0];
	v0 =	vsel vm7, $0xBF9A0000, v0;
	v8 =	vsel vm9, $0x3E100000, v8  }
0x76: {  	v12 =	vld [tilespmem:s6+$0xFFFFFFF0];
	v1 =	vsel vm4, $0xC0A20000, v1;
	v0 =	vsel vm10, $0xBFB40000, v0;
	v8 =	vsel vm8, $0x3E600000, v8  }
0x77: {  	v1 =	vsel vm6, $0xC0AF0000, v1;
	v9 =	vmov s4;
	v8 =	vsel vm1, $0x3EA00000, v8  }
0x78: {  	v0 =	vsel vm11, $0xBFD00000, v0;
	v1 =	vsel vm5, $0xC0BC8000, v1;
	v8 =	vsel vm2, $0x3ED80000, v8  }
0x79: {  	v0 =	vsel vm13, $0xBFEE0000, v0;
	v1 =	vsel vm7, $0xC0CA8000, v1;
	v8 =	vsel vm3, $0x3F0C0000, v8  }
0x7a: {  	v1 =	vsel vm10, $0xC0D90000, v1;
	v11 =	vsub.f32 v3, v11;
	v8 =	vsel vm4, $0x3F300000, v8  }
0x7b: {  	s7 =	simm.s32 $0x2000;
	v5 =	vsub.f32 v5, v12;
	v12 =	vsel vm15, $0x410C0000, v13;
	v8 =	vsel vm6, $0x3F580000, v8  }
0x7c: {  	v1 =	vsel vm11, $0xC0E80000, v1;
	v12 =	vsel vm14, $0x41148000, v12;
	v9 =	vld.idx.msk [tilespmem:v9+s7+$0x0], $0xffff;
	v8 =	vsel vm5, $0x3F820000, v8  }
0x7d: {  	v1 =	vsel vm13, $0xC0F78000, v1;
	v4 =	vsel vm1, $0xC1B98000, v4;
	v8 =	vsel vm7, $0x3F9A0000, v8  }
0x7e: {  	v11 =	vadd.f32 v0, v11;
	v4 =	vsel vm2, $0xC1C06000, v4;
	v8 =	vsel vm10, $0x3FB40000, v8  }
0x7f: {  	v4 =	vsel vm3, $0xC1C76000, v4;
	v3 =	vsel vm11, $0x3FD00000, v8;
	v8 =	vsel vm1, $0x407C0000, v10;
	v10 =	vld [tilespmem:s6+$0x0]  }
0x80: {  	v12 =	vsel vm12, $0x411D4000, v12;
	v5 =	vadd.f32 v1, v5;
	v4 =	vsel vm4, $0xC1CE8000, v4  }
0x81: {  	v2 =	vsel vm10, $0xC1814000, v2;
	v4 =	vsel vm6, $0xC1D5C000, v4;
	v9 =	vsel vm0, v9, v11;
	v11 =	vld [tilespmem:s6+$0x10]  }
0x82: {  	v5 =	vsub.f32 $0.0e+00, v5;
	v2 =	vsel vm11, $0xC1870000, v2;
	v4 =	vsel vm5, $0xC1DD2000, v4  }
0x83: {  	v2 =	vsel vm13, $0xC18CE000, v2;
	v4 =	vsel vm7, $0xC1E4A000, v4;
	v9 =	vsub.f32 $0.0e+00, v9  }
0x84: {  	v4 =	vsel vm10, $0xC1EC4000, v4;
	v6 =	vsub.f32 v6, v10;
	v10 =	vsel vm9, $0x41264000, v12  }
0x85: {  	v4 =	vsel vm11, $0xC1F40000, v4;
	(xrf0) =	vmax.scan.msk.f32 $0xffff, v9;
	v9 =	vsel vm8, $0x412F8000, v10;
	v10 =	vimm.f32 $3.248437500e+01  }
0x86: {  	(xrf0) =	vmax.scan.msk.f32 $0xffff, v5;
	v5 =	vsub.f32 v7, v11;
	v9 =	vsel vm1, $0x41390000, v9;
	v10 =	vsel vm15, $0x41990000, v10  }
0x87: {  	v6 =	vadd.f32 v2, v6;
	v7 =	vsel vm2, $0x4142C000, v9;
	v9 =	vsel vm14, $0x419F4000, v10  }
0x88: {  	v4 =	vsel vm13, $0xC1FBE000, v4;
	v9 =	vsel vm12, $0x41A5A000, v9  }
0x89: {  	v6 =	vsub.f32 $0.0e+00, v6;
	v7 =	vsel vm3, $0x414CC000, v7;
	v9 =	vsel vm9, $0x41AC2000, v9  }
0x8a: {  	v5 =	vadd.f32 v4, v5;
	v7 =	vsel vm4, $0x41570000, v7  }
0x8b: {  	v8 =	vsel vm2, $0x40898000, v8;
	(xrf0) =	vmax.scan.msk.f32 $0xffff, v6;
	v6 =	vsel vm6, $0x41618000, v7;
	v7 =	vsel vm8, $0x41B2C000, v9  }
0x8c: {  	v8 =	vsel vm3, $0x40958000, v8;
	v5 =	vsub.f32 $0.0e+00, v5;
	v7 =	vsel vm1, $0x41B98000, v7;
	v9, _, _ =	vpop (xrf0)  }
0x8d: {  	v8 =	vsel vm4, $0x40A20000, v8;
	v7 =	vsel vm2, $0x41C06000, v7;
	v10, _, _ =	vpop (xrf0)  }
0x8e: {  	(xrf0) =	vmax.scan.msk.f32 $0xffff, v5;
	v9 =	vsub.f32 $0.0e+00, v9;
	v5 =	vsel vm3, $0x41C76000, v7;
	v7 =	vsub.f32 $0.0e+00, v10  }
0x8f: {  	v8 =	vsel vm6, $0x40AF0000, v8  }
0x90: {  	v8 =	vsel vm5, $0x40BC8000, v8;
	v10 =	vbroadcast v9, $0xF  }
0x91: {  	v8 =	vsel vm7, $0x40CA8000, v8;
	v6 =	vsel vm5, $0x416C4000, v6  }
0x92: {  	v6 =	vsel vm7, $0x41774000, v6;
	v5 =	vsel vm4, $0x41CE8000, v5;
	v10 =	vmin.f32 v7, v10;
	v7, _, _ =	vpop (xrf0)  }
0x93: {  	v6 =	vsel vm10, $0x41814000, v6;
	v5 =	vsel vm6, $0x41D5C000, v5;
	v12 =	vsub.f32 $0.0e+00, v7  }
0x94: {  	v8 =	vsel vm10, $0x40D90000, v8;
	v6 =	vsel vm11, $0x41870000, v6;
	v11 =	vsel vm5, $0x41DD2000, v5  }
0x95: {  	v5 =	vsel vm13, $0x418CE000, v6;
	v6 =	vsel vm7, $0x41E4A000, v11;
	v13 =	vbroadcast v10, $0xF  }
0x96: {  	v3 =	vsel vm13, $0x3FEE0000, v3;
	v8 =	vsel vm11, $0x40E80000, v8;
	v6 =	vsel vm10, $0x41EC4000, v6  }
0x97: {  	v7 =	vsel vm13, $0x40F78000, v8;
	v8 =	vadd.f32 v3, v9;
	v11 =	vmin.f32 v12, v13;
	v12, _, _ =	vpop (xrf0)  }
0x98: {  	s8 =	simm.s32 $0x21B0;
	v9 =	vadd.f32 v7, v10;
	v13 =	vbroadcast v11, $0xF;
	v12 =	vsub.f32 $0.0e+00, v12  }
0x99: {  	s9 =	sadd.s32 $0xE00, s3;
	v6 =	vsel vm11, $0x41F40000, v6;
	[tilespmem:s8+$0xFFFFFFD0] =	vst v8;
	v10 =	vadd.f32 v5, v11  }
0x9a: {  	s10 =	sadd.s32 $0x2E00, s3;
	s11 =	simm.s32 $0x1;
	s3 =	sadd.s32 s9, s5;
	v6 =	vsel vm13, $0x41FBE000, v6;
	[tilespmem:s8+$0xFFFFFFE0] =	vst v9;
	v11 =	vmin.f32 v12, v13  }
0x9b: {  	s4 =	sadd.s32 s2, s5;
	s2 =	sadd.s32 s10, s5;
	s10 =	simm.s32 $0x2;
	[tilespmem:s8+$0xFFFFFFF0] =	vst v10;
	v12 =	vmov s11;
	v11 =	vadd.f32 v6, v11  }
.LBB2_2:
0x9c: {  	s6 =	sadd.s32 $0x80, s6  }
0x9d: {  	[tilespmem:s8+$0x0] =	vst v11;
	s8 =	sadd.s32 $0x80, s8;
	s5 =	smov.u32 s10;
	s9 =	sadd.s32 $0x1, s10  }
0x9e: {  	p0 =	sne.s32 s10, $0x3F;
	v13 =	vld [tilespmem:s6+$0xFFFFFFE0];
	_ =	sdelay $0x1  }
0x9f: {  	v14 =	vld [tilespmem:s6+$0xFFFFFFF0]  }
0xa0: {  	v12 =	vld.idx.msk [tilespmem:v12+s7+$0x0], $0xffff;
	_ =	sdelay $0x1  }
0xa1: {  	v8 =	vsub.f32 v8, v13  }
0xa2: {  	v13 =	vld [tilespmem:s6+$0x0]  }
0xa3: {  	v8 =	vadd.f32 v0, v8;
	v9 =	vsub.f32 v9, v14;
	_ =	sdelay $0x1  }
0xa4: {  	v8 =	vsel vm0, v12, v8;
	v9 =	vadd.f32 v1, v9;
	v12 =	vld [tilespmem:s6+$0x10]  }
0xa5: {  	v8 =	vsub.f32 $0.0e+00, v8  }
0xa6: {  	v10 =	vsub.f32 v10, v13;
	v9 =	vsub.f32 $0.0e+00, v9  }
0xa7: {  	(xrf0) =	vmax.scan.msk.f32 $0xffff, v8  }
0xa8: {  	v8 =	vadd.f32 v2, v10;
	(xrf0) =	vmax.scan.msk.f32 $0xffff, v9  }
0xa9: {  	v9 =	vsub.f32 v11, v12  }
0xaa: {  	v8 =	vsub.f32 $0.0e+00, v8  }
0xab: {  	v11 =	vadd.f32 v4, v9  }
0xac: {  	(xrf0) =	vmax.scan.msk.f32 $0xffff, v8  }
0xad: {  	v8 =	vsub.f32 $0.0e+00, v11;
	v9, _, _ =	vpop (xrf0)  }
0xae: {  	v9 =	vsub.f32 $0.0e+00, v9;
	v10, _, _ =	vpop (xrf0)  }
0xaf: {  	(xrf0) =	vmax.scan.msk.f32 $0xffff, v8  }
0xb0: {  	v10 =	vsub.f32 $0.0e+00, v10;
	v8 =	vadd.f32 v3, v9;
	v9 =	vbroadcast v9, $0xF;
	_ =	sdelay $0x1  }
0xb1: {  	[tilespmem:s8+$0xFFFFFFD0] =	vst v8;
	v10 =	vmin.f32 v10, v9;
	v11, _, _ =	vpop (xrf0)  }
0xb2: {  	v9 =	vadd.f32 v7, v10;
	v11 =	vsub.f32 $0.0e+00, v11;
	v10 =	vbroadcast v10, $0xF;
	_ =	sdelay $0x1  }
0xb3: {  	[tilespmem:s8+$0xFFFFFFE0] =	vst v9;
	v11 =	vmin.f32 v11, v10;
	v12, _, _ =	vpop (xrf0)  }
.Ltmp1:
0xb4: {  	v10 =	vadd.f32 v5, v11;
	v12 =	vsub.f32 $0.0e+00, v12;
	v11 =	vbroadcast v11, $0xF;
	(pc) =	sbr.rel @p0 .LBB2_2-.Ltmp1, $4  }
0xb5: {  	_ = 	snop  }
0xb6: {  	[tilespmem:s8+$0xFFFFFFF0] =	vst v10;
	v11 =	vmin.f32 v12, v11  }
0xb7: {  	v11 =	vadd.f32 v6, v11  }
0xb8: {  	s10 =	smov.u32 s9;
	v12 =	vmov s5  }
0xb9: {  	[tilespmem:s8+$0x0] =	vst v11;
	s5 =	sadd.s32 $0x80, s6  }
0xba: {  	v13 =	vld [tilespmem:s5+$0xFFFFFFE0];
	_ =	sdelay $0x1  }
0xbb: {  	v14 =	vld [tilespmem:s5+$0xFFFFFFF0];
	_ =	sdelay $0x1  }
0xbc: {  	v12 =	vld.idx.msk [tilespmem:v12+s7+$0x0], $0xffff  }
0xbd: {  	v8 =	vsub.f32 v8, v13;
	v13 =	vld [tilespmem:s5+$0x0];
	_ =	sdelay $0x1  }
0xbe: {  	v0 =	vadd.f32 v0, v8;
	v8 =	vsub.f32 v9, v14;
	v9 =	vld [tilespmem:s5+$0x10];
	_ =	sdelay $0x1  }
0xbf: {  	v0 =	vsel vm0, v12, v0;
	v1 =	vadd.f32 v1, v8  }
0xc0: {  	v0 =	vsub.f32 $0.0e+00, v0;
	v8 =	vsub.f32 v10, v13  }
0xc1: {  	v1 =	vsub.f32 $0.0e+00, v1  }
0xc2: {  	(xrf0) =	vmax.scan.msk.f32 $0xffff, v0;
	v0 =	vadd.f32 v2, v8;
	v2 =	vsub.f32 v11, v9;
	_ =	sdelay $0x1  }
0xc3: {  	(xrf0) =	vmax.scan.msk.f32 $0xffff, v1;
	v1 =	vadd.f32 v4, v2;
	_ =	sdelay $0x1  }
0xc4: {  	v0 =	vsub.f32 $0.0e+00, v0;
	_ =	sdelay $0x1  }
0xc5: {  	(xrf0) =	vmax.scan.msk.f32 $0xffff, v0;
	v0 =	vsub.f32 $0.0e+00, v1;
	v1, _, _ =	vpop (xrf0)  }
0xc6: {  	v1 =	vsub.f32 $0.0e+00, v1;
	_ =	sdelay $0x1  }
0xc7: {  	v2 =	vbroadcast v1, $0xF  }
0xc8: {  	v4 =	vimm.f32 $7.656250000e-01;
	(xrf0) =	vmax.scan.msk.f32 $0xffff, v0;
	v0, _, _ =	vpop (xrf0)  }
0xc9: {  	v4 =	vsel vm15, $0x3F800000, v4;
	v0 =	vsub.f32 $0.0e+00, v0  }
0xca: {  	v4 =	vsel vm14, $0x3F7C0000, v4  }
0xcb: {  	v4 =	vsel vm12, $0x3F780000, v4;
	v0 =	vmin.f32 v0, v2;
	v2, _, _ =	vpop (xrf0)  }
0xcc: {  	v4 =	vsel vm9, $0x3F740000, v4;
	v8 =	vbroadcast v0, $0xF;
	v2 =	vsub.f32 $0.0e+00, v2  }
0xcd: {  	v4 =	vsel vm8, $0x3F700000, v4  }
0xce: {  	v1 =	vadd.f32 v3, v1;
	v0 =	vadd.f32 v7, v0;
	v3, _, _ =	vpop (xrf0);
	v2 =	vmin.f32 v2, v8  }
0xcf: {  	v3 =	vsub.f32 $0.0e+00, v3;
	v8 =	vimm.f32 $5.156250000e-01;
	v7 =	vbroadcast v2, $0xF  }
0xd0: {  	s29 =	sadd.s32 $0x80, s8;
	v4 =	vsel vm1, $0x3F6C0000, v4;
	v2 =	vadd.f32 v5, v2;
	v5 =	vsel vm15, $0x3F400000, v8  }
0xd1: {  	[tilespmem:s29+$0xFFFFFFD0] =	vst v1;
	v1 =	vmin.f32 v3, v7;
	v3 =	vsel vm2, $0x3F680000, v4;
	v4 =	vsel vm14, $0x3F3C0000, v5  }
0xd2: {  	[tilespmem:s29+$0xFFFFFFE0] =	vst v0;
	v0 =	vadd.f32 v6, v1;
	v1 =	vsel vm3, $0x3F640000, v3;
	v3 =	vsel vm12, $0x3F380000, v4  }
0xd3: {  	[tilespmem:s29+$0xFFFFFFF0] =	vst v2;
	v1 =	vsel vm4, $0x3F600000, v1;
	v2 =	vsel vm9, $0x3F340000, v3  }
0xd4: {  	[tilespmem:s29+$0x0] =	vst v0;
	v0 =	vsel vm6, $0x3F5C0000, v1;
	v1 =	vsel vm8, $0x3F300000, v2  }
0xd5: {  	v12 =	vimm.f32 $1.762500000e+01;
	v0 =	vsel vm5, $0x3F580000, v0;
	v1 =	vsel vm1, $0x3F2C0000, v1  }
0xd6: {  	v10 =	vimm.f32 $7.750000000e+00;
	v0 =	vsel vm7, $0x3F540000, v0;
	v1 =	vsel vm2, $0x3F280000, v1  }
0xd7: {  	v12 =	vsel vm15, $0x41040000, v12;
	v0 =	vsel vm10, $0x3F500000, v0;
	v1 =	vsel vm3, $0x3F240000, v1  }
0xd8: {  	v13 =	vimm.f32 $-1.875000000e+00;
	v0 =	vsel vm11, $0x3F4C0000, v0;
	v1 =	vsel vm4, $0x3F200000, v1  }
0xd9: {  	v4 =	vimm.f32 $1.562500000e-02;
	v6 =	vsel vm13, $0x3F480000, v0;
	v0 =	vsel vm6, $0x3F1C0000, v1  }
0xda: {  	v3 =	vimm.f32 $2.656250000e-01;
	v4 =	vsel vm15, $0x3E800000, v4;
	v0 =	vsel vm5, $0x3F180000, v0  }
0xdb: {  	v3 =	vsel vm15, $0x3F000000, v3;
	v4 =	vsel vm14, $0x3E700000, v4;
	v0 =	vsel vm7, $0x3F140000, v0  }
0xdc: {  	v2 =	vld [tilespmem:$0x4100];
	v3 =	vsel vm14, $0x3EF80000, v3;
	v4 =	vsel vm12, $0x3E600000, v4;
	v0 =	vsel vm10, $0x3F100000, v0  }
0xdd: {  	v5 =	vsel vm12, $0x3EF00000, v3;
	v4 =	vsel vm9, $0x3E500000, v4;
	v0 =	vsel vm11, $0x3F0C0000, v0  }
0xde: {  	v4 =	vsel vm8, $0x3E400000, v4;
	v3 =	vsel vm13, $0x3F080000, v0;
	v0 =	vsel vm9, $0x3EE80000, v5  }
0xdf: {  	v13 =	vsel vm15, $0x80000000, v13;
	v4 =	vsel vm1, $0x3E300000, v4;
	v0 =	vsel vm8, $0x3EE00000, v0  }
0xe0: {  	v4 =	vsel vm2, $0x3E200000, v4;
	v5 =	vimm.f32 $1.875000000e+00;
	v0 =	vsel vm1, $0x3ED80000, v0  }
0xe1: {  	v1 =	vadd.f32 v6, v2;
	v5 =	vsel vm15, $0x0, v5;
	v0 =	vsel vm2, $0x3ED00000, v0  }
0xe2: {  	v4 =	vsel vm3, $0x3E100000, v4;
	v5 =	vsel vm14, $0x3C800000, v5;
	v0 =	vsel vm3, $0x3EC80000, v0  }
0xe3: {  	v4 =	vsel vm4, $0x3E000000, v4;
	v5 =	vsel vm12, $0x3D400000, v5;
	v0 =	vsel vm4, $0x3EC00000, v0  }
0xe4: {  	v4 =	vsel vm6, $0x3DE00000, v4;
	v5 =	vsel vm9, $0x3DC00000, v5;
	v0 =	vsel vm6, $0x3EB80000, v0  }
0xe5: {  	[tilespmem:$0x6500] =	vst v1;
	v1 =	vsel vm14, $0x410C4000, v12;
	v5 =	vsel vm8, $0x3E200000, v5;
	v0 =	vsel vm5, $0x3EB00000, v0  }
0xe6: {  	v7 =	vld [tilespmem:$0x4120];
	v4 =	vsel vm5, $0x3DC00000, v4;
	v5 =	vsel vm1, $0x3E700000, v5;
	v0 =	vsel vm7, $0x3EA80000, v0  }
0xe7: {  	v8 =	vld [tilespmem:$0x4130];
	v4 =	vsel vm7, $0x3DA00000, v4;
	v5 =	vsel vm2, $0x3EA80000, v5;
	v0 =	vsel vm10, $0x3EA00000, v0  }
0xe8: {  	v2 =	vld [tilespmem:$0x4110];
	v4 =	vsel vm10, $0x3D800000, v4;
	v5 =	vsel vm3, $0x3EE00000, v5;
	v0 =	vsel vm11, $0x3E980000, v0  }
0xe9: {  	v9 =	vsel vm13, $0x3E900000, v0;
	v0 =	vsel vm11, $0x3D400000, v4;
	v4 =	vsel vm4, $0x3F100000, v5  }
0xea: {  	v12 =	vimm.f32 $-7.750000000e+00;
	v1 =	vsel vm12, $0x4114C000, v1;
	v4 =	vsel vm6, $0x3F340000, v4  }
0xeb: {  	v5 =	vadd.f32 v9, v7;
	v0 =	vsel vm13, $0x3D000000, v0;
	v4 =	vsel vm5, $0x3F5C0000, v4  }
0xec: {  	v7 =	vadd.f32 v0, v8;
	v8 =	vimm.f32 $3.150000000e+01;
	v4 =	vsel vm7, $0x3F840000, v4  }
0xed: {  	s30 =	simm.s32 $0x0;
	v2 =	vadd.f32 v3, v2;
	v8 =	vsel vm15, $0x41930000, v8;
	v11 =	vsel vm10, $0x3F9C0000, v4  }
0xee: {  	v4 =	vsel vm15, $0x40080000, v10;
	v8 =	vsel vm14, $0x41992000, v8;
	v10 =	vmov s30  }
0xef: {  	v12 =	vsel vm15, $0xC0080000, v12;
	[tilespmem:$0x6510] =	vst v2;
	v8 =	vsel vm12, $0x419F6000, v8;
	v10 =	vand.u32 $0x7F, v10  }
0xf0: {  	v1 =	vsel vm9, $0x411D8000, v1;
	[tilespmem:$0x6520] =	vst v5;
	v8 =	vsel vm9, $0x41A5C000, v8;
	v10 =	vor.u32 $0x80, v10  }
0xf1: {  	s5 =	simm.s32 $0x1FB0;
	v1 =	vsel vm8, $0x41268000, v1;
	[tilespmem:$0x6530] =	vst v7;
	v8 =	vsel vm8, $0x41AC4000, v8;
	v10 =	vbroadcast v10, $0x0  }
0xf2: {  	v1 =	vsel vm1, $0x412FC000, v1;
	v4 =	vsel vm14, $0x40190000, v4;
	v5 =	vld [tilespmem:s5+$0x0];
	v8 =	vsel vm1, $0x41B2E000, v8  }
0xf3: {  	v1 =	vsel vm2, $0x41394000, v1;
	v2 =	vsel vm12, $0x402B0000, v4;
	v4 =	vsel vm2, $0x41B9A000, v8  }
0xf4: {  	v7 =	vsel vm3, $0x41430000, v1;
	v2 =	vsel vm9, $0x403E0000, v2;
	v4 =	vsel vm3, $0x41C08000, v4  }
0xf5: {  	v7 =	vsel vm4, $0x414D0000, v7;
	v2 =	vsel vm8, $0x40520000, v2;
	v4 =	vsel vm4, $0x41C78000, v4  }
0xf6: {  	s6 =	simm.s32 $0x2000;
	v7 =	vsel vm6, $0x41574000, v7;
	v2 =	vsel vm1, $0x40670000, v2;
	v4 =	vsel vm6, $0x41CEA000, v4  }
0xf7: {  	v2 =	vsel vm2, $0x407D0000, v2;
	v0 =	vsub.f32 v0, v5;
	v4 =	vsel vm5, $0x41D5E000, v4;
	v8 =	vld.idx.msk [tilespmem:v10+s6+$0x0], $0xffff  }
0xf8: {  	v5 =	vlaneseq.u32;
	v1 =	vsel vm7, $0x41DD4000, v4;
	v4 =	vimm.f32 $-3.150000000e+01  }
0xf9: {  	v5 =	vmul.u32 $0xFFFFFFFF, v5;
	v10 =	vimm.f32 $-1.762500000e+01;
	v4 =	vsel vm15, $0xC1930000, v4  }
0xfa: {  	v10 =	vsel vm15, $0xC1040000, v10;
	v1 =	vsel vm10, $0x41E4C000, v1;
	v4 =	vsel vm14, $0xC1992000, v4  }
0xfb: {  	vm15 =	vmmov $0x7fff;
	v1 =	vsel vm11, $0x41EC6000, v1;
	v4 =	vsel vm12, $0xC19F6000, v4  }
0xfc: {  	v1 =	vsel vm13, $0x41F42000, v1;
	v0 =	vsel vm15, v0, v8;
	v8 =	vld [tilespmem:s5+$0xFFFFFFF0];
	v4 =	vsel vm9, $0xC1A5C000, v4  }
0xfd: {  	v14 =	vadd.f32 v1, v0;
	v0 =	vadd.s32 $0xF, v5;
	v5 =	vsel vm5, $0x4161C000, v7  }
0xfe: {  	v2 =	vsel vm3, $0x408A0000, v2;
	v4 =	vsel vm8, $0xC1AC4000, v4;
	v5 =	vsel vm7, $0x416C8000, v5  }
0xff: {  	v4 =	vsel vm1, $0xC1B2E000, v4;
	v7 =	vperm.xlane v14, v0;
	v5 =	vsel vm10, $0x41778000, v5  }
0x100: {  	v2 =	vsel vm4, $0x40960000, v2;
	v4 =	vsel vm2, $0xC1B9A000, v4;
	v5 =	vsel vm11, $0x41816000, v5  }
0x101: {  	v4 =	vsel vm3, $0xC1C08000, v4;
	v7 =	vsub.f32 $0.0e+00, v7;
	v8 =	vsub.f32 v9, v8  }
0x102: {  	v9 =	vsel vm6, $0x40A28000, v2;
	v2 =	vsel vm13, $0x41872000, v5;
	v4 =	vsel vm4, $0xC1C78000, v4  }
0x103: {  	v5 =	vsel vm5, $0x40AF8000, v9;
	v9 =	vld [tilespmem:s5+$0xFFFFFFE0];
	(xrf0) =	vmax.scan.msk.f32 $0xffff, v7;
	v7 =	vadd.f32 v2, v8;
	v8 =	vsel vm14, $0xC10C4000, v10  }
0x104: {  	v4 =	vsel vm6, $0xC1CEA000, v4;
	v5 =	vsel vm7, $0x40BD0000, v5;
	v8 =	vsel vm12, $0xC114C000, v8  }
0x105: {  	v4 =	vsel vm5, $0xC1D5E000, v4;
	v5 =	vsel vm10, $0x40CB0000, v5;
	v8 =	vsel vm9, $0xC11D8000, v8  }
0x106: {  	v4 =	vsel vm7, $0xC1DD4000, v4;
	v7 =	vperm.xlane v7, v0;
	v8 =	vsel vm8, $0xC1268000, v8  }
0x107: {  	v5 =	vsel vm11, $0x40D98000, v5;
	v10 =	vsel vm10, $0xC1E4C000, v4  }
0x108: {  	v7 =	vsub.f32 $0.0e+00, v7;
	v4 =	vsel vm1, $0xC12FC000, v8;
	v3 =	vsub.f32 v3, v9  }
0x109: {  	v14 =	vsel vm2, $0xC1394000, v4;
	v4 =	vsel vm13, $0x40E88000, v5;
	v8, _, _ =	vpop (xrf0)  }
0x10a: {  	s7 =	simm.s32 $0x40B0;
	(xrf0) =	vmax.scan.msk.f32 $0xffff, v7;
	v3 =	vadd.f32 v4, v3;
	v7 =	vsub.f32 $0.0e+00, v8  }
0x10b: {  	v5 =	vsel vm11, $0xC1EC6000, v10;
	v10 =	vld [tilespmem:s7+$0x0]  }
0x10c: {  	v8 =	vsel vm3, $0xC1430000, v14;
	v14 =	vld [tilespmem:s5+$0xFFFFFFD0];
	v15 =	vperm.xlane v3, v0;
	v7 =	vperm.xlane v7, v0  }
0x10d: {  	v12 =	vsel vm14, $0xC0190000, v12;
	v5 =	vsel vm13, $0xC1F42000, v5;
	v8 =	vsel vm4, $0xC14D0000, v8  }
0x10e: {  	v11 =	vsel vm11, $0x3FB60000, v11;
	v8 =	vsel vm6, $0xC1574000, v8;
	v9 =	vadd.f32 v5, v7  }
0x10f: {  	v3 =	vsel vm13, $0x3FD20000, v11;
	v8 =	vsel vm5, $0xC161C000, v8;
	v11 =	vsub.f32 $0.0e+00, v15  }
0x110: {  	v12 =	vsel vm12, $0xC02B0000, v12;
	v8 =	vsel vm7, $0xC16C8000, v8;
	v15, _, _ =	vpop (xrf0);
	v10 =	vadd.f32 v10, v9  }
0x111: {  	s9 =	simm.s32 $0x64B0;
	v8 =	vsel vm10, $0xC1778000, v8;
	v6 =	vsub.f32 v6, v14;
	(xrf0) =	vmax.scan.msk.f32 $0xffff, v11;
	v15 =	vsub.f32 $0.0e+00, v15  }
0x112: {  	v12 =	vsel vm9, $0xC03E0000, v12;
	v7 =	vbroadcast v7, $0x0;
	v8 =	vsel vm11, $0xC1816000, v8;
	[tilespmem:s9+$0x0] =	vst v10  }
0x113: {  	v14 =	vadd.f32 v3, v6;
	v10 =	vsel vm8, $0xC0520000, v12;
	v11 =	vperm.xlane v15, v0;
	v12 =	vld [tilespmem:s7+$0xFFFFFFF0]  }
0x114: {  	v6 =	vsel vm13, $0xC1872000, v8;
	v10 =	vsel vm1, $0xC0670000, v10  }
0x115: {  	v8 =	vsel vm2, $0xC07D0000, v10;
	v7 =	vmin.f32 v11, v7;
	v11 =	vperm.xlane v14, v0  }
0x116: {  	v13 =	vsel vm14, $0xBC800000, v13;
	v8 =	vsel vm3, $0xC08A0000, v8;
	v10 =	vadd.f32 v6, v7  }
0x117: {  	v13 =	vsel vm12, $0xBD400000, v13;
	v14, _, _ =	vpop (xrf0);
	v8 =	vsel vm4, $0xC0960000, v8;
	v11 =	vsub.f32 $0.0e+00, v11  }
0x118: {  	v14 =	vsub.f32 $0.0e+00, v14;
	v8 =	vsel vm6, $0xC0A28000, v8;
	v12 =	vadd.f32 v10, v12  }
0x119: {  	v13 =	vsel vm9, $0xBDC00000, v13;
	v8 =	vsel vm5, $0xC0AF8000, v8;
	(xrf0) =	vmax.scan.msk.f32 $0xffff, v11  }
0x11a: {  	v13 =	vsel vm8, $0xBE200000, v13;
	v11 =	vperm.xlane v14, v0;
	v8 =	vsel vm7, $0xC0BD0000, v8;
	[tilespmem:s9+$0xFFFFFFF0] =	vst v12  }
0x11b: {  	v8 =	vsel vm10, $0xC0CB0000, v8;
	v12 =	vbroadcast v7, $0x0;
	v7 =	vsel vm1, $0xBE700000, v13;
	v14 =	vld [tilespmem:s7+$0xFFFFFFE0]  }
0x11c: {  	v8 =	vsel vm11, $0xC0D98000, v8;
	v13 =	vsel vm2, $0xBEA80000, v7  }
0x11d: {  	v7 =	vsel vm13, $0xC0E88000, v8;
	v8 =	vmin.f32 v11, v12  }
0x11e: {  	v12 =	vsel vm3, $0xBEE00000, v13;
	v11 =	vadd.f32 v7, v8  }
0x11f: {  	v12 =	vsel vm4, $0xBF100000, v12;
	v13, _, _ =	vpop (xrf0)  }
0x120: {  	v12 =	vsel vm6, $0xBF340000, v12;
	v13 =	vsub.f32 $0.0e+00, v13;
	v14 =	vadd.f32 v11, v14  }
0x121: {  	v12 =	vsel vm5, $0xBF5C0000, v12  }
0x122: {  	v12 =	vsel vm7, $0xBF840000, v12;
	v13 =	vperm.xlane v13, v0;
	[tilespmem:s9+$0xFFFFFFE0] =	vst v14;
	v14 =	vbroadcast v8, $0x0  }
0x123: {  	s31 =	simm.s32 $0x1;
	v12 =	vsel vm10, $0xBF9C0000, v12  }
0x124: {  	v8 =	vsel vm11, $0xBFB60000, v12;
	v15 =	vld [tilespmem:s7+$0xFFFFFFD0];
	v12 =	vmin.f32 v13, v14;
	v13 =	vmov s31  }
0x125: {  	v13 =	vand.u32 $0x7F, v13  }
0x126: {  	v8 =	vsel vm13, $0xBFD20000, v8;
	v13 =	vor.u32 $0x80, v13  }
0x127: {  	v12 =	vadd.f32 v8, v12;
	v13 =	vbroadcast v13, $0x0;
	_ =	sdelay $0x1  }
0x128: {  	s12 =	simm.s32 $0x2;
	s8 =	simm.s32 $0x6430;
	v14 =	vadd.f32 v12, v15  }
.LBB2_4:
0x129: {  	s5 =	sadd.s32 $0xFFFFFF80, s5;
	s7 =	sadd.s32 $0xFFFFFF80, s7  }
0x12a: {  	[tilespmem:s9+$0xFFFFFFD0] =	vst v14;
	s11 =	smov.u32 s12;
	s10 =	sadd.s32 $0x1, s12;
	s9 =	smov.u32 s8  }
0x12b: {  	p0 =	sne.s32 s12, $0x3F;
	v14 =	vld [tilespmem:s5+$0x0]  }
0x12c: {  	v13 =	vld.idx.msk [tilespmem:v13+s6+$0x0], $0xffff;
	_ =	sdelay $0x1  }
0x12d: {  	v15 =	vld [tilespmem:s5+$0xFFFFFFF0];
	_ =	sdelay $0x1  }
0x12e: {  	v9 =	vsub.f32 v9, v14  }
0x12f: {  	v14 =	vld [tilespmem:s5+$0xFFFFFFE0]  }
0x130: {  	v9 =	vsel vm15, v9, v13  }
0x131: {  	v10 =	vsub.f32 v10, v15;
	v9 =	vadd.f32 v1, v9  }
0x132: {  	v13 =	vld [tilespmem:s5+$0xFFFFFFD0]  }
0x133: {  	v10 =	vadd.f32 v2, v10;
	v9 =	vperm.xlane v9, v0  }
0x134: {  	v11 =	vsub.f32 v11, v14  }
0x135: {  	v9 =	vsub.f32 $0.0e+00, v9;
	v10 =	vperm.xlane v10, v0  }
0x136: {  	v11 =	vadd.f32 v4, v11  }
0x137: {  	v12 =	vsub.f32 v12, v13;
	v10 =	vsub.f32 $0.0e+00, v10;
	(xrf0) =	vmax.scan.msk.f32 $0xffff, v9  }
0x138: {  	v9 =	vperm.xlane v11, v0  }
0x139: {  	v11 =	vadd.f32 v3, v12;
	(xrf0) =	vmax.scan.msk.f32 $0xffff, v10  }
0x13a: {  	v9 =	vsub.f32 $0.0e+00, v9  }
0x13b: {  	v11 =	vperm.xlane v11, v0  }
0x13c: {  	(xrf0) =	vmax.scan.msk.f32 $0xffff, v9  }
0x13d: {  	v9 =	vsub.f32 $0.0e+00, v11;
	v10, _, _ =	vpop (xrf0)  }
0x13e: {  	v10 =	vsub.f32 $0.0e+00, v10  }
0x13f: {  	v11 =	vld [tilespmem:s7+$0x0];
	v12, _, _ =	vpop (xrf0);
	(xrf0) =	vmax.scan.msk.f32 $0xffff, v9  }
0x140: {  	v10 =	vperm.xlane v10, v0;
	v12 =	vsub.f32 $0.0e+00, v12;
	_ =	sdelay $0x1  }
0x141: {  	v9 =	vadd.f32 v5, v10;
	v12 =	vperm.xlane v12, v0;
	v10 =	vbroadcast v10, $0x0;
	v13, _, _ =	vpop (xrf0)  }
0x142: {  	v13 =	vsub.f32 $0.0e+00, v13  }
0x143: {  	v11 =	vadd.f32 v11, v9;
	v10 =	vmin.f32 v12, v10  }
0x144: {  	v12 =	vperm.xlane v13, v0;
	v13 =	vbroadcast v10, $0x0;
	v14, _, _ =	vpop (xrf0)  }
0x145: {  	[tilespmem:s8+$0x0] =	vst v11;
	v11 =	vsub.f32 $0.0e+00, v14  }
0x146: {  	v14 =	vld [tilespmem:s7+$0xFFFFFFF0];
	v12 =	vmin.f32 v12, v13  }
0x147: {  	v11 =	vperm.xlane v11, v0;
	v13 =	vbroadcast v12, $0x0;
	_ =	sdelay $0x1  }
0x148: {  	v10 =	vadd.f32 v6, v10;
	v15 =	vmin.f32 v11, v13;
	_ =	sdelay $0x1  }
0x149: {  	v11 =	vadd.f32 v10, v14;
	_ =	sdelay $0x1  }
0x14a: {  	[tilespmem:s8+$0xFFFFFFF0] =	vst v11  }
0x14b: {  	v13 =	vld [tilespmem:s7+$0xFFFFFFE0];
	_ =	sdelay $0x2  }
0x14c: {  	v11 =	vadd.f32 v7, v12;
	_ =	sdelay $0x1  }
0x14d: {  	v12 =	vadd.f32 v11, v13;
	_ =	sdelay $0x1  }
0x14e: {  	[tilespmem:s8+$0xFFFFFFE0] =	vst v12  }
0x14f: {  	v12 =	vmov s11;
	v14 =	vld [tilespmem:s7+$0xFFFFFFD0]  }
0x150: {  	v12 =	vand.u32 $0x7F, v12  }
.Ltmp2:
0x151: {  	v12 =	vor.u32 $0x80, v12;
	(pc) =	sbr.rel @p0 .LBB2_4-.Ltmp2, $3  }
0x152: {  	v13 =	vbroadcast v12, $0x0;
	v12 =	vadd.f32 v8, v15;
	_ =	sdelay $0x1  }
0x153: {  	v14 =	vadd.f32 v12, v14  }
0x154: {  	s12 =	smov.u32 s10;
	s8 =	sadd.s32 $0xFFFFFF80, s8  }
0x155: {  	_ = 	snop  }
0x156: {  	[tilespmem:s9+$0xFFFFFFD0] =	vst v14;
	s5 =	sadd.s32 $0xFFFFFF80, s5  }
0x157: {  	v14 =	vld [tilespmem:s5+$0x0];
	_ =	sdelay $0x1  }
0x158: {  	v13 =	vld.idx.msk [tilespmem:v13+s6+$0x0], $0xffff;
	_ =	sdelay $0x2  }
0x159: {  	v9 =	vsub.f32 v9, v14;
	_ =	sdelay $0x1  }
0x15a: {  	v9 =	vsel vm15, v9, v13  }
0x15b: {  	v57 =	vld [tilespmem:s5+$0xFFFFFFF0];
	v1 =	vadd.f32 v1, v9;
	_ =	sdelay $0x1  }
0x15c: {  	v1 =	vperm.xlane v1, v0;
	_ =	sdelay $0x1  }
0x15d: {  	v1 =	vsub.f32 $0.0e+00, v1  }
0x15e: {  	v58 =	vsub.f32 v10, v57  }
0x15f: {  	(xrf0) =	vmax.scan.msk.f32 $0xffff, v1  }
0x160: {  	v1 =	vadd.f32 v2, v58  }
0x161: {  	v2 =	vld [tilespmem:s5+$0xFFFFFFE0]  }
0x162: {  	v1 =	vperm.xlane v1, v0;
	_ =	sdelay $0x1  }
0x163: {  	v1 =	vsub.f32 $0.0e+00, v1  }
0x164: {  	v59, _, _ =	vpop (xrf0)  }
0x165: {  	s31 =	sadd.s32 $0xFFFFFF80, s7;
	v2 =	vsub.f32 v11, v2;
	(xrf0) =	vmax.scan.msk.f32 $0xffff, v1;
	v1 =	vsub.f32 $0.0e+00, v59  }
0x166: {  	v60 =	vld [tilespmem:s31+$0x0]  }
0x167: {  	v2 =	vadd.f32 v4, v2;
	v1 =	vperm.xlane v1, v0  }
0x168: {  	v4 =	vld [tilespmem:s5+$0xFFFFFFD0]  }
0x169: {  	v2 =	vperm.xlane v2, v0;
	v5 =	vadd.f32 v5, v1;
	_ =	sdelay $0x1  }
0x16a: {  	v2 =	vsub.f32 $0.0e+00, v2;
	v61, _, _ =	vpop (xrf0);
	v5 =	vadd.f32 v60, v5  }
0x16b: {  	v62 =	vsub.f32 $0.0e+00, v61  }
0x16c: {  	v4 =	vsub.f32 v12, v4;
	(xrf0) =	vmax.scan.msk.f32 $0xffff, v2;
	[tilespmem:s8+$0x0] =	vst v5  }
0x16d: {  	v1 =	vbroadcast v1, $0x0;
	v2 =	vperm.xlane v62, v0;
	v5 =	vld [tilespmem:s31+$0xFFFFFFF0]  }
0x16e: {  	v3 =	vadd.f32 v3, v4  }
0x16f: {  	v1 =	vmin.f32 v2, v1  }
0x170: {  	v2 =	vperm.xlane v3, v0;
	v3 =	vadd.f32 v6, v1;
	_ =	sdelay $0x1  }
0x171: {  	v2 =	vsub.f32 $0.0e+00, v2;
	v4, _, _ =	vpop (xrf0);
	v3 =	vadd.f32 v3, v5  }
0x172: {  	v4 =	vsub.f32 $0.0e+00, v4  }
0x173: {  	(xrf0) =	vmax.scan.msk.f32 $0xffff, v2;
	[tilespmem:s8+$0xFFFFFFF0] =	vst v3  }
0x174: {  	v1 =	vbroadcast v1, $0x0;
	v2 =	vperm.xlane v4, v0;
	v3 =	vld [tilespmem:s31+$0xFFFFFFE0];
	_ =	sdelay $0x1  }
0x175: {  	v1 =	vmin.f32 v2, v1  }
0x176: {  	v2 =	vadd.f32 v7, v1;
	_ =	sdelay $0x1  }
0x177: {  	v4, _, _ =	vpop (xrf0);
	v2 =	vadd.f32 v2, v3  }
0x178: {  	v3 =	vsub.f32 $0.0e+00, v4  }
0x179: {  	[tilespmem:s8+$0xFFFFFFE0] =	vst v2  }
0x17a: {  	v1 =	vbroadcast v1, $0x0;
	v0 =	vperm.xlane v3, v0;
	v3 =	vld [tilespmem:s31+$0xFFFFFFD0];
	_ =	sdelay $0x1  }
0x17b: {  	v2 =	vimm.s32 $0x0;
	v0 =	vmin.f32 v0, v1  }
0x17c: {  	vm1 =	vlt.s32 v2, $0x3F;
	vm2 =	vlt.s32 v2, $0x3E;
	v4 =	vadd.f32 v8, v0  }
0x17d: {  	v1 =	vnsel vm2, $0x3E, v2;
	v0 =	vnsel vm1, $0x3F, v2  }
0x17e: {  	v5 =	vshll.u32 v0, $0x7;
	v3 =	vadd.f32 v4, v3;
	v4 =	vand.u32 $0xFFFFFF80, v1  }
0x17f: {  	v6 =	vand.u32 $0x7F, v1;
	v7 =	vadd.s32 $0x1, v1;
	v4 =	vadd.s32 v4, v5  }
0x180: {  	v63 =	vimm.s32 $0x3F;
	v4 =	vor.u32 v6, v4;
	v6 =	vand.u32 $0xFFFFFF80, v7  }
0x181: {  	[tilespmem:s8+$0xFFFFFFD0] =	vst v3;
	v3 =	vadd.s32 $0x80, v4;
	v4 =	vand.u32 $0x7F, v7;
	v5 =	vadd.s32 v5, v6  }
0x182: {  	[tilespmem:$0x6900] =	vst v63;
	v4 =	vor.u32 v4, v5  }
0x183: {  	[tilespmem:$0x6910] =	vst v63  }
0x184: {  	[tilespmem:$0x6920] =	vst v63  }
0x185: {  	s5 =	simm.s32 $0x4500;
	[tilespmem:$0x6930] =	vst v63  }
0x186: {  	v3 =	vld.idx.msk [tilespmem:v3+s5+$0x0], $0xffff  }
0x187: {  	v4 =	vld.idx.msk [tilespmem:v4+s5+$0x0], $0xffff;
	_ =	sdelay $0x3  }
0x188: {  	vm2 =	vlt.s32 v2, $0x40  }
0x189: {  	vm1 =	vmand vm2, vm1;
	vm2 =	vle.f32 v3, v4  }
0x18a: {  	v3 =	vimm.s32 $0x0;
	v4 =	vimm.s32 $0x0;
	vm3 =	vmand vm1, vm2  }
0x18b: {  	s7 =	simm.s32 $0x7D;
	s6 =	simm.s32 $0x6900;
	vm2 =	vmxor vm1, vm3;
	vm1 =	vmand vm3, vm0;
	v5 =	vsel vm3, $0x1, v2  }
.LBB2_6:
0x18c: {  	p0 =	sne.s32 s7, $0x1;
	v3 =	vadd.s32 v5, v3;
	v5 =	vsel vm2, $0x1, v2  }
0x18d: {  	v4 =	vadd.s32 v5, v4  }
0x18e: {  	vm2 =	vlt.s32 v3, $0x3F;
	vm3 =	vlt.s32 v4, $0x3E  }
0x18f: {  	v5 =	vnsel vm2, $0x3F, v3;
	v6 =	vnsel vm3, $0x3E, v4  }
0x190: {  	v8 =	vshll.u32 v5, $0x7;
	v7 =	vand.u32 $0xFFFFFF80, v6  }
0x191: {  	v9 =	vand.u32 $0x7F, v6;
	v10 =	vadd.s32 $0x1, v6;
	v7 =	vadd.s32 v7, v8;
	[tilespmem:v0+s6+$0x0] =	vst.idx.msk vm1, v1;
	v0 =	vmovc v5  }
0x192: {  	v1 =	vmov v6;
	v5 =	vor.u32 v9, v7;
	v7 =	vand.u32 $0xFFFFFF80, v10  }
0x193: {  	v6 =	vand.u32 $0x7F, v10;
	v5 =	vadd.s32 $0x80, v5;
	v7 =	vadd.s32 v8, v7  }
0x194: {  	v6 =	vor.u32 v6, v7;
	_ =	sdelay $0x3  }
0x195: {  	v5 =	vld.idx.msk [tilespmem:v5+s5+$0x0], $0xffff  }
0x196: {  	v6 =	vld.idx.msk [tilespmem:v6+s5+$0x0], $0xffff;
	_ =	sdelay $0x3  }
.Ltmp3:
0x197: {  	(pc) =	sbr.rel @p0 .LBB2_6-.Ltmp3, $4  }
0x198: {  	vm2 =	vlt.s32 v4, $0x3F;
	vm1 =	vlt.s32 v3, $0x40  }
0x199: {  	vm1 =	vmand vm1, vm2;
	vm2 =	vle.f32 v5, v6  }
0x19a: {  	vm3 =	vmand vm1, vm2  }
0x19b: {  	s7 =	sadd.s32 $0xFFFFFFFF, s7;
	vm2 =	vmxor vm1, vm3;
	vm1 =	vmand vm3, vm0;
	v5 =	vsel vm3, $0x1, v2  }
0x19c: {  	v2 =	vsel vm2, $0x1, v2  }
0x19d: {  	v3 =	vadd.s32 v5, v3;
	v2 =	vadd.s32 v2, v4  }
0x19e: {  	vm9 =	vlt.s32 v3, $0x3F;
	vm3 =	vlt.s32 v2, $0x3E  }
0x19f: {  	v4 =	vnsel vm9, $0x3F, v3;
	v5 =	vnsel vm3, $0x3E, v2  }
0x1a0: {  	v7 =	vshll.u32 v4, $0x7;
	v6 =	vand.u32 $0xFFFFFF80, v5  }
0x1a1: {  	v8 =	vand.u32 $0x7F, v5;
	v9 =	vadd.s32 $0x1, v5;
	v6 =	vadd.s32 v6, v7  }
0x1a2: {  	v6 =	vor.u32 v8, v6;
	v8 =	vand.u32 $0xFFFFFF80, v9  }
0x1a3: {  	v9 =	vand.u32 $0x7F, v9;
	v6 =	vadd.s32 $0x80, v6;
	v7 =	vadd.s32 v7, v8  }
0x1a4: {  	v7 =	vor.u32 v9, v7;
	_ =	sdelay $0x2  }
0x1a5: {  	[tilespmem:v0+s6+$0x0] =	vst.idx.msk vm1, v1  }
0x1a6: {  	v0 =	vld.idx.msk [tilespmem:v6+s5+$0x0], $0xffff  }
0x1a7: {  	v1 =	vld.idx.msk [tilespmem:v7+s5+$0x0], $0xffff;
	_ =	sdelay $0x3  }
0x1a8: {  	vm10 =	vlt.s32 v3, $0x40;
	vm11 =	vlt.s32 v2, $0x3F  }
0x1a9: {  	vm1 =	vmand vm10, vm11;
	vm12 =	vle.f32 v0, v1  }
0x1aa: {  	vm1 =	vmand vm1, vm12  }
0x1ab: {  	vm0 =	vmand vm1, vm0  }
0x1ac: {  	s30 =	simm.s32 $0x0  }
0x1ad: {  	v0 =	vmov s30;
	_ =	sdelay $0x3  }
0x1ae: {  	s5 =	simm.s32 $0x6900;
	[tilespmem:v4+s6+$0x0] =	vst.idx.msk vm0, v5  }
0x1af: {  	v5 =	vld.idx.msk [tilespmem:v0+s5+$0x0], $0xffff;
	_ =	sdelay $0x1  }
0x1b0: {  	s31 =	simm.s32 $0x1;
	v1 =	vlaneseq.u32  }
0x1b1: {  	v6 =	vmov s31;
	v2 =	vadd.s32 $0x1, v1;
	v3 =	vadd.s32 $0x21, v1  }
0x1b2: {  	v4 =	vadd.s32 $0x11, v1;
	v1 =	vadd.s32 $0x31, v1;
	v0 =	vimm.f32 $0.0e+00  }
0x1b3: {  	vm13 =	vlt.s32 v5, v2;
	vm14 =	vlt.s32 v5, v4;
	vm15 =	vlt.s32 v5, v3  }
0x1b4: {  	s7 =	simm.s32 $0x2;
	s6 =	simm.s32 $0x69A0;
	v9 =	vsel vm13, $0x3F800000, v0;
	v8 =	vsel vm14, $0x3F800000, v0;
	v7 =	vsel vm15, $0x3F800000, v0  }
.LBB2_8:
0x1b5: {  	p0 =	sne.s32 s7, $0x3F;
	[tilespmem:s6+$0xFFFFFFE0] =	vst v9;
	vm0 =	vlt.s32 v5, v1  }
0x1b6: {  	[tilespmem:s6+$0xFFFFFFF0] =	vst v8;
	v5 =	vsel vm0, $0x3F800000, v0  }
0x1b7: {  	[tilespmem:s6+$0x0] =	vst v7  }
0x1b8: {  	[tilespmem:s6+$0x10] =	vst v5  }
0x1b9: {  	v5 =	vld.idx.msk [tilespmem:v6+s5+$0x0], $0xffff;
	_ =	sdelay $0x2  }
.Ltmp4:
0x1ba: {  	(pc) =	sbr.rel @p0 .LBB2_8-.Ltmp4, $4  }
0x1bb: {  	_ = 	snop  }
0x1bc: {  	v6 =	vmov s7  }
0x1bd: {  	vm0 =	vlt.s32 v5, v2;
	vm1 =	vlt.s32 v5, v4;
	vm2 =	vlt.s32 v5, v3  }
0x1be: {  	s6 =	sadd.s32 $0x80, s6;
	s7 =	sadd.s32 $0x1, s7;
	v9 =	vsel vm0, $0x3F800000, v0;
	v8 =	vsel vm1, $0x3F800000, v0;
	v7 =	vsel vm2, $0x3F800000, v0  }
0x1bf: {  	[tilespmem:s6+$0xFFFFFFE0] =	vst v9  }
0x1c0: {  	vm0 =	vlt.s32 v5, v1;
	[tilespmem:s6+$0xFFFFFFF0] =	vst v8  }
0x1c1: {  	[tilespmem:s6+$0x0] =	vst v7;
	v5 =	vsel vm0, $0x3F800000, v0  }
0x1c2: {  	[tilespmem:s6+$0x10] =	vst v5  }
0x1c3: {  	v5 =	vld.idx.msk [tilespmem:v6+s5+$0x0], $0xffff;
	_ =	sdelay $0x4  }
0x1c4: {  	vm13 =	vlt.s32 v5, v2  }
0x1c5: {  	s31 =	sadd.s32 $0x80, s6;
	vm1 =	vlt.s32 v5, v4;
	v2 =	vsel vm13, $0x3F800000, v0  }
0x1c6: {  	vm14 =	vlt.s32 v5, v3;
	v3 =	vsel vm1, $0x3F800000, v0;
	[tilespmem:s31+$0xFFFFFFE0] =	vst v2  }
0x1c7: {  	vm15 =	vlt.s32 v5, v1;
	v2 =	vsel vm14, $0x3F800000, v0;
	[tilespmem:s31+$0xFFFFFFF0] =	vst v3  }
0x1c8: {  	v0 =	vsel vm15, $0x3F800000, v0;
	[tilespmem:s31+$0x0] =	vst v2  }
0x1c9: {  	s5 =	simm.s32 $0x0;
	[tilespmem:s31+$0x10] =	vst v0  }
0x1ca: {  	v1 =	vld [tilespmem:s5+$0x6A30]  }
0x1cb: {  	v2 =	vld [tilespmem:s5+$0x6A00]  }
0x1cc: {  	v3 =	vld [tilespmem:s5+$0x6A10]  }
0x1cd: {  	v0 =	vld [tilespmem:s5+$0x6A20]  }
0x1ce: {  	s6 =	simm.s32 $0x200  }
.LBB2_10:
0x1cf: {  	s7 =	sshra.s32 s6, $0x2;
	p0 =	sne.s32 s6, $0x7C00;
	s6 =	sadd.s32 $0x200, s6;
	v4 =	vsub.f32 $1.000000000e+00, v1  }
.Ltmp5:
0x1d0: {  	v1 =	vld [tilespmem:s7+$0x6A30];
	v5 =	vsub.f32 $1.000000000e+00, v2;
	(pc) =	sbr.rel @p0 .LBB2_10-.Ltmp5, $4  }
0x1d1: {  	v2 =	vld [tilespmem:s7+$0x6A00];
	v6 =	vsub.f32 $1.000000000e+00, v3;
	[tilespmem:s5+$0x89B0] =	vst v4  }
0x1d2: {  	v3 =	vld [tilespmem:s7+$0x6A10];
	[tilespmem:s5+$0x8980] =	vst v5;
	v4 =	vsub.f32 $1.000000000e+00, v0  }
0x1d3: {  	v0 =	vld [tilespmem:s7+$0x6A20];
	[tilespmem:s5+$0x8990] =	vst v6  }
0x1d4: {  	[tilespmem:s5+$0x89A0] =	vst v4;
	s5 =	smov.u32 s7  }
0x1d5: {  	v1 =	vsub.f32 $1.000000000e+00, v1  }
0x1d6: {  	v2 =	vsub.f32 $1.000000000e+00, v2  }
0x1d7: {  	v3 =	vsub.f32 $1.000000000e+00, v3;
	[tilespmem:s5+$0x89B0] =	vst v1  }
0x1d8: {  	[tilespmem:s5+$0x8980] =	vst v2;
	v0 =	vsub.f32 $1.000000000e+00, v0  }
0x1d9: {  	[tilespmem:s5+$0x8990] =	vst v3  }
0x1da: {  	s28 =	simm.s32 $0x0;
	s6 =	simm.s32 $0x6980;
	s29 =	simm.s32 $0x1;
	[tilespmem:s5+$0x89A0] =	vst v0  }
0x1db: {  	[hbm4b:s4+s28] =	stream.linear.scatter [tilespmem:s6], [sflag:$0x1], $0x2000, $0x38;
	[tilespmem:$0xA980] =	vst v63  }
0x1dc: {  	_ =	swait.ge [sflag:s29], $0x2000  }
0x1dd: {  	[sflag:s29] =	ssyncset.done $0x0  }
0x1de: {  	s30 =	simm.s32 $0x8980;
	[sflag:s29] =	ssyncadd.s32 $0xFFFFE000  }
0x1df: {  	[hbm4b:s3+s28] =	stream.linear.scatter [tilespmem:s30], [sflag:$0x1], $0x1F80, $0x38;
	[tilespmem:$0xA980] =	vst v63  }
0x1e0: {  	_ =	swait.ge [sflag:s29], $0x1F80  }
0x1e1: {  	[sflag:s29] =	ssyncset.done $0x0  }
0x1e2: {  	s31 =	simm.s32 $0x6A00;
	[sflag:s29] =	ssyncadd.s32 $0xFFFFE080  }
0x1e3: {  	[hbm4b:s2+s28] =	stream.linear.scatter [tilespmem:s31], [sflag:$0x1], $0x1F80, $0x38;
	[tilespmem:$0xA980] =	vst v63  }
0x1e4: {  	_ =	swait.ge [sflag:s29], $0x1F80  }
0x1e5: {  	[sflag:s29] =	ssyncset.done $0x0  }
0x1e6: {  	[sflag:s29] =	ssyncadd.s32 $0xFFFFE080  }
.LBB2_12:
0x1e7: {  	_ =	sfence.sel $0x180000  }
0x1e8: {  	[bflag:$0x0] =	sbarrier.arrive $0xFFFF  }
0x1e9: {  	p0 =	sne.s32 s1, $0x0;
	_ =	strace $0x90000047  }
0x1ea: {  	s0 =	sadd.s32 @!p0 $0x100000, s0;
	[bflag:$0x2] =	sbarrier.arrive $0xFFFF  }
0x1eb: {  	[sflag:s0] =	ssyncadd.tile.s32 @!p0 $0x1;
	_ =	shalt  }
.Lfunc_end2:
_tile_overlayer_lowered:
.L_overlay_start_2:
0x1ec: {  	(tag) =	ssettag $0x2  }
0x1ed: {  	s0 =	rddreg [dreg:$0x0];
	s2 =	stileid.u32  }
0x1ee: {  	s1 =	rddreg [dreg:$0x1];
	p0 =	sne.s32 s2, $0x0  }
0x1ef: {  	s3 =	rddreg [dreg:$0x2];
	[bflag:$0x3] =	sbarrier.arrive $0xFFFF;
	s2 =	simm.s32 @!p0 $0x1C01  }
0x1f0: {  	[timem:s3], [sflag:s2] =	dma.local @!p0 [hbm:s0], s1  }
0x1f1: {  	s0 =	simm.s32 @!p0 $0x1  }
0x1f2: {  	_ =	swait.ge @!p0 [sflag:s0], s1  }
0x1f3: {  	s1 =	ssub.s32 @!p0 $0x0, s1;
	[sflag:s0] =	ssyncset.done @!p0 $0x0  }
0x1f4: {  	[sflag:s0] =	ssyncadd.s32 @!p0 s1  }
0x1f5: {  	[bflag:$0x3] =	sbarrier.arrive $0xFFFF  }
0x1f6: {  	_ =	shalt  }

</sc_bundles>
